<compile_context>
chip_gen: v7x
topology: tpu7x:2x2x1
jax: 0.10.2.dev20260603
libtpu: 0.0.44.dev20260713+nightly
codegen_flags: <defaults>
</compile_context>

<pallas_src>
import jax
import jax.numpy as jnp
from jax import lax
from jax.experimental import pallas as pl
from jax.experimental.pallas import tpu as pltpu
from jax.experimental.pallas import tpu_sc as plsc

N = 10000
E = 320000
F = 128
OC = 128
OS = 64

NC = 2
NS = 16
NW = NC * NS
NP = 10240
SL = NP // NS
EDEG = E // NS
EW_ = E // NW
C = 80
NCH = EW_ // C
L = 16

_MAGIC = 0x5F3759DF


def _rsqrt16(v):
    i = plsc.bitcast(v, jnp.int32)
    y = plsc.bitcast(jnp.int32(_MAGIC) - (i >> 1), jnp.float32)
    for _ in range(3):
        y = y * (1.5 - 0.5 * v * y * y)
    return y


PKW = 3 * C
NCHA = EDEG // C
AB = 5


def _sc_body(x_hbm, pk_hbm, agg_hbm, dis_hbm,
             rows0, rows1, pkd0, pkd1, pka0, pka1, dstc0, dstc1,
             ewc, normb, acc, disloc,
             degsh, dissh, aggsh,
             sempk0, sempk1, sempka0, sempka1, semg0, semg1):
    cid = lax.axis_index("c")
    sid = lax.axis_index("s")
    wid = sid * NC + cid
    zero16 = jnp.zeros((L,), jnp.float32)

    pkslot = (pkd0, pkd1)
    pkaslot = (pka0, pka1)
    rowslot = (rows0, rows1)
    dstslot = (dstc0, dstc1)
    sempk = (sempk0, sempk1)
    sempka = (sempka0, sempka1)
    semg = (semg0, semg1)

    def pk_at(gc, nch=1):
        return pk_hbm.at[pl.ds(gc * PKW, nch * PKW)]

    def zrow(i, _):
        for k in range(F // L):
            rows0[i, pl.ds(k * L, L)] = zero16
        return 0
    lax.fori_loop(0, C, zrow, 0)

    def zacc(i, _):
        acc[pl.ds(i * L, L)] = zero16
        return 0
    lax.fori_loop(0, SL // L, zacc, 0)

    pltpu.sync_copy(acc, degsh.at[pl.ds(sid * SL, SL)])
    for j in range(SL // C):
        pltpu.sync_copy(rows0, aggsh.at[pl.ds(sid * SL + j * C, C), :])
    plsc.subcore_barrier()

    gc0 = sid * NCHA
    pltpu.async_copy(pk_at(gc0, AB), pka0, sempka0)
    pltpu.async_copy(pk_at(gc0 + AB, AB), pka1, sempka1)

    def dbody(i, _):
        for b in range(2):
            t = i * 2 + b
            pltpu.make_async_copy(
                pk_at(gc0 + t * AB, AB), pkaslot[b], sempka[b]).wait()
            for sub in range(AB):
                for k in range(C // L):
                    dstc0[pl.ds(k * L, L)] = (
                        pkaslot[b][pl.ds(sub * PKW + C + k * L, L)])
                    ewc[pl.ds(k * L, L)] = plsc.bitcast(
                        pkaslot[b][pl.ds(sub * PKW + 2 * C + k * L, L)],
                        jnp.float32)
                pltpu.sync_copy(ewc, degsh.at[dstc0], add=True)

            @pl.when(t + 2 < NCHA // AB)
            def _():
                pltpu.async_copy(
                    pk_at(gc0 + (t + 2) * AB, AB), pkaslot[b], sempka[b])
        return 0
    lax.fori_loop(0, NCHA // AB // 2, dbody, 0)
    plsc.subcore_barrier()

    pltpu.sync_copy(degsh.at[pl.ds(sid * SL, SL)], acc)

    def dstep(j, _):
        v = acc[pl.ds(j * L, L)] + 1.0
        acc[pl.ds(j * L, L)] = _rsqrt16(v)
        return 0
    lax.fori_loop(0, SL // L, dstep, 0)

    pltpu.sync_copy(acc, dissh.at[pl.ds(sid * SL, SL)])

    @pl.when(cid == 0)
    def _():
        pltpu.sync_copy(acc, dis_hbm.at[pl.ds(sid * SL, SL)])

    plsc.subcore_barrier()
    pltpu.sync_copy(dissh, disloc)

    cb0 = wid * NCH

    def norm_scale(b):
        pkd_b, rows_b, dstc_b = pkslot[b], rowslot[b], dstslot[b]
        for q in range(C // L):
            s16 = pkd_b[pl.ds(q * L, L)]
            d16 = pkd_b[pl.ds(C + q * L, L)]
            w16 = plsc.bitcast(pkd_b[pl.ds(2 * C + q * L, L)], jnp.float32)
            dis_s = plsc.load_gather(disloc, [s16])
            dis_d = plsc.load_gather(disloc, [d16])
            normb[pl.ds(q * L, L)] = dis_s * w16 * dis_d
            dstc_b[pl.ds(q * L, L)] = d16

        def scale(e, _):
            splat = plsc.load_gather(normb, [jnp.full((L,), e, jnp.int32)])
            for k in range(F // L):
                rows_b[e, pl.ds(k * L, L)] = rows_b[e, pl.ds(k * L, L)] * splat
            return 0
        lax.fori_loop(0, C, scale, 0)

    pltpu.async_copy(pk_at(cb0), pkd0, sempk0)
    pltpu.async_copy(pk_at(cb0 + 1), pkd1, sempk1)
    pltpu.make_async_copy(pk_at(cb0), pkd0, sempk0).wait()
    pltpu.async_copy(x_hbm.at[pkd0.at[pl.ds(0, C)]], rows0, semg0)

    def cbody(i, _):
        for b in range(2):
            o = 1 - b
            g = i * 2 + b
            pltpu.make_async_copy(
                x_hbm.at[pkslot[b].at[pl.ds(0, C)]], rowslot[b], semg[b]).wait()
            pltpu.make_async_copy(pk_at(cb0 + g + 1), pkslot[o], sempk[o]).wait()
            pltpu.async_copy(x_hbm.at[pkslot[o].at[pl.ds(0, C)]],
                             rowslot[o], semg[o])
            norm_scale(b)
            pltpu.sync_copy(rowslot[b], aggsh.at[dstslot[b]], add=True)
            if b == 0:
                pltpu.async_copy(pk_at(cb0 + g + 2), pkslot[b], sempk[b])
            else:
                @pl.when(g + 2 < NCH)
                def _():
                    pltpu.async_copy(pk_at(cb0 + g + 2), pkslot[b], sempk[b])
        return 0
    lax.fori_loop(0, NCH // 2, cbody, 0)

    pltpu.make_async_copy(
        x_hbm.at[pkd0.at[pl.ds(0, C)]], rows0, semg0).wait()
    norm_scale(0)
    pltpu.sync_copy(rows0, aggsh.at[dstc0], add=True)

    plsc.subcore_barrier()
    pltpu.sync_copy(aggsh.at[pl.ds(sid * SL, SL), :],
                    agg_hbm.at[cid, pl.ds(sid * SL, SL), :])


@jax.jit
def _sc_aggregate(x, pk):
    return pl.kernel(
        _sc_body,
        out_type=[
            jax.ShapeDtypeStruct((NC, NP, F), jnp.float32),
            jax.ShapeDtypeStruct((NP,), jnp.float32),
        ],
        mesh=plsc.VectorSubcoreMesh(core_axis_name="c", subcore_axis_name="s"),
        compiler_params=pltpu.CompilerParams(needs_layout_passes=False),
        scratch_types=(
            [pltpu.VMEM((C, F), jnp.float32)] * 2
            + [pltpu.VMEM((PKW,), jnp.int32)] * 2
            + [pltpu.VMEM((AB * PKW,), jnp.int32)] * 2
            + [pltpu.VMEM((C,), jnp.int32)] * 2
            + [
                pltpu.VMEM((C,), jnp.float32),
                pltpu.VMEM((C,), jnp.float32),
                pltpu.VMEM((SL,), jnp.float32),
                pltpu.VMEM((NP,), jnp.float32),
                pltpu.VMEM_SHARED((NP,), jnp.float32),
                pltpu.VMEM_SHARED((NP,), jnp.float32),
                pltpu.VMEM_SHARED((NP, F), jnp.float32),
            ]
            + [pltpu.SemaphoreType.DMA] * 6
        ),
    )(x, pk)


BR = 400


def _tc_body(agg_ref, x_ref, dis_ref, wz_ref, bz_ref, lzt_ref, lzb_ref,
             wh_ref, bh_ref, lht_ref, lhb_ref, lint_ref, linb_ref, out_ref):
    dis = dis_ref[:]
    d2 = dis * dis
    a = agg_ref[0] + agg_ref[1] + x_ref[:] * d2
    tz = jnp.dot(a, wz_ref[:], preferred_element_type=jnp.float32) + bz_ref[:]
    z = jax.nn.sigmoid(
        jnp.dot(tz, lzt_ref[:], preferred_element_type=jnp.float32) + lzb_ref[:])
    th = jnp.dot(a, wh_ref[:], preferred_element_type=jnp.float32) + bh_ref[:]
    ht = jnp.tanh(
        jnp.dot(th, lht_ref[:], preferred_element_type=jnp.float32) + lhb_ref[:])
    h = jax.nn.relu((1.0 - z) * ht)
    out_ref[:, :] = (
        jnp.dot(h, lint_ref[:], preferred_element_type=jnp.float32) + linb_ref[:])


@jax.jit
def _tc_dense(agg, xp, dis, Wz, bz, LzT, Lz_b, Wh, bh, LhT, Lh_b, linT, lin_b):
    full = lambda shp: pl.BlockSpec(shp, lambda i: tuple(0 for _ in shp))
    return pl.pallas_call(
        _tc_body,
        grid=(N // BR,),
        in_specs=[
            pl.BlockSpec((NC, BR, F), lambda i: (0, i, 0)),
            pl.BlockSpec((BR, F), lambda i: (i, 0)),
            pl.BlockSpec((BR, 1), lambda i: (i, 0)),
            full((F, OC)), full((OC,)), full((OC, OC)), full((OC,)),
            full((F, OC)), full((OC,)), full((OC, OC)), full((OC,)),
            full((OC, OS)), full((OS,)),
        ],
        out_specs=pl.BlockSpec((BR, OS), lambda i: (i, 0)),
        out_shape=jax.ShapeDtypeStruct((N, OS), jnp.float32),
    )(agg, xp, dis, Wz, bz, LzT, Lz_b, Wh, bh, LhT, Lh_b, linT, lin_b)


def kernel(x, edge_index, edge_weight, Wz, bz, Lz_w, Lz_b, Wr, br, Lr_w, Lr_b,
           Wh, bh, Lh_w, Lh_b, att, lin_w, lin_b):
    src = edge_index[0]
    dst = edge_index[1]
    ew32 = jax.lax.bitcast_convert_type(edge_weight, jnp.int32)
    pk = jnp.stack([src.reshape(E // C, C), dst.reshape(E // C, C),
                    ew32.reshape(E // C, C)], axis=1).reshape(-1)
    agg, dis = _sc_aggregate(x, pk)
    return _tc_dense(agg, x, dis.reshape(NP, 1),
                     Wz, bz, Lz_w[:, :OC].T, Lz_b,
                     Wh, bh, Lh_w[:, :OC].T, Lh_b,
                     lin_w.T, lin_b)

# --- scband reference (transcript-rebuilt; emitter-appended) ---
"""Pipeline reference for scband-a3-tgcnet-16338055594469 (READ-ONLY COPY).

The authoritative reference and input builder live on the scoring server;
editing this copy changes nothing except your own understanding.
"""

import jax, jax.numpy as jnp
import numpy as np

N = 10000
E = 320000
F = 128
OC = 128
OS = 64
P = 1


def setup_inputs(seed: int = 0) -> dict:
    key = jax.random.key(seed)
    ks = jax.random.split(key, 20)
    inp = {}
    inp["x"] = jax.random.normal(ks[0], (N, F), dtype=jnp.float32)
    inp["edge_index"] = jax.random.randint(ks[1], (2, E), 0, N, dtype=jnp.int32)
    inp["edge_weight"] = jax.random.uniform(ks[2], (E,), dtype=jnp.float32)
    s = 0.05
    # TGCN gate params: GCNConv weight [F, OC] + bias [OC], Linear weight [OC, 2*OC] + bias [OC]
    inp["Wz"] = jax.random.normal(ks[3], (F, OC), dtype=jnp.float32) * s
    inp["bz"] = jnp.zeros((OC,), jnp.float32)
    inp["Lz_w"] = jax.random.normal(ks[4], (OC, 2 * OC), dtype=jnp.float32) * s
    inp["Lz_b"] = jnp.zeros((OC,), jnp.float32)
    inp["Wr"] = jax.random.normal(ks[5], (F, OC), dtype=jnp.float32) * s
    inp["br"] = jnp.zeros((OC,), jnp.float32)
    inp["Lr_w"] = jax.random.normal(ks[6], (OC, 2 * OC), dtype=jnp.float32) * s
    inp["Lr_b"] = jnp.zeros((OC,), jnp.float32)
    inp["Wh"] = jax.random.normal(ks[7], (F, OC), dtype=jnp.float32) * s
    inp["bh"] = jnp.zeros((OC,), jnp.float32)
    inp["Lh_w"] = jax.random.normal(ks[8], (OC, 2 * OC), dtype=jnp.float32) * s
    inp["Lh_b"] = jnp.zeros((OC,), jnp.float32)
    inp["att"] = jax.random.uniform(ks[9], (P,), dtype=jnp.float32)
    inp["lin_w"] = jax.random.normal(ks[10], (OS, OC), dtype=jnp.float32) * s
    inp["lin_b"] = jnp.zeros((OS,), jnp.float32)
    return inp


def gcn_conv(x, src, dst, ew, W, b):
    # PyG GCNConv with add_self_loops=True, improved=False (fill_value=1.0)
    n = x.shape[0]
    loop = jnp.arange(n, dtype=src.dtype)
    s = jnp.concatenate([src, loop])
    d = jnp.concatenate([dst, loop])
    w = jnp.concatenate([ew, jnp.ones((n,), ew.dtype)])
    deg = jnp.zeros((n,), ew.dtype).at[d].add(w)
    deg_safe = jnp.where(deg > 0, deg, 1.0)
    dis = deg_safe ** -0.5
    dis = jnp.where(deg > 0, dis, 0.0)
    norm = dis[s] * w * dis[d]
    xw = x @ W
    out = jnp.zeros((n, W.shape[1]), xw.dtype).at[d].add(xw[s] * norm[:, None])
    return out + b


def reference(x, edge_index, edge_weight, Wz, bz, Lz_w, Lz_b, Wr, br, Lr_w, Lr_b, Wh, bh, Lh_w, Lh_b, att, lin_w, lin_b):
    src, dst = edge_index[0], edge_index[1]
    n = x.shape[0]
    X = x.reshape(n, x.shape[1], 1)  # view(x.shape[0], x.shape[1], 1)
    H = jnp.zeros((n, OC), jnp.float32)
    probs = jax.nn.softmax(att, axis=0)
    H_accum = jnp.zeros((n, OC), jnp.float32)
    for p in range(P):
        Xp = X[:, :, p]
        Z = jax.nn.sigmoid(jnp.concatenate([gcn_conv(Xp, src, dst, edge_weight, Wz, bz), H], axis=1) @ Lz_w.T + Lz_b)
        R = jax.nn.sigmoid(jnp.concatenate([gcn_conv(Xp, src, dst, edge_weight, Wr, br), H], axis=1) @ Lr_w.T + Lr_b)
        Ht = jnp.tanh(jnp.concatenate([gcn_conv(Xp, src, dst, edge_weight, Wh, bh), R * H], axis=1) @ Lh_w.T + Lh_b)
        Hn = Z * H + (1.0 - Z) * Ht
        H_accum = H_accum + probs[p] * Hn
    h = jax.nn.relu(H_accum)
    return h @ lin_w.T + lin_b

if __name__ == "__main__":
    import jax
    _d = setup_inputs()
    print(jax.jit(kernel)(*tuple(_d.values())))

</pallas_src>

<mosaic_0001>
#map = affine_map<(d0, d1) -> (0, 0)>
#map1 = affine_map<(d0, d1) -> (0)>
#map2 = affine_map<(d0, d1) -> (0, 0, 0)>
module attributes {stable_mosaic.version = 14 : i64} {
  func.func @_sc_body(%arg0: i32, %arg1: i32, %arg2: memref<10000x128xf32, #tpu.memory_space<hbm>>, %arg3: memref<960000xi32, #tpu.memory_space<hbm>>, %arg4: memref<2x10240x128xf32, #tpu.memory_space<hbm>>, %arg5: memref<10240xf32, #tpu.memory_space<hbm>>, %arg6: memref<80x128xf32, #tpu.memory_space<vmem>>, %arg7: memref<80x128xf32, #tpu.memory_space<vmem>>, %arg8: memref<240xi32, #tpu.memory_space<vmem>>, %arg9: memref<240xi32, #tpu.memory_space<vmem>>, %arg10: memref<1200xi32, #tpu.memory_space<vmem>>, %arg11: memref<1200xi32, #tpu.memory_space<vmem>>, %arg12: memref<80xi32, #tpu.memory_space<vmem>>, %arg13: memref<80xi32, #tpu.memory_space<vmem>>, %arg14: memref<80xf32, #tpu.memory_space<vmem>>, %arg15: memref<80xf32, #tpu.memory_space<vmem>>, %arg16: memref<640xf32, #tpu.memory_space<vmem>>, %arg17: memref<10240xf32, #tpu.memory_space<vmem>>, %arg18: memref<10240xf32, #tpu.memory_space<vmem_shared>>, %arg19: memref<10240xf32, #tpu.memory_space<vmem_shared>>, %arg20: memref<10240x128xf32, #tpu.memory_space<vmem_shared>>, %arg21: memref<!tpu.dma_semaphore, #tpu.memory_space<semaphore_mem>>, %arg22: memref<!tpu.dma_semaphore, #tpu.memory_space<semaphore_mem>>, %arg23: memref<!tpu.dma_semaphore, #tpu.memory_space<semaphore_mem>>, %arg24: memref<!tpu.dma_semaphore, #tpu.memory_space<semaphore_mem>>, %arg25: memref<!tpu.dma_semaphore, #tpu.memory_space<semaphore_mem>>, %arg26: memref<!tpu.dma_semaphore, #tpu.memory_space<semaphore_mem>>) attributes {dimension_semantics = [#tpu.dimension_semantics<core_parallel>, #tpu.dimension_semantics<subcore_parallel>], iteration_bounds = array<i64: 2, 16>, scalar_prefetch = 0 : i64, scratch_operands = 21 : i64, tpu.core_type = #tpu.core_type<sc_vector_subcore>, window_params = [{transform_indices = #map}, {transform_indices = #map1}, {transform_indices = #map2}, {transform_indices = #map1}]} {
    %mul3A = arith.constant 2 : i32
    %mul3A_0 = arith.muli %arg1, %mul3A : i32
    %add3A = arith.addi %mul3A_0, %arg0 : i32
    %broadcast_in_dim3A = arith.constant 0.000000e+00 : f32
    %broadcast_in_dim3A_1 = vector.broadcast %broadcast_in_dim3A : f32 to vector<16xf32>
    %scan3A = arith.constant 0 : i32
    %scan3A_2 = arith.constant 0 : i32
    %scan3A_3 = arith.constant 80 : i32
    %scan3A_4 = arith.addi %scan3A_2, %scan3A_3 : i32
    %scan3A_5 = arith.constant 1 : i32
    %scan3A_6 = scf.for %scan3A_197 = %scan3A_2 to %scan3A_4 step %scan3A_5 iter_args(%scan3A_198 = %scan3A) -> (i32)  : i32 {
      %swap3A_199 = arith.index_cast %scan3A_197 : i32 to index
      %swap3A_200 = arith.constant 0 : index
      %swap3A_201 = tpu.vector_load %arg6[%swap3A_199, %swap3A_200] {strides = array<i32>} : memref<80x128xf32, #tpu.memory_space<vmem>>, vector<16xf32>,
      tpu.vector_store %arg6[%swap3A_199, %swap3A_200], %broadcast_in_dim3A_1 {strides = array<i32>} : memref<80x128xf32, #tpu.memory_space<vmem>>, vector<16xf32>,
      %swap3A_202 = arith.index_cast %scan3A_197 : i32 to index
      %swap3A_203 = arith.constant 16 : index
      %swap3A_204 = tpu.vector_load %arg6[%swap3A_202, %swap3A_203] {strides = array<i32>} : memref<80x128xf32, #tpu.memory_space<vmem>>, vector<16xf32>,
      tpu.vector_store %arg6[%swap3A_202, %swap3A_203], %broadcast_in_dim3A_1 {strides = array<i32>} : memref<80x128xf32, #tpu.memory_space<vmem>>, vector<16xf32>,
      %swap3A_205 = arith.index_cast %scan3A_197 : i32 to index
      %swap3A_206 = arith.constant 32 : index
      %swap3A_207 = tpu.vector_load %arg6[%swap3A_205, %swap3A_206] {strides = array<i32>} : memref<80x128xf32, #tpu.memory_space<vmem>>, vector<16xf32>,
      tpu.vector_store %arg6[%swap3A_205, %swap3A_206], %broadcast_in_dim3A_1 {strides = array<i32>} : memref<80x128xf32, #tpu.memory_space<vmem>>, vector<16xf32>,
      %swap3A_208 = arith.index_cast %scan3A_197 : i32 to index
      %swap3A_209 = arith.constant 48 : index
      %swap3A_210 = tpu.vector_load %arg6[%swap3A_208, %swap3A_209] {strides = array<i32>} : memref<80x128xf32, #tpu.memory_space<vmem>>, vector<16xf32>,
      tpu.vector_store %arg6[%swap3A_208, %swap3A_209], %broadcast_in_dim3A_1 {strides = array<i32>} : memref<80x128xf32, #tpu.memory_space<vmem>>, vector<16xf32>,
      %swap3A_211 = arith.index_cast %scan3A_197 : i32 to index
      %swap3A_212 = arith.constant 64 : index
      %swap3A_213 = tpu.vector_load %arg6[%swap3A_211, %swap3A_212] {strides = array<i32>} : memref<80x128xf32, #tpu.memory_space<vmem>>, vector<16xf32>,
      tpu.vector_store %arg6[%swap3A_211, %swap3A_212], %broadcast_in_dim3A_1 {strides = array<i32>} : memref<80x128xf32, #tpu.memory_space<vmem>>, vector<16xf32>,
      %swap3A_214 = arith.index_cast %scan3A_197 : i32 to index
      %swap3A_215 = arith.constant 80 : index
      %swap3A_216 = tpu.vector_load %arg6[%swap3A_214, %swap3A_215] {strides = array<i32>} : memref<80x128xf32, #tpu.memory_space<vmem>>, vector<16xf32>,
      tpu.vector_store %arg6[%swap3A_214, %swap3A_215], %broadcast_in_dim3A_1 {strides = array<i32>} : memref<80x128xf32, #tpu.memory_space<vmem>>, vector<16xf32>,
      %swap3A_217 = arith.index_cast %scan3A_197 : i32 to index
      %swap3A_218 = arith.constant 96 : index
      %swap3A_219 = tpu.vector_load %arg6[%swap3A_217, %swap3A_218] {strides = array<i32>} : memref<80x128xf32, #tpu.memory_space<vmem>>, vector<16xf32>,
      tpu.vector_store %arg6[%swap3A_217, %swap3A_218], %broadcast_in_dim3A_1 {strides = array<i32>} : memref<80x128xf32, #tpu.memory_space<vmem>>, vector<16xf32>,
      %swap3A_220 = arith.index_cast %scan3A_197 : i32 to index
      %swap3A_221 = arith.constant 112 : index
      %swap3A_222 = tpu.vector_load %arg6[%swap3A_220, %swap3A_221] {strides = array<i32>} : memref<80x128xf32, #tpu.memory_space<vmem>>, vector<16xf32>,
      tpu.vector_store %arg6[%swap3A_220, %swap3A_221], %broadcast_in_dim3A_1 {strides = array<i32>} : memref<80x128xf32, #tpu.memory_space<vmem>>, vector<16xf32>,
      %scan3A_223 = arith.constant 0 : i32
      scf.yield %scan3A_223 : i32
    }
    %scan3A_7 = arith.constant 80 : i32
    %scan3A_8 = arith.constant 0 : i32
    %scan3A_9 = arith.constant 0 : i32
    %scan3A_10 = arith.constant 40 : i32
    %scan3A_11 = arith.addi %scan3A_9, %scan3A_10 : i32
    %scan3A_12 = arith.constant 1 : i32
    %scan3A_13 = scf.for %scan3A_197 = %scan3A_9 to %scan3A_11 step %scan3A_12 iter_args(%scan3A_198 = %scan3A_8) -> (i32)  : i32 {
      %mul3A_199 = arith.constant 16 : i32
      %mul3A_200 = arith.muli %scan3A_197, %mul3A_199 : i32
      %swap3A_201 = arith.index_cast %mul3A_200 : i32 to index
      %swap3A_202 = tpu.vector_load %arg16[%swap3A_201] {strides = array<i32>} : memref<640xf32, #tpu.memory_space<vmem>>, vector<16xf32>,
      tpu.vector_store %arg16[%swap3A_201], %broadcast_in_dim3A_1 {strides = array<i32>} : memref<640xf32, #tpu.memory_space<vmem>>, vector<16xf32>,
      %scan3A_203 = arith.constant 0 : i32
      scf.yield %scan3A_203 : i32
    }
    %scan3A_14 = arith.constant 40 : i32
    %mul3A_15 = arith.constant 640 : i32
    %mul3A_16 = arith.muli %arg1, %mul3A_15 : i32
    "tpu.region"() ({
      %run_scoped3A = tpu.sem_alloc : memref<!tpu.dma_semaphore, #tpu.memory_space<semaphore_mem>>
      %dma_start3A_197 = tpu.memref_slice %arg18[%mul3A_16] : memref<10240xf32, #tpu.memory_space<vmem_shared>> -> memref<640xf32, #tpu.memory_space<vmem_shared>>
      %dma_start3A_198 = tpu.memref_slice %arg18[%mul3A_16] : memref<10240xf32, #tpu.memory_space<vmem_shared>> -> memref<640xf32, #tpu.memory_space<vmem_shared>>
      tpu.enqueue_dma source(%arg16 : memref<640xf32, #tpu.memory_space<vmem>>) target(%dma_start3A_198 : memref<640xf32, #tpu.memory_space<vmem_shared>>) target_semaphore(%run_scoped3A : memref<!tpu.dma_semaphore, #tpu.memory_space<semaphore_mem>>)
      %dma_wait3A_199 = tpu.memref_slice %arg18[%mul3A_16] : memref<10240xf32, #tpu.memory_space<vmem_shared>> -> memref<640xf32, #tpu.memory_space<vmem_shared>>
      %dma_wait3A_200 = tpu.memref_slice %arg18[%mul3A_16] : memref<10240xf32, #tpu.memory_space<vmem_shared>> -> memref<640xf32, #tpu.memory_space<vmem_shared>>
      tpu.wait_dma2 semaphore(%run_scoped3A : memref<!tpu.dma_semaphore, #tpu.memory_space<semaphore_mem>>) src(%arg16 : memref<640xf32, #tpu.memory_space<vmem>>) dst(%dma_wait3A_200 : memref<640xf32, #tpu.memory_space<vmem_shared>>)
      tpu.yield
    }) : () -> ()
    %mul3A_17 = arith.constant 640 : i32
    %mul3A_18 = arith.muli %arg1, %mul3A_17 : i32
    %add3A_19 = arith.constant 0 : i32
    %add3A_20 = arith.addi %mul3A_18, %add3A_19 : i32
    "tpu.region"() ({
      %run_scoped3A = tpu.sem_alloc : memref<!tpu.dma_semaphore, #tpu.memory_space<semaphore_mem>>
      %dma_start3A_197 = arith.constant 0 : i32
      %dma_start3A_198 = tpu.memref_slice %arg20[%add3A_20, %dma_start3A_197] : memref<10240x128xf32, #tpu.memory_space<vmem_shared>> -> memref<80x128xf32, #tpu.memory_space<vmem_shared>>
      %dma_start3A_199 = arith.constant 0 : i32
      %dma_start3A_200 = tpu.memref_slice %arg20[%add3A_20, %dma_start3A_199] : memref<10240x128xf32, #tpu.memory_space<vmem_shared>> -> memref<80x128xf32, #tpu.memory_space<vmem_shared>>
      tpu.enqueue_dma source(%arg6 : memref<80x128xf32, #tpu.memory_space<vmem>>) target(%dma_start3A_200 : memref<80x128xf32, #tpu.memory_space<vmem_shared>>) target_semaphore(%run_scoped3A : memref<!tpu.dma_semaphore, #tpu.memory_space<semaphore_mem>>)
      %dma_wait3A_201 = arith.constant 0 : i32
      %dma_wait3A_202 = tpu.memref_slice %arg20[%add3A_20, %dma_wait3A_201] : memref<10240x128xf32, #tpu.memory_space<vmem_shared>> -> memref<80x128xf32, #tpu.memory_space<vmem_shared>>
      %dma_wait3A_203 = arith.constant 0 : i32
      %dma_wait3A_204 = tpu.memref_slice %arg20[%add3A_20, %dma_wait3A_203] : memref<10240x128xf32, #tpu.memory_space<vmem_shared>> -> memref<80x128xf32, #tpu.memory_space<vmem_shared>>
      tpu.wait_dma2 semaphore(%run_scoped3A : memref<!tpu.dma_semaphore, #tpu.memory_space<semaphore_mem>>) src(%arg6 : memref<80x128xf32, #tpu.memory_space<vmem>>) dst(%dma_wait3A_204 : memref<80x128xf32, #tpu.memory_space<vmem_shared>>)
      tpu.yield
    }) : () -> ()
    %mul3A_21 = arith.constant 640 : i32
    %mul3A_22 = arith.muli %arg1, %mul3A_21 : i32
    %add3A_23 = arith.constant 80 : i32
    %add3A_24 = arith.addi %mul3A_22, %add3A_23 : i32
    "tpu.region"() ({
      %run_scoped3A = tpu.sem_alloc : memref<!tpu.dma_semaphore, #tpu.memory_space<semaphore_mem>>
      %dma_start3A_197 = arith.constant 0 : i32
      %dma_start3A_198 = tpu.memref_slice %arg20[%add3A_24, %dma_start3A_197] : memref<10240x128xf32, #tpu.memory_space<vmem_shared>> -> memref<80x128xf32, #tpu.memory_space<vmem_shared>>
      %dma_start3A_199 = arith.constant 0 : i32
      %dma_start3A_200 = tpu.memref_slice %arg20[%add3A_24, %dma_start3A_199] : memref<10240x128xf32, #tpu.memory_space<vmem_shared>> -> memref<80x128xf32, #tpu.memory_space<vmem_shared>>
      tpu.enqueue_dma source(%arg6 : memref<80x128xf32, #tpu.memory_space<vmem>>) target(%dma_start3A_200 : memref<80x128xf32, #tpu.memory_space<vmem_shared>>) target_semaphore(%run_scoped3A : memref<!tpu.dma_semaphore, #tpu.memory_space<semaphore_mem>>)
      %dma_wait3A_201 = arith.constant 0 : i32
      %dma_wait3A_202 = tpu.memref_slice %arg20[%add3A_24, %dma_wait3A_201] : memref<10240x128xf32, #tpu.memory_space<vmem_shared>> -> memref<80x128xf32, #tpu.memory_space<vmem_shared>>
      %dma_wait3A_203 = arith.constant 0 : i32
      %dma_wait3A_204 = tpu.memref_slice %arg20[%add3A_24, %dma_wait3A_203] : memref<10240x128xf32, #tpu.memory_space<vmem_shared>> -> memref<80x128xf32, #tpu.memory_space<vmem_shared>>
      tpu.wait_dma2 semaphore(%run_scoped3A : memref<!tpu.dma_semaphore, #tpu.memory_space<semaphore_mem>>) src(%arg6 : memref<80x128xf32, #tpu.memory_space<vmem>>) dst(%dma_wait3A_204 : memref<80x128xf32, #tpu.memory_space<vmem_shared>>)
      tpu.yield
    }) : () -> ()
    %mul3A_25 = arith.constant 640 : i32
    %mul3A_26 = arith.muli %arg1, %mul3A_25 : i32
    %add3A_27 = arith.constant 160 : i32
    %add3A_28 = arith.addi %mul3A_26, %add3A_27 : i32
    "tpu.region"() ({
      %run_scoped3A = tpu.sem_alloc : memref<!tpu.dma_semaphore, #tpu.memory_space<semaphore_mem>>
      %dma_start3A_197 = arith.constant 0 : i32
      %dma_start3A_198 = tpu.memref_slice %arg20[%add3A_28, %dma_start3A_197] : memref<10240x128xf32, #tpu.memory_space<vmem_shared>> -> memref<80x128xf32, #tpu.memory_space<vmem_shared>>
      %dma_start3A_199 = arith.constant 0 : i32
      %dma_start3A_200 = tpu.memref_slice %arg20[%add3A_28, %dma_start3A_199] : memref<10240x128xf32, #tpu.memory_space<vmem_shared>> -> memref<80x128xf32, #tpu.memory_space<vmem_shared>>
      tpu.enqueue_dma source(%arg6 : memref<80x128xf32, #tpu.memory_space<vmem>>) target(%dma_start3A_200 : memref<80x128xf32, #tpu.memory_space<vmem_shared>>) target_semaphore(%run_scoped3A : memref<!tpu.dma_semaphore, #tpu.memory_space<semaphore_mem>>)
      %dma_wait3A_201 = arith.constant 0 : i32
      %dma_wait3A_202 = tpu.memref_slice %arg20[%add3A_28, %dma_wait3A_201] : memref<10240x128xf32, #tpu.memory_space<vmem_shared>> -> memref<80x128xf32, #tpu.memory_space<vmem_shared>>
      %dma_wait3A_203 = arith.constant 0 : i32
      %dma_wait3A_204 = tpu.memref_slice %arg20[%add3A_28, %dma_wait3A_203] : memref<10240x128xf32, #tpu.memory_space<vmem_shared>> -> memref<80x128xf32, #tpu.memory_space<vmem_shared>>
      tpu.wait_dma2 semaphore(%run_scoped3A : memref<!tpu.dma_semaphore, #tpu.memory_space<semaphore_mem>>) src(%arg6 : memref<80x128xf32, #tpu.memory_space<vmem>>) dst(%dma_wait3A_204 : memref<80x128xf32, #tpu.memory_space<vmem_shared>>)
      tpu.yield
    }) : () -> ()
    %mul3A_29 = arith.constant 640 : i32
    %mul3A_30 = arith.muli %arg1, %mul3A_29 : i32
    %add3A_31 = arith.constant 240 : i32
    %add3A_32 = arith.addi %mul3A_30, %add3A_31 : i32
    "tpu.region"() ({
      %run_scoped3A = tpu.sem_alloc : memref<!tpu.dma_semaphore, #tpu.memory_space<semaphore_mem>>
      %dma_start3A_197 = arith.constant 0 : i32
      %dma_start3A_198 = tpu.memref_slice %arg20[%add3A_32, %dma_start3A_197] : memref<10240x128xf32, #tpu.memory_space<vmem_shared>> -> memref<80x128xf32, #tpu.memory_space<vmem_shared>>
      %dma_start3A_199 = arith.constant 0 : i32
      %dma_start3A_200 = tpu.memref_slice %arg20[%add3A_32, %dma_start3A_199] : memref<10240x128xf32, #tpu.memory_space<vmem_shared>> -> memref<80x128xf32, #tpu.memory_space<vmem_shared>>
      tpu.enqueue_dma source(%arg6 : memref<80x128xf32, #tpu.memory_space<vmem>>) target(%dma_start3A_200 : memref<80x128xf32, #tpu.memory_space<vmem_shared>>) target_semaphore(%run_scoped3A : memref<!tpu.dma_semaphore, #tpu.memory_space<semaphore_mem>>)
      %dma_wait3A_201 = arith.constant 0 : i32
      %dma_wait3A_202 = tpu.memref_slice %arg20[%add3A_32, %dma_wait3A_201] : memref<10240x128xf32, #tpu.memory_space<vmem_shared>> -> memref<80x128xf32, #tpu.memory_space<vmem_shared>>
      %dma_wait3A_203 = arith.constant 0 : i32
      %dma_wait3A_204 = tpu.memref_slice %arg20[%add3A_32, %dma_wait3A_203] : memref<10240x128xf32, #tpu.memory_space<vmem_shared>> -> memref<80x128xf32, #tpu.memory_space<vmem_shared>>
      tpu.wait_dma2 semaphore(%run_scoped3A : memref<!tpu.dma_semaphore, #tpu.memory_space<semaphore_mem>>) src(%arg6 : memref<80x128xf32, #tpu.memory_space<vmem>>) dst(%dma_wait3A_204 : memref<80x128xf32, #tpu.memory_space<vmem_shared>>)
      tpu.yield
    }) : () -> ()
    %mul3A_33 = arith.constant 640 : i32
    %mul3A_34 = arith.muli %arg1, %mul3A_33 : i32
    %add3A_35 = arith.constant 320 : i32
    %add3A_36 = arith.addi %mul3A_34, %add3A_35 : i32
    "tpu.region"() ({
      %run_scoped3A = tpu.sem_alloc : memref<!tpu.dma_semaphore, #tpu.memory_space<semaphore_mem>>
      %dma_start3A_197 = arith.constant 0 : i32
      %dma_start3A_198 = tpu.memref_slice %arg20[%add3A_36, %dma_start3A_197] : memref<10240x128xf32, #tpu.memory_space<vmem_shared>> -> memref<80x128xf32, #tpu.memory_space<vmem_shared>>
      %dma_start3A_199 = arith.constant 0 : i32
      %dma_start3A_200 = tpu.memref_slice %arg20[%add3A_36, %dma_start3A_199] : memref<10240x128xf32, #tpu.memory_space<vmem_shared>> -> memref<80x128xf32, #tpu.memory_space<vmem_shared>>
      tpu.enqueue_dma source(%arg6 : memref<80x128xf32, #tpu.memory_space<vmem>>) target(%dma_start3A_200 : memref<80x128xf32, #tpu.memory_space<vmem_shared>>) target_semaphore(%run_scoped3A : memref<!tpu.dma_semaphore, #tpu.memory_space<semaphore_mem>>)
      %dma_wait3A_201 = arith.constant 0 : i32
      %dma_wait3A_202 = tpu.memref_slice %arg20[%add3A_36, %dma_wait3A_201] : memref<10240x128xf32, #tpu.memory_space<vmem_shared>> -> memref<80x128xf32, #tpu.memory_space<vmem_shared>>
      %dma_wait3A_203 = arith.constant 0 : i32
      %dma_wait3A_204 = tpu.memref_slice %arg20[%add3A_36, %dma_wait3A_203] : memref<10240x128xf32, #tpu.memory_space<vmem_shared>> -> memref<80x128xf32, #tpu.memory_space<vmem_shared>>
      tpu.wait_dma2 semaphore(%run_scoped3A : memref<!tpu.dma_semaphore, #tpu.memory_space<semaphore_mem>>) src(%arg6 : memref<80x128xf32, #tpu.memory_space<vmem>>) dst(%dma_wait3A_204 : memref<80x128xf32, #tpu.memory_space<vmem_shared>>)
      tpu.yield
    }) : () -> ()
    %mul3A_37 = arith.constant 640 : i32
    %mul3A_38 = arith.muli %arg1, %mul3A_37 : i32
    %add3A_39 = arith.constant 400 : i32
    %add3A_40 = arith.addi %mul3A_38, %add3A_39 : i32
    "tpu.region"() ({
      %run_scoped3A = tpu.sem_alloc : memref<!tpu.dma_semaphore, #tpu.memory_space<semaphore_mem>>
      %dma_start3A_197 = arith.constant 0 : i32
      %dma_start3A_198 = tpu.memref_slice %arg20[%add3A_40, %dma_start3A_197] : memref<10240x128xf32, #tpu.memory_space<vmem_shared>> -> memref<80x128xf32, #tpu.memory_space<vmem_shared>>
      %dma_start3A_199 = arith.constant 0 : i32
      %dma_start3A_200 = tpu.memref_slice %arg20[%add3A_40, %dma_start3A_199] : memref<10240x128xf32, #tpu.memory_space<vmem_shared>> -> memref<80x128xf32, #tpu.memory_space<vmem_shared>>
      tpu.enqueue_dma source(%arg6 : memref<80x128xf32, #tpu.memory_space<vmem>>) target(%dma_start3A_200 : memref<80x128xf32, #tpu.memory_space<vmem_shared>>) target_semaphore(%run_scoped3A : memref<!tpu.dma_semaphore, #tpu.memory_space<semaphore_mem>>)
      %dma_wait3A_201 = arith.constant 0 : i32
      %dma_wait3A_202 = tpu.memref_slice %arg20[%add3A_40, %dma_wait3A_201] : memref<10240x128xf32, #tpu.memory_space<vmem_shared>> -> memref<80x128xf32, #tpu.memory_space<vmem_shared>>
      %dma_wait3A_203 = arith.constant 0 : i32
      %dma_wait3A_204 = tpu.memref_slice %arg20[%add3A_40, %dma_wait3A_203] : memref<10240x128xf32, #tpu.memory_space<vmem_shared>> -> memref<80x128xf32, #tpu.memory_space<vmem_shared>>
      tpu.wait_dma2 semaphore(%run_scoped3A : memref<!tpu.dma_semaphore, #tpu.memory_space<semaphore_mem>>) src(%arg6 : memref<80x128xf32, #tpu.memory_space<vmem>>) dst(%dma_wait3A_204 : memref<80x128xf32, #tpu.memory_space<vmem_shared>>)
      tpu.yield
    }) : () -> ()
    %mul3A_41 = arith.constant 640 : i32
    %mul3A_42 = arith.muli %arg1, %mul3A_41 : i32
    %add3A_43 = arith.constant 480 : i32
    %add3A_44 = arith.addi %mul3A_42, %add3A_43 : i32
    "tpu.region"() ({
      %run_scoped3A = tpu.sem_alloc : memref<!tpu.dma_semaphore, #tpu.memory_space<semaphore_mem>>
      %dma_start3A_197 = arith.constant 0 : i32
      %dma_start3A_198 = tpu.memref_slice %arg20[%add3A_44, %dma_start3A_197] : memref<10240x128xf32, #tpu.memory_space<vmem_shared>> -> memref<80x128xf32, #tpu.memory_space<vmem_shared>>
      %dma_start3A_199 = arith.constant 0 : i32
      %dma_start3A_200 = tpu.memref_slice %arg20[%add3A_44, %dma_start3A_199] : memref<10240x128xf32, #tpu.memory_space<vmem_shared>> -> memref<80x128xf32, #tpu.memory_space<vmem_shared>>
      tpu.enqueue_dma source(%arg6 : memref<80x128xf32, #tpu.memory_space<vmem>>) target(%dma_start3A_200 : memref<80x128xf32, #tpu.memory_space<vmem_shared>>) target_semaphore(%run_scoped3A : memref<!tpu.dma_semaphore, #tpu.memory_space<semaphore_mem>>)
      %dma_wait3A_201 = arith.constant 0 : i32
      %dma_wait3A_202 = tpu.memref_slice %arg20[%add3A_44, %dma_wait3A_201] : memref<10240x128xf32, #tpu.memory_space<vmem_shared>> -> memref<80x128xf32, #tpu.memory_space<vmem_shared>>
      %dma_wait3A_203 = arith.constant 0 : i32
      %dma_wait3A_204 = tpu.memref_slice %arg20[%add3A_44, %dma_wait3A_203] : memref<10240x128xf32, #tpu.memory_space<vmem_shared>> -> memref<80x128xf32, #tpu.memory_space<vmem_shared>>
      tpu.wait_dma2 semaphore(%run_scoped3A : memref<!tpu.dma_semaphore, #tpu.memory_space<semaphore_mem>>) src(%arg6 : memref<80x128xf32, #tpu.memory_space<vmem>>) dst(%dma_wait3A_204 : memref<80x128xf32, #tpu.memory_space<vmem_shared>>)
      tpu.yield
    }) : () -> ()
    %mul3A_45 = arith.constant 640 : i32
    %mul3A_46 = arith.muli %arg1, %mul3A_45 : i32
    %add3A_47 = arith.constant 560 : i32
    %add3A_48 = arith.addi %mul3A_46, %add3A_47 : i32
    "tpu.region"() ({
      %run_scoped3A = tpu.sem_alloc : memref<!tpu.dma_semaphore, #tpu.memory_space<semaphore_mem>>
      %dma_start3A_197 = arith.constant 0 : i32
      %dma_start3A_198 = tpu.memref_slice %arg20[%add3A_48, %dma_start3A_197] : memref<10240x128xf32, #tpu.memory_space<vmem_shared>> -> memref<80x128xf32, #tpu.memory_space<vmem_shared>>
      %dma_start3A_199 = arith.constant 0 : i32
      %dma_start3A_200 = tpu.memref_slice %arg20[%add3A_48, %dma_start3A_199] : memref<10240x128xf32, #tpu.memory_space<vmem_shared>> -> memref<80x128xf32, #tpu.memory_space<vmem_shared>>
      tpu.enqueue_dma source(%arg6 : memref<80x128xf32, #tpu.memory_space<vmem>>) target(%dma_start3A_200 : memref<80x128xf32, #tpu.memory_space<vmem_shared>>) target_semaphore(%run_scoped3A : memref<!tpu.dma_semaphore, #tpu.memory_space<semaphore_mem>>)
      %dma_wait3A_201 = arith.constant 0 : i32
      %dma_wait3A_202 = tpu.memref_slice %arg20[%add3A_48, %dma_wait3A_201] : memref<10240x128xf32, #tpu.memory_space<vmem_shared>> -> memref<80x128xf32, #tpu.memory_space<vmem_shared>>
      %dma_wait3A_203 = arith.constant 0 : i32
      %dma_wait3A_204 = tpu.memref_slice %arg20[%add3A_48, %dma_wait3A_203] : memref<10240x128xf32, #tpu.memory_space<vmem_shared>> -> memref<80x128xf32, #tpu.memory_space<vmem_shared>>
      tpu.wait_dma2 semaphore(%run_scoped3A : memref<!tpu.dma_semaphore, #tpu.memory_space<semaphore_mem>>) src(%arg6 : memref<80x128xf32, #tpu.memory_space<vmem>>) dst(%dma_wait3A_204 : memref<80x128xf32, #tpu.memory_space<vmem_shared>>)
      tpu.yield
    }) : () -> ()
    %barrier3A = arith.constant 0 : index
    tpu.barrier barrier_id(%barrier3A)
    %mul3A_49 = arith.constant 250 : i32
    %mul3A_50 = arith.muli %arg1, %mul3A_49 : i32
    %mul3A_51 = arith.constant 240 : i32
    %mul3A_52 = arith.muli %mul3A_50, %mul3A_51 : i32
    %dma_start3A = tpu.memref_slice %arg3[%mul3A_52] : memref<960000xi32, #tpu.memory_space<hbm>> -> memref<1200xi32, #tpu.memory_space<hbm>>
    %dma_start3A_53 = tpu.memref_slice %arg3[%mul3A_52] : memref<960000xi32, #tpu.memory_space<hbm>> -> memref<1200xi32, #tpu.memory_space<hbm>>
    tpu.enqueue_dma source(%dma_start3A_53 : memref<1200xi32, #tpu.memory_space<hbm>>) target(%arg10 : memref<1200xi32, #tpu.memory_space<vmem>>) target_semaphore(%arg23 : memref<!tpu.dma_semaphore, #tpu.memory_space<semaphore_mem>>)
    %add3A_54 = arith.constant 5 : i32
    %add3A_55 = arith.addi %mul3A_50, %add3A_54 : i32
    %mul3A_56 = arith.constant 240 : i32
    %mul3A_57 = arith.muli %add3A_55, %mul3A_56 : i32
    %dma_start3A_58 = tpu.memref_slice %arg3[%mul3A_57] : memref<960000xi32, #tpu.memory_space<hbm>> -> memref<1200xi32, #tpu.memory_space<hbm>>
    %dma_start3A_59 = tpu.memref_slice %arg3[%mul3A_57] : memref<960000xi32, #tpu.memory_space<hbm>> -> memref<1200xi32, #tpu.memory_space<hbm>>
    tpu.enqueue_dma source(%dma_start3A_59 : memref<1200xi32, #tpu.memory_space<hbm>>) target(%arg11 : memref<1200xi32, #tpu.memory_space<vmem>>) target_semaphore(%arg24 : memref<!tpu.dma_semaphore, #tpu.memory_space<semaphore_mem>>)
    %scan3A_60 = arith.constant 0 : i32
    %scan3A_61 = arith.constant 0 : i32
    %scan3A_62 = arith.constant 25 : i32
    %scan3A_63 = arith.addi %scan3A_61, %scan3A_62 : i32
    %scan3A_64 = arith.constant 1 : i32
    %scan3A_65 = scf.for %scan3A_197 = %scan3A_61 to %scan3A_63 step %scan3A_64 iter_args(%scan3A_198 = %scan3A_60) -> (i32)  : i32 {
      %mul3A_199 = arith.constant 2 : i32
      %mul3A_200 = arith.muli %scan3A_197, %mul3A_199 : i32
      %add3A_201 = arith.constant 0 : i32
      %add3A_202 = arith.addi %mul3A_200, %add3A_201 : i32
      %mul3A_203 = arith.constant 5 : i32
      %mul3A_204 = arith.muli %add3A_202, %mul3A_203 : i32
      %add3A_205 = arith.addi %mul3A_50, %mul3A_204 : i32
      %mul3A_206 = arith.constant 240 : i32
      %mul3A_207 = arith.muli %add3A_205, %mul3A_206 : i32
      %dma_wait3A_208 = tpu.memref_slice %arg3[%mul3A_207] : memref<960000xi32, #tpu.memory_space<hbm>> -> memref<1200xi32, #tpu.memory_space<hbm>>
      %dma_wait3A_209 = tpu.memref_slice %arg3[%mul3A_207] : memref<960000xi32, #tpu.memory_space<hbm>> -> memref<1200xi32, #tpu.memory_space<hbm>>
      tpu.wait_dma2 semaphore(%arg23 : memref<!tpu.dma_semaphore, #tpu.memory_space<semaphore_mem>>) src(%dma_wait3A_209 : memref<1200xi32, #tpu.memory_space<hbm>>) dst(%arg10 : memref<1200xi32, #tpu.memory_space<vmem>>)
      %get3A_210 = arith.constant 80 : index
      %get3A_211 = tpu.vector_load %arg10[%get3A_210] {strides = array<i32>} : memref<1200xi32, #tpu.memory_space<vmem>>, vector<16xi32>,
      %swap3A_212 = arith.constant 0 : index
      %swap3A_213 = tpu.vector_load %arg12[%swap3A_212] {strides = array<i32>} : memref<80xi32, #tpu.memory_space<vmem>>, vector<16xi32>,
      tpu.vector_store %arg12[%swap3A_212], %get3A_211 {strides = array<i32>} : memref<80xi32, #tpu.memory_space<vmem>>, vector<16xi32>,
      %get3A_214 = arith.constant 160 : index
      %get3A_215 = tpu.vector_load %arg10[%get3A_214] {strides = array<i32>} : memref<1200xi32, #tpu.memory_space<vmem>>, vector<16xi32>,
      %bitcast3A_216 = vector.bitcast %get3A_215 : vector<16xi32> to vector<16xf32>
      %swap3A_217 = arith.constant 0 : index
      %swap3A_218 = tpu.vector_load %arg14[%swap3A_217] {strides = array<i32>} : memref<80xf32, #tpu.memory_space<vmem>>, vector<16xf32>,
      tpu.vector_store %arg14[%swap3A_217], %bitcast3A_216 {strides = array<i32>} : memref<80xf32, #tpu.memory_space<vmem>>, vector<16xf32>,
      %get3A_219 = arith.constant 96 : index
      %get3A_220 = tpu.vector_load %arg10[%get3A_219] {strides = array<i32>} : memref<1200xi32, #tpu.memory_space<vmem>>, vector<16xi32>,
      %swap3A_221 = arith.constant 16 : index
      %swap3A_222 = tpu.vector_load %arg12[%swap3A_221] {strides = array<i32>} : memref<80xi32, #tpu.memory_space<vmem>>, vector<16xi32>,
      tpu.vector_store %arg12[%swap3A_221], %get3A_220 {strides = array<i32>} : memref<80xi32, #tpu.memory_space<vmem>>, vector<16xi32>,
      %get3A_223 = arith.constant 176 : index
      %get3A_224 = tpu.vector_load %arg10[%get3A_223] {strides = array<i32>} : memref<1200xi32, #tpu.memory_space<vmem>>, vector<16xi32>,
      %bitcast3A_225 = vector.bitcast %get3A_224 : vector<16xi32> to vector<16xf32>
      %swap3A_226 = arith.constant 16 : index
      %swap3A_227 = tpu.vector_load %arg14[%swap3A_226] {strides = array<i32>} : memref<80xf32, #tpu.memory_space<vmem>>, vector<16xf32>,
      tpu.vector_store %arg14[%swap3A_226], %bitcast3A_225 {strides = array<i32>} : memref<80xf32, #tpu.memory_space<vmem>>, vector<16xf32>,
      %get3A_228 = arith.constant 112 : index
      %get3A_229 = tpu.vector_load %arg10[%get3A_228] {strides = array<i32>} : memref<1200xi32, #tpu.memory_space<vmem>>, vector<16xi32>,
      %swap3A_230 = arith.constant 32 : index
      %swap3A_231 = tpu.vector_load %arg12[%swap3A_230] {strides = array<i32>} : memref<80xi32, #tpu.memory_space<vmem>>, vector<16xi32>,
      tpu.vector_store %arg12[%swap3A_230], %get3A_229 {strides = array<i32>} : memref<80xi32, #tpu.memory_space<vmem>>, vector<16xi32>,
      %get3A_232 = arith.constant 192 : index
      %get3A_233 = tpu.vector_load %arg10[%get3A_232] {strides = array<i32>} : memref<1200xi32, #tpu.memory_space<vmem>>, vector<16xi32>,
      %bitcast3A_234 = vector.bitcast %get3A_233 : vector<16xi32> to vector<16xf32>
      %swap3A_235 = arith.constant 32 : index
      %swap3A_236 = tpu.vector_load %arg14[%swap3A_235] {strides = array<i32>} : memref<80xf32, #tpu.memory_space<vmem>>, vector<16xf32>,
      tpu.vector_store %arg14[%swap3A_235], %bitcast3A_234 {strides = array<i32>} : memref<80xf32, #tpu.memory_space<vmem>>, vector<16xf32>,
      %get3A_237 = arith.constant 128 : index
      %get3A_238 = tpu.vector_load %arg10[%get3A_237] {strides = array<i32>} : memref<1200xi32, #tpu.memory_space<vmem>>, vector<16xi32>,
      %swap3A_239 = arith.constant 48 : index
      %swap3A_240 = tpu.vector_load %arg12[%swap3A_239] {strides = array<i32>} : memref<80xi32, #tpu.memory_space<vmem>>, vector<16xi32>,
      tpu.vector_store %arg12[%swap3A_239], %get3A_238 {strides = array<i32>} : memref<80xi32, #tpu.memory_space<vmem>>, vector<16xi32>,
      %get3A_241 = arith.constant 208 : index
      %get3A_242 = tpu.vector_load %arg10[%get3A_241] {strides = array<i32>} : memref<1200xi32, #tpu.memory_space<vmem>>, vector<16xi32>,
      %bitcast3A_243 = vector.bitcast %get3A_242 : vector<16xi32> to vector<16xf32>
      %swap3A_244 = arith.constant 48 : index
      %swap3A_245 = tpu.vector_load %arg14[%swap3A_244] {strides = array<i32>} : memref<80xf32, #tpu.memory_space<vmem>>, vector<16xf32>,
      tpu.vector_store %arg14[%swap3A_244], %bitcast3A_243 {strides = array<i32>} : memref<80xf32, #tpu.memory_space<vmem>>, vector<16xf32>,
      %get3A_246 = arith.constant 144 : index
      %get3A_247 = tpu.vector_load %arg10[%get3A_246] {strides = array<i32>} : memref<1200xi32, #tpu.memory_space<vmem>>, vector<16xi32>,
      %swap3A_248 = arith.constant 64 : index
      %swap3A_249 = tpu.vector_load %arg12[%swap3A_248] {strides = array<i32>} : memref<80xi32, #tpu.memory_space<vmem>>, vector<16xi32>,
      tpu.vector_store %arg12[%swap3A_248], %get3A_247 {strides = array<i32>} : memref<80xi32, #tpu.memory_space<vmem>>, vector<16xi32>,
      %get3A_250 = arith.constant 224 : index
      %get3A_251 = tpu.vector_load %arg10[%get3A_250] {strides = array<i32>} : memref<1200xi32, #tpu.memory_space<vmem>>, vector<16xi32>,
      %bitcast3A_252 = vector.bitcast %get3A_251 : vector<16xi32> to vector<16xf32>
      %swap3A_253 = arith.constant 64 : index
      %swap3A_254 = tpu.vector_load %arg14[%swap3A_253] {strides = array<i32>} : memref<80xf32, #tpu.memory_space<vmem>>, vector<16xf32>,
      tpu.vector_store %arg14[%swap3A_253], %bitcast3A_252 {strides = array<i32>} : memref<80xf32, #tpu.memory_space<vmem>>, vector<16xf32>,
      "tpu.region"() ({
        %run_scoped3A = tpu.sem_alloc : memref<!tpu.dma_semaphore, #tpu.memory_space<semaphore_mem>>
        %dma_start3A_685 = arith.constant 0 : i32
        %dma_start3A_686 = tpu.memref_slice %arg18[%dma_start3A_685] : memref<10240xf32, #tpu.memory_space<vmem_shared>> -> memref<10240xf32, #tpu.memory_space<vmem_shared>>
        tpu.enqueue_indirect_dma source(%arg14 : memref<80xf32, #tpu.memory_space<vmem>>) target(%dma_start3A_686 : memref<10240xf32, #tpu.memory_space<vmem_shared>>) offsets(%arg12 : memref<80xi32, #tpu.memory_space<vmem>>) semaphore(%run_scoped3A : memref<!tpu.dma_semaphore, #tpu.memory_space<semaphore_mem>>) {add = true}
        %dma_wait3A_687 = arith.constant 0 : i32
        %dma_wait3A_688 = tpu.memref_slice %arg18[%dma_wait3A_687] : memref<10240xf32, #tpu.memory_space<vmem_shared>> -> memref<10240xf32, #tpu.memory_space<vmem_shared>>
        tpu.wait_indirect_dma semaphore(%run_scoped3A : memref<!tpu.dma_semaphore, #tpu.memory_space<semaphore_mem>>) src(%arg14 : memref<80xf32, #tpu.memory_space<vmem>>) dst(%dma_wait3A_688 : memref<10240xf32, #tpu.memory_space<vmem_shared>>)
        tpu.yield
      }) : () -> ()
      %get3A_255 = arith.constant 320 : index
      %get3A_256 = tpu.vector_load %arg10[%get3A_255] {strides = array<i32>} : memref<1200xi32, #tpu.memory_space<vmem>>, vector<16xi32>,
      %swap3A_257 = arith.constant 0 : index
      %swap3A_258 = tpu.vector_load %arg12[%swap3A_257] {strides = array<i32>} : memref<80xi32, #tpu.memory_space<vmem>>, vector<16xi32>,
      tpu.vector_store %arg12[%swap3A_257], %get3A_256 {strides = array<i32>} : memref<80xi32, #tpu.memory_space<vmem>>, vector<16xi32>,
      %get3A_259 = arith.constant 400 : index
      %get3A_260 = tpu.vector_load %arg10[%get3A_259] {strides = array<i32>} : memref<1200xi32, #tpu.memory_space<vmem>>, vector<16xi32>,
      %bitcast3A_261 = vector.bitcast %get3A_260 : vector<16xi32> to vector<16xf32>
      %swap3A_262 = arith.constant 0 : index
      %swap3A_263 = tpu.vector_load %arg14[%swap3A_262] {strides = array<i32>} : memref<80xf32, #tpu.memory_space<vmem>>, vector<16xf32>,
      tpu.vector_store %arg14[%swap3A_262], %bitcast3A_261 {strides = array<i32>} : memref<80xf32, #tpu.memory_space<vmem>>, vector<16xf32>,
      %get3A_264 = arith.constant 336 : index
      %get3A_265 = tpu.vector_load %arg10[%get3A_264] {strides = array<i32>} : memref<1200xi32, #tpu.memory_space<vmem>>, vector<16xi32>,
      %swap3A_266 = arith.constant 16 : index
      %swap3A_267 = tpu.vector_load %arg12[%swap3A_266] {strides = array<i32>} : memref<80xi32, #tpu.memory_space<vmem>>, vector<16xi32>,
      tpu.vector_store %arg12[%swap3A_266], %get3A_265 {strides = array<i32>} : memref<80xi32, #tpu.memory_space<vmem>>, vector<16xi32>,
      %get3A_268 = arith.constant 416 : index
      %get3A_269 = tpu.vector_load %arg10[%get3A_268] {strides = array<i32>} : memref<1200xi32, #tpu.memory_space<vmem>>, vector<16xi32>,
      %bitcast3A_270 = vector.bitcast %get3A_269 : vector<16xi32> to vector<16xf32>
      %swap3A_271 = arith.constant 16 : index
      %swap3A_272 = tpu.vector_load %arg14[%swap3A_271] {strides = array<i32>} : memref<80xf32, #tpu.memory_space<vmem>>, vector<16xf32>,
      tpu.vector_store %arg14[%swap3A_271], %bitcast3A_270 {strides = array<i32>} : memref<80xf32, #tpu.memory_space<vmem>>, vector<16xf32>,
      %get3A_273 = arith.constant 352 : index
      %get3A_274 = tpu.vector_load %arg10[%get3A_273] {strides = array<i32>} : memref<1200xi32, #tpu.memory_space<vmem>>, vector<16xi32>,
      %swap3A_275 = arith.constant 32 : index
      %swap3A_276 = tpu.vector_load %arg12[%swap3A_275] {strides = array<i32>} : memref<80xi32, #tpu.memory_space<vmem>>, vector<16xi32>,
      tpu.vector_store %arg12[%swap3A_275], %get3A_274 {strides = array<i32>} : memref<80xi32, #tpu.memory_space<vmem>>, vector<16xi32>,
      %get3A_277 = arith.constant 432 : index
      %get3A_278 = tpu.vector_load %arg10[%get3A_277] {strides = array<i32>} : memref<1200xi32, #tpu.memory_space<vmem>>, vector<16xi32>,
      %bitcast3A_279 = vector.bitcast %get3A_278 : vector<16xi32> to vector<16xf32>
      %swap3A_280 = arith.constant 32 : index
      %swap3A_281 = tpu.vector_load %arg14[%swap3A_280] {strides = array<i32>} : memref<80xf32, #tpu.memory_space<vmem>>, vector<16xf32>,
      tpu.vector_store %arg14[%swap3A_280], %bitcast3A_279 {strides = array<i32>} : memref<80xf32, #tpu.memory_space<vmem>>, vector<16xf32>,
      %get3A_282 = arith.constant 368 : index
      %get3A_283 = tpu.vector_load %arg10[%get3A_282] {strides = array<i32>} : memref<1200xi32, #tpu.memory_space<vmem>>, vector<16xi32>,
      %swap3A_284 = arith.constant 48 : index
      %swap3A_285 = tpu.vector_load %arg12[%swap3A_284] {strides = array<i32>} : memref<80xi32, #tpu.memory_space<vmem>>, vector<16xi32>,
      tpu.vector_store %arg12[%swap3A_284], %get3A_283 {strides = array<i32>} : memref<80xi32, #tpu.memory_space<vmem>>, vector<16xi32>,
      %get3A_286 = arith.constant 448 : index
      %get3A_287 = tpu.vector_load %arg10[%get3A_286] {strides = array<i32>} : memref<1200xi32, #tpu.memory_space<vmem>>, vector<16xi32>,
      %bitcast3A_288 = vector.bitcast %get3A_287 : vector<16xi32> to vector<16xf32>
      %swap3A_289 = arith.constant 48 : index
      %swap3A_290 = tpu.vector_load %arg14[%swap3A_289] {strides = array<i32>} : memref<80xf32, #tpu.memory_space<vmem>>, vector<16xf32>,
      tpu.vector_store %arg14[%swap3A_289], %bitcast3A_288 {strides = array<i32>} : memref<80xf32, #tpu.memory_space<vmem>>, vector<16xf32>,
      %get3A_291 = arith.constant 384 : index
      %get3A_292 = tpu.vector_load %arg10[%get3A_291] {strides = array<i32>} : memref<1200xi32, #tpu.memory_space<vmem>>, vector<16xi32>,
      %swap3A_293 = arith.constant 64 : index
      %swap3A_294 = tpu.vector_load %arg12[%swap3A_293] {strides = array<i32>} : memref<80xi32, #tpu.memory_space<vmem>>, vector<16xi32>,
      tpu.vector_store %arg12[%swap3A_293], %get3A_292 {strides = array<i32>} : memref<80xi32, #tpu.memory_space<vmem>>, vector<16xi32>,
      %get3A_295 = arith.constant 464 : index
      %get3A_296 = tpu.vector_load %arg10[%get3A_295] {strides = array<i32>} : memref<1200xi32, #tpu.memory_space<vmem>>, vector<16xi32>,
      %bitcast3A_297 = vector.bitcast %get3A_296 : vector<16xi32> to vector<16xf32>
      %swap3A_298 = arith.constant 64 : index
      %swap3A_299 = tpu.vector_load %arg14[%swap3A_298] {strides = array<i32>} : memref<80xf32, #tpu.memory_space<vmem>>, vector<16xf32>,
      tpu.vector_store %arg14[%swap3A_298], %bitcast3A_297 {strides = array<i32>} : memref<80xf32, #tpu.memory_space<vmem>>, vector<16xf32>,
      "tpu.region"() ({
        %run_scoped3A = tpu.sem_alloc : memref<!tpu.dma_semaphore, #tpu.memory_space<semaphore_mem>>
        %dma_start3A_685 = arith.constant 0 : i32
        %dma_start3A_686 = tpu.memref_slice %arg18[%dma_start3A_685] : memref<10240xf32, #tpu.memory_space<vmem_shared>> -> memref<10240xf32, #tpu.memory_space<vmem_shared>>
        tpu.enqueue_indirect_dma source(%arg14 : memref<80xf32, #tpu.memory_space<vmem>>) target(%dma_start3A_686 : memref<10240xf32, #tpu.memory_space<vmem_shared>>) offsets(%arg12 : memref<80xi32, #tpu.memory_space<vmem>>) semaphore(%run_scoped3A : memref<!tpu.dma_semaphore, #tpu.memory_space<semaphore_mem>>) {add = true}
        %dma_wait3A_687 = arith.constant 0 : i32
        %dma_wait3A_688 = tpu.memref_slice %arg18[%dma_wait3A_687] : memref<10240xf32, #tpu.memory_space<vmem_shared>> -> memref<10240xf32, #tpu.memory_space<vmem_shared>>
        tpu.wait_indirect_dma semaphore(%run_scoped3A : memref<!tpu.dma_semaphore, #tpu.memory_space<semaphore_mem>>) src(%arg14 : memref<80xf32, #tpu.memory_space<vmem>>) dst(%dma_wait3A_688 : memref<10240xf32, #tpu.memory_space<vmem_shared>>)
        tpu.yield
      }) : () -> ()
      %get3A_300 = arith.constant 560 : index
      %get3A_301 = tpu.vector_load %arg10[%get3A_300] {strides = array<i32>} : memref<1200xi32, #tpu.memory_space<vmem>>, vector<16xi32>,
      %swap3A_302 = arith.constant 0 : index
      %swap3A_303 = tpu.vector_load %arg12[%swap3A_302] {strides = array<i32>} : memref<80xi32, #tpu.memory_space<vmem>>, vector<16xi32>,
      tpu.vector_store %arg12[%swap3A_302], %get3A_301 {strides = array<i32>} : memref<80xi32, #tpu.memory_space<vmem>>, vector<16xi32>,
      %get3A_304 = arith.constant 640 : index
      %get3A_305 = tpu.vector_load %arg10[%get3A_304] {strides = array<i32>} : memref<1200xi32, #tpu.memory_space<vmem>>, vector<16xi32>,
      %bitcast3A_306 = vector.bitcast %get3A_305 : vector<16xi32> to vector<16xf32>
      %swap3A_307 = arith.constant 0 : index
      %swap3A_308 = tpu.vector_load %arg14[%swap3A_307] {strides = array<i32>} : memref<80xf32, #tpu.memory_space<vmem>>, vector<16xf32>,
      tpu.vector_store %arg14[%swap3A_307], %bitcast3A_306 {strides = array<i32>} : memref<80xf32, #tpu.memory_space<vmem>>, vector<16xf32>,
      %get3A_309 = arith.constant 576 : index
      %get3A_310 = tpu.vector_load %arg10[%get3A_309] {strides = array<i32>} : memref<1200xi32, #tpu.memory_space<vmem>>, vector<16xi32>,
      %swap3A_311 = arith.constant 16 : index
      %swap3A_312 = tpu.vector_load %arg12[%swap3A_311] {strides = array<i32>} : memref<80xi32, #tpu.memory_space<vmem>>, vector<16xi32>,
      tpu.vector_store %arg12[%swap3A_311], %get3A_310 {strides = array<i32>} : memref<80xi32, #tpu.memory_space<vmem>>, vector<16xi32>,
      %get3A_313 = arith.constant 656 : index
      %get3A_314 = tpu.vector_load %arg10[%get3A_313] {strides = array<i32>} : memref<1200xi32, #tpu.memory_space<vmem>>, vector<16xi32>,
      %bitcast3A_315 = vector.bitcast %get3A_314 : vector<16xi32> to vector<16xf32>
      %swap3A_316 = arith.constant 16 : index
      %swap3A_317 = tpu.vector_load %arg14[%swap3A_316] {strides = array<i32>} : memref<80xf32, #tpu.memory_space<vmem>>, vector<16xf32>,
      tpu.vector_store %arg14[%swap3A_316], %bitcast3A_315 {strides = array<i32>} : memref<80xf32, #tpu.memory_space<vmem>>, vector<16xf32>,
      %get3A_318 = arith.constant 592 : index
      %get3A_319 = tpu.vector_load %arg10[%get3A_318] {strides = array<i32>} : memref<1200xi32, #tpu.memory_space<vmem>>, vector<16xi32>,
      %swap3A_320 = arith.constant 32 : index
      %swap3A_321 = tpu.vector_load %arg12[%swap3A_320] {strides = array<i32>} : memref<80xi32, #tpu.memory_space<vmem>>, vector<16xi32>,
      tpu.vector_store %arg12[%swap3A_320], %get3A_319 {strides = array<i32>} : memref<80xi32, #tpu.memory_space<vmem>>, vector<16xi32>,
      %get3A_322 = arith.constant 672 : index
      %get3A_323 = tpu.vector_load %arg10[%get3A_322] {strides = array<i32>} : memref<1200xi32, #tpu.memory_space<vmem>>, vector<16xi32>,
      %bitcast3A_324 = vector.bitcast %get3A_323 : vector<16xi32> to vector<16xf32>
      %swap3A_325 = arith.constant 32 : index
      %swap3A_326 = tpu.vector_load %arg14[%swap3A_325] {strides = array<i32>} : memref<80xf32, #tpu.memory_space<vmem>>, vector<16xf32>,
      tpu.vector_store %arg14[%swap3A_325], %bitcast3A_324 {strides = array<i32>} : memref<80xf32, #tpu.memory_space<vmem>>, vector<16xf32>,
      %get3A_327 = arith.constant 608 : index
      %get3A_328 = tpu.vector_load %arg10[%get3A_327] {strides = array<i32>} : memref<1200xi32, #tpu.memory_space<vmem>>, vector<16xi32>,
      %swap3A_329 = arith.constant 48 : index
      %swap3A_330 = tpu.vector_load %arg12[%swap3A_329] {strides = array<i32>} : memref<80xi32, #tpu.memory_space<vmem>>, vector<16xi32>,
      tpu.vector_store %arg12[%swap3A_329], %get3A_328 {strides = array<i32>} : memref<80xi32, #tpu.memory_space<vmem>>, vector<16xi32>,
      %get3A_331 = arith.constant 688 : index
      %get3A_332 = tpu.vector_load %arg10[%get3A_331] {strides = array<i32>} : memref<1200xi32, #tpu.memory_space<vmem>>, vector<16xi32>,
      %bitcast3A_333 = vector.bitcast %get3A_332 : vector<16xi32> to vector<16xf32>
      %swap3A_334 = arith.constant 48 : index
      %swap3A_335 = tpu.vector_load %arg14[%swap3A_334] {strides = array<i32>} : memref<80xf32, #tpu.memory_space<vmem>>, vector<16xf32>,
      tpu.vector_store %arg14[%swap3A_334], %bitcast3A_333 {strides = array<i32>} : memref<80xf32, #tpu.memory_space<vmem>>, vector<16xf32>,
      %get3A_336 = arith.constant 624 : index
      %get3A_337 = tpu.vector_load %arg10[%get3A_336] {strides = array<i32>} : memref<1200xi32, #tpu.memory_space<vmem>>, vector<16xi32>,
      %swap3A_338 = arith.constant 64 : index
      %swap3A_339 = tpu.vector_load %arg12[%swap3A_338] {strides = array<i32>} : memref<80xi32, #tpu.memory_space<vmem>>, vector<16xi32>,
      tpu.vector_store %arg12[%swap3A_338], %get3A_337 {strides = array<i32>} : memref<80xi32, #tpu.memory_space<vmem>>, vector<16xi32>,
      %get3A_340 = arith.constant 704 : index
      %get3A_341 = tpu.vector_load %arg10[%get3A_340] {strides = array<i32>} : memref<1200xi32, #tpu.memory_space<vmem>>, vector<16xi32>,
      %bitcast3A_342 = vector.bitcast %get3A_341 : vector<16xi32> to vector<16xf32>
      %swap3A_343 = arith.constant 64 : index
      %swap3A_344 = tpu.vector_load %arg14[%swap3A_343] {strides = array<i32>} : memref<80xf32, #tpu.memory_space<vmem>>, vector<16xf32>,
      tpu.vector_store %arg14[%swap3A_343], %bitcast3A_342 {strides = array<i32>} : memref<80xf32, #tpu.memory_space<vmem>>, vector<16xf32>,
      "tpu.region"() ({
        %run_scoped3A = tpu.sem_alloc : memref<!tpu.dma_semaphore, #tpu.memory_space<semaphore_mem>>
        %dma_start3A_685 = arith.constant 0 : i32
        %dma_start3A_686 = tpu.memref_slice %arg18[%dma_start3A_685] : memref<10240xf32, #tpu.memory_space<vmem_shared>> -> memref<10240xf32, #tpu.memory_space<vmem_shared>>
        tpu.enqueue_indirect_dma source(%arg14 : memref<80xf32, #tpu.memory_space<vmem>>) target(%dma_start3A_686 : memref<10240xf32, #tpu.memory_space<vmem_shared>>) offsets(%arg12 : memref<80xi32, #tpu.memory_space<vmem>>) semaphore(%run_scoped3A : memref<!tpu.dma_semaphore, #tpu.memory_space<semaphore_mem>>) {add = true}
        %dma_wait3A_687 = arith.constant 0 : i32
        %dma_wait3A_688 = tpu.memref_slice %arg18[%dma_wait3A_687] : memref<10240xf32, #tpu.memory_space<vmem_shared>> -> memref<10240xf32, #tpu.memory_space<vmem_shared>>
        tpu.wait_indirect_dma semaphore(%run_scoped3A : memref<!tpu.dma_semaphore, #tpu.memory_space<semaphore_mem>>) src(%arg14 : memref<80xf32, #tpu.memory_space<vmem>>) dst(%dma_wait3A_688 : memref<10240xf32, #tpu.memory_space<vmem_shared>>)
        tpu.yield
      }) : () -> ()
      %get3A_345 = arith.constant 800 : index
      %get3A_346 = tpu.vector_load %arg10[%get3A_345] {strides = array<i32>} : memref<1200xi32, #tpu.memory_space<vmem>>, vector<16xi32>,
      %swap3A_347 = arith.constant 0 : index
      %swap3A_348 = tpu.vector_load %arg12[%swap3A_347] {strides = array<i32>} : memref<80xi32, #tpu.memory_space<vmem>>, vector<16xi32>,
      tpu.vector_store %arg12[%swap3A_347], %get3A_346 {strides = array<i32>} : memref<80xi32, #tpu.memory_space<vmem>>, vector<16xi32>,
      %get3A_349 = arith.constant 880 : index
      %get3A_350 = tpu.vector_load %arg10[%get3A_349] {strides = array<i32>} : memref<1200xi32, #tpu.memory_space<vmem>>, vector<16xi32>,
      %bitcast3A_351 = vector.bitcast %get3A_350 : vector<16xi32> to vector<16xf32>
      %swap3A_352 = arith.constant 0 : index
      %swap3A_353 = tpu.vector_load %arg14[%swap3A_352] {strides = array<i32>} : memref<80xf32, #tpu.memory_space<vmem>>, vector<16xf32>,
      tpu.vector_store %arg14[%swap3A_352], %bitcast3A_351 {strides = array<i32>} : memref<80xf32, #tpu.memory_space<vmem>>, vector<16xf32>,
      %get3A_354 = arith.constant 816 : index
      %get3A_355 = tpu.vector_load %arg10[%get3A_354] {strides = array<i32>} : memref<1200xi32, #tpu.memory_space<vmem>>, vector<16xi32>,
      %swap3A_356 = arith.constant 16 : index
      %swap3A_357 = tpu.vector_load %arg12[%swap3A_356] {strides = array<i32>} : memref<80xi32, #tpu.memory_space<vmem>>, vector<16xi32>,
      tpu.vector_store %arg12[%swap3A_356], %get3A_355 {strides = array<i32>} : memref<80xi32, #tpu.memory_space<vmem>>, vector<16xi32>,
      %get3A_358 = arith.constant 896 : index
      %get3A_359 = tpu.vector_load %arg10[%get3A_358] {strides = array<i32>} : memref<1200xi32, #tpu.memory_space<vmem>>, vector<16xi32>,
      %bitcast3A_360 = vector.bitcast %get3A_359 : vector<16xi32> to vector<16xf32>
      %swap3A_361 = arith.constant 16 : index
      %swap3A_362 = tpu.vector_load %arg14[%swap3A_361] {strides = array<i32>} : memref<80xf32, #tpu.memory_space<vmem>>, vector<16xf32>,
      tpu.vector_store %arg14[%swap3A_361], %bitcast3A_360 {strides = array<i32>} : memref<80xf32, #tpu.memory_space<vmem>>, vector<16xf32>,
      %get3A_363 = arith.constant 832 : index
      %get3A_364 = tpu.vector_load %arg10[%get3A_363] {strides = array<i32>} : memref<1200xi32, #tpu.memory_space<vmem>>, vector<16xi32>,
      %swap3A_365 = arith.constant 32 : index
      %swap3A_366 = tpu.vector_load %arg12[%swap3A_365] {strides = array<i32>} : memref<80xi32, #tpu.memory_space<vmem>>, vector<16xi32>,
      tpu.vector_store %arg12[%swap3A_365], %get3A_364 {strides = array<i32>} : memref<80xi32, #tpu.memory_space<vmem>>, vector<16xi32>,
      %get3A_367 = arith.constant 912 : index
      %get3A_368 = tpu.vector_load %arg10[%get3A_367] {strides = array<i32>} : memref<1200xi32, #tpu.memory_space<vmem>>, vector<16xi32>,
      %bitcast3A_369 = vector.bitcast %get3A_368 : vector<16xi32> to vector<16xf32>
      %swap3A_370 = arith.constant 32 : index
      %swap3A_371 = tpu.vector_load %arg14[%swap3A_370] {strides = array<i32>} : memref<80xf32, #tpu.memory_space<vmem>>, vector<16xf32>,
      tpu.vector_store %arg14[%swap3A_370], %bitcast3A_369 {strides = array<i32>} : memref<80xf32, #tpu.memory_space<vmem>>, vector<16xf32>,
      %get3A_372 = arith.constant 848 : index
      %get3A_373 = tpu.vector_load %arg10[%get3A_372] {strides = array<i32>} : memref<1200xi32, #tpu.memory_space<vmem>>, vector<16xi32>,
      %swap3A_374 = arith.constant 48 : index
      %swap3A_375 = tpu.vector_load %arg12[%swap3A_374] {strides = array<i32>} : memref<80xi32, #tpu.memory_space<vmem>>, vector<16xi32>,
      tpu.vector_store %arg12[%swap3A_374], %get3A_373 {strides = array<i32>} : memref<80xi32, #tpu.memory_space<vmem>>, vector<16xi32>,
      %get3A_376 = arith.constant 928 : index
      %get3A_377 = tpu.vector_load %arg10[%get3A_376] {strides = array<i32>} : memref<1200xi32, #tpu.memory_space<vmem>>, vector<16xi32>,
      %bitcast3A_378 = vector.bitcast %get3A_377 : vector<16xi32> to vector<16xf32>
      %swap3A_379 = arith.constant 48 : index
      %swap3A_380 = tpu.vector_load %arg14[%swap3A_379] {strides = array<i32>} : memref<80xf32, #tpu.memory_space<vmem>>, vector<16xf32>,
      tpu.vector_store %arg14[%swap3A_379], %bitcast3A_378 {strides = array<i32>} : memref<80xf32, #tpu.memory_space<vmem>>, vector<16xf32>,
      %get3A_381 = arith.constant 864 : index
      %get3A_382 = tpu.vector_load %arg10[%get3A_381] {strides = array<i32>} : memref<1200xi32, #tpu.memory_space<vmem>>, vector<16xi32>,
      %swap3A_383 = arith.constant 64 : index
      %swap3A_384 = tpu.vector_load %arg12[%swap3A_383] {strides = array<i32>} : memref<80xi32, #tpu.memory_space<vmem>>, vector<16xi32>,
      tpu.vector_store %arg12[%swap3A_383], %get3A_382 {strides = array<i32>} : memref<80xi32, #tpu.memory_space<vmem>>, vector<16xi32>,
      %get3A_385 = arith.constant 944 : index
      %get3A_386 = tpu.vector_load %arg10[%get3A_385] {strides = array<i32>} : memref<1200xi32, #tpu.memory_space<vmem>>, vector<16xi32>,
      %bitcast3A_387 = vector.bitcast %get3A_386 : vector<16xi32> to vector<16xf32>
      %swap3A_388 = arith.constant 64 : index
      %swap3A_389 = tpu.vector_load %arg14[%swap3A_388] {strides = array<i32>} : memref<80xf32, #tpu.memory_space<vmem>>, vector<16xf32>,
      tpu.vector_store %arg14[%swap3A_388], %bitcast3A_387 {strides = array<i32>} : memref<80xf32, #tpu.memory_space<vmem>>, vector<16xf32>,
      "tpu.region"() ({
        %run_scoped3A = tpu.sem_alloc : memref<!tpu.dma_semaphore, #tpu.memory_space<semaphore_mem>>
        %dma_start3A_685 = arith.constant 0 : i32
        %dma_start3A_686 = tpu.memref_slice %arg18[%dma_start3A_685] : memref<10240xf32, #tpu.memory_space<vmem_shared>> -> memref<10240xf32, #tpu.memory_space<vmem_shared>>
        tpu.enqueue_indirect_dma source(%arg14 : memref<80xf32, #tpu.memory_space<vmem>>) target(%dma_start3A_686 : memref<10240xf32, #tpu.memory_space<vmem_shared>>) offsets(%arg12 : memref<80xi32, #tpu.memory_space<vmem>>) semaphore(%run_scoped3A : memref<!tpu.dma_semaphore, #tpu.memory_space<semaphore_mem>>) {add = true}
        %dma_wait3A_687 = arith.constant 0 : i32
        %dma_wait3A_688 = tpu.memref_slice %arg18[%dma_wait3A_687] : memref<10240xf32, #tpu.memory_space<vmem_shared>> -> memref<10240xf32, #tpu.memory_space<vmem_shared>>
        tpu.wait_indirect_dma semaphore(%run_scoped3A : memref<!tpu.dma_semaphore, #tpu.memory_space<semaphore_mem>>) src(%arg14 : memref<80xf32, #tpu.memory_space<vmem>>) dst(%dma_wait3A_688 : memref<10240xf32, #tpu.memory_space<vmem_shared>>)
        tpu.yield
      }) : () -> ()
      %get3A_390 = arith.constant 1040 : index
      %get3A_391 = tpu.vector_load %arg10[%get3A_390] {strides = array<i32>} : memref<1200xi32, #tpu.memory_space<vmem>>, vector<16xi32>,
      %swap3A_392 = arith.constant 0 : index
      %swap3A_393 = tpu.vector_load %arg12[%swap3A_392] {strides = array<i32>} : memref<80xi32, #tpu.memory_space<vmem>>, vector<16xi32>,
      tpu.vector_store %arg12[%swap3A_392], %get3A_391 {strides = array<i32>} : memref<80xi32, #tpu.memory_space<vmem>>, vector<16xi32>,
      %get3A_394 = arith.constant 1120 : index
      %get3A_395 = tpu.vector_load %arg10[%get3A_394] {strides = array<i32>} : memref<1200xi32, #tpu.memory_space<vmem>>, vector<16xi32>,
      %bitcast3A_396 = vector.bitcast %get3A_395 : vector<16xi32> to vector<16xf32>
      %swap3A_397 = arith.constant 0 : index
      %swap3A_398 = tpu.vector_load %arg14[%swap3A_397] {strides = array<i32>} : memref<80xf32, #tpu.memory_space<vmem>>, vector<16xf32>,
      tpu.vector_store %arg14[%swap3A_397], %bitcast3A_396 {strides = array<i32>} : memref<80xf32, #tpu.memory_space<vmem>>, vector<16xf32>,
      %get3A_399 = arith.constant 1056 : index
      %get3A_400 = tpu.vector_load %arg10[%get3A_399] {strides = array<i32>} : memref<1200xi32, #tpu.memory_space<vmem>>, vector<16xi32>,
      %swap3A_401 = arith.constant 16 : index
      %swap3A_402 = tpu.vector_load %arg12[%swap3A_401] {strides = array<i32>} : memref<80xi32, #tpu.memory_space<vmem>>, vector<16xi32>,
      tpu.vector_store %arg12[%swap3A_401], %get3A_400 {strides = array<i32>} : memref<80xi32, #tpu.memory_space<vmem>>, vector<16xi32>,
      %get3A_403 = arith.constant 1136 : index
      %get3A_404 = tpu.vector_load %arg10[%get3A_403] {strides = array<i32>} : memref<1200xi32, #tpu.memory_space<vmem>>, vector<16xi32>,
      %bitcast3A_405 = vector.bitcast %get3A_404 : vector<16xi32> to vector<16xf32>
      %swap3A_406 = arith.constant 16 : index
      %swap3A_407 = tpu.vector_load %arg14[%swap3A_406] {strides = array<i32>} : memref<80xf32, #tpu.memory_space<vmem>>, vector<16xf32>,
      tpu.vector_store %arg14[%swap3A_406], %bitcast3A_405 {strides = array<i32>} : memref<80xf32, #tpu.memory_space<vmem>>, vector<16xf32>,
      %get3A_408 = arith.constant 1072 : index
      %get3A_409 = tpu.vector_load %arg10[%get3A_408] {strides = array<i32>} : memref<1200xi32, #tpu.memory_space<vmem>>, vector<16xi32>,
      %swap3A_410 = arith.constant 32 : index
      %swap3A_411 = tpu.vector_load %arg12[%swap3A_410] {strides = array<i32>} : memref<80xi32, #tpu.memory_space<vmem>>, vector<16xi32>,
      tpu.vector_store %arg12[%swap3A_410], %get3A_409 {strides = array<i32>} : memref<80xi32, #tpu.memory_space<vmem>>, vector<16xi32>,
      %get3A_412 = arith.constant 1152 : index
      %get3A_413 = tpu.vector_load %arg10[%get3A_412] {strides = array<i32>} : memref<1200xi32, #tpu.memory_space<vmem>>, vector<16xi32>,
      %bitcast3A_414 = vector.bitcast %get3A_413 : vector<16xi32> to vector<16xf32>
      %swap3A_415 = arith.constant 32 : index
      %swap3A_416 = tpu.vector_load %arg14[%swap3A_415] {strides = array<i32>} : memref<80xf32, #tpu.memory_space<vmem>>, vector<16xf32>,
      tpu.vector_store %arg14[%swap3A_415], %bitcast3A_414 {strides = array<i32>} : memref<80xf32, #tpu.memory_space<vmem>>, vector<16xf32>,
      %get3A_417 = arith.constant 1088 : index
      %get3A_418 = tpu.vector_load %arg10[%get3A_417] {strides = array<i32>} : memref<1200xi32, #tpu.memory_space<vmem>>, vector<16xi32>,
      %swap3A_419 = arith.constant 48 : index
      %swap3A_420 = tpu.vector_load %arg12[%swap3A_419] {strides = array<i32>} : memref<80xi32, #tpu.memory_space<vmem>>, vector<16xi32>,
      tpu.vector_store %arg12[%swap3A_419], %get3A_418 {strides = array<i32>} : memref<80xi32, #tpu.memory_space<vmem>>, vector<16xi32>,
      %get3A_421 = arith.constant 1168 : index
      %get3A_422 = tpu.vector_load %arg10[%get3A_421] {strides = array<i32>} : memref<1200xi32, #tpu.memory_space<vmem>>, vector<16xi32>,
      %bitcast3A_423 = vector.bitcast %get3A_422 : vector<16xi32> to vector<16xf32>
      %swap3A_424 = arith.constant 48 : index
      %swap3A_425 = tpu.vector_load %arg14[%swap3A_424] {strides = array<i32>} : memref<80xf32, #tpu.memory_space<vmem>>, vector<16xf32>,
      tpu.vector_store %arg14[%swap3A_424], %bitcast3A_423 {strides = array<i32>} : memref<80xf32, #tpu.memory_space<vmem>>, vector<16xf32>,
      %get3A_426 = arith.constant 1104 : index
      %get3A_427 = tpu.vector_load %arg10[%get3A_426] {strides = array<i32>} : memref<1200xi32, #tpu.memory_space<vmem>>, vector<16xi32>,
      %swap3A_428 = arith.constant 64 : index
      %swap3A_429 = tpu.vector_load %arg12[%swap3A_428] {strides = array<i32>} : memref<80xi32, #tpu.memory_space<vmem>>, vector<16xi32>,
      tpu.vector_store %arg12[%swap3A_428], %get3A_427 {strides = array<i32>} : memref<80xi32, #tpu.memory_space<vmem>>, vector<16xi32>,
      %get3A_430 = arith.constant 1184 : index
      %get3A_431 = tpu.vector_load %arg10[%get3A_430] {strides = array<i32>} : memref<1200xi32, #tpu.memory_space<vmem>>, vector<16xi32>,
      %bitcast3A_432 = vector.bitcast %get3A_431 : vector<16xi32> to vector<16xf32>
      %swap3A_433 = arith.constant 64 : index
      %swap3A_434 = tpu.vector_load %arg14[%swap3A_433] {strides = array<i32>} : memref<80xf32, #tpu.memory_space<vmem>>, vector<16xf32>,
      tpu.vector_store %arg14[%swap3A_433], %bitcast3A_432 {strides = array<i32>} : memref<80xf32, #tpu.memory_space<vmem>>, vector<16xf32>,
      "tpu.region"() ({
        %run_scoped3A = tpu.sem_alloc : memref<!tpu.dma_semaphore, #tpu.memory_space<semaphore_mem>>
        %dma_start3A_685 = arith.constant 0 : i32
        %dma_start3A_686 = tpu.memref_slice %arg18[%dma_start3A_685] : memref<10240xf32, #tpu.memory_space<vmem_shared>> -> memref<10240xf32, #tpu.memory_space<vmem_shared>>
        tpu.enqueue_indirect_dma source(%arg14 : memref<80xf32, #tpu.memory_space<vmem>>) target(%dma_start3A_686 : memref<10240xf32, #tpu.memory_space<vmem_shared>>) offsets(%arg12 : memref<80xi32, #tpu.memory_space<vmem>>) semaphore(%run_scoped3A : memref<!tpu.dma_semaphore, #tpu.memory_space<semaphore_mem>>) {add = true}
        %dma_wait3A_687 = arith.constant 0 : i32
        %dma_wait3A_688 = tpu.memref_slice %arg18[%dma_wait3A_687] : memref<10240xf32, #tpu.memory_space<vmem_shared>> -> memref<10240xf32, #tpu.memory_space<vmem_shared>>
        tpu.wait_indirect_dma semaphore(%run_scoped3A : memref<!tpu.dma_semaphore, #tpu.memory_space<semaphore_mem>>) src(%arg14 : memref<80xf32, #tpu.memory_space<vmem>>) dst(%dma_wait3A_688 : memref<10240xf32, #tpu.memory_space<vmem_shared>>)
        tpu.yield
      }) : () -> ()
      %add3A_435 = arith.constant 2 : i32
      %add3A_436 = arith.addi %add3A_202, %add3A_435 : i32
      %lt3A = arith.constant 50 : i32
      %lt3A_437 = arith.cmpi slt, %add3A_436, %lt3A : i32
      %convert_element_type3A_438 = arith.extui %lt3A_437 : i1 to i32
      %cond3A_439 = arith.constant 0 : i32
      %cond3A_440 = arith.cmpi ne, %convert_element_type3A_438, %cond3A_439 : i32
      scf.if %cond3A_440 {
        %add3A_685 = arith.constant 2 : i32
        %add3A_686 = arith.addi %add3A_202, %add3A_685 : i32
        %mul3A_687 = arith.constant 5 : i32
        %mul3A_688 = arith.muli %add3A_686, %mul3A_687 : i32
        %add3A_689 = arith.addi %mul3A_50, %mul3A_688 : i32
        %mul3A_690 = arith.constant 240 : i32
        %mul3A_691 = arith.muli %add3A_689, %mul3A_690 : i32
        %dma_start3A_692 = tpu.memref_slice %arg3[%mul3A_691] : memref<960000xi32, #tpu.memory_space<hbm>> -> memref<1200xi32, #tpu.memory_space<hbm>>
        %dma_start3A_693 = tpu.memref_slice %arg3[%mul3A_691] : memref<960000xi32, #tpu.memory_space<hbm>> -> memref<1200xi32, #tpu.memory_space<hbm>>
        tpu.enqueue_dma source(%dma_start3A_693 : memref<1200xi32, #tpu.memory_space<hbm>>) target(%arg10 : memref<1200xi32, #tpu.memory_space<vmem>>) target_semaphore(%arg23 : memref<!tpu.dma_semaphore, #tpu.memory_space<semaphore_mem>>)
      } else {
      }
      %mul3A_441 = arith.constant 2 : i32
      %mul3A_442 = arith.muli %scan3A_197, %mul3A_441 : i32
      %add3A_443 = arith.constant 1 : i32
      %add3A_444 = arith.addi %mul3A_442, %add3A_443 : i32
      %mul3A_445 = arith.constant 5 : i32
      %mul3A_446 = arith.muli %add3A_444, %mul3A_445 : i32
      %add3A_447 = arith.addi %mul3A_50, %mul3A_446 : i32
      %mul3A_448 = arith.constant 240 : i32
      %mul3A_449 = arith.muli %add3A_447, %mul3A_448 : i32
      %dma_wait3A_450 = tpu.memref_slice %arg3[%mul3A_449] : memref<960000xi32, #tpu.memory_space<hbm>> -> memref<1200xi32, #tpu.memory_space<hbm>>
      %dma_wait3A_451 = tpu.memref_slice %arg3[%mul3A_449] : memref<960000xi32, #tpu.memory_space<hbm>> -> memref<1200xi32, #tpu.memory_space<hbm>>
      tpu.wait_dma2 semaphore(%arg24 : memref<!tpu.dma_semaphore, #tpu.memory_space<semaphore_mem>>) src(%dma_wait3A_451 : memref<1200xi32, #tpu.memory_space<hbm>>) dst(%arg11 : memref<1200xi32, #tpu.memory_space<vmem>>)
      %get3A_452 = arith.constant 80 : index
      %get3A_453 = tpu.vector_load %arg11[%get3A_452] {strides = array<i32>} : memref<1200xi32, #tpu.memory_space<vmem>>, vector<16xi32>,
      %swap3A_454 = arith.constant 0 : index
      %swap3A_455 = tpu.vector_load %arg12[%swap3A_454] {strides = array<i32>} : memref<80xi32, #tpu.memory_space<vmem>>, vector<16xi32>,
      tpu.vector_store %arg12[%swap3A_454], %get3A_453 {strides = array<i32>} : memref<80xi32, #tpu.memory_space<vmem>>, vector<16xi32>,
      %get3A_456 = arith.constant 160 : index
      %get3A_457 = tpu.vector_load %arg11[%get3A_456] {strides = array<i32>} : memref<1200xi32, #tpu.memory_space<vmem>>, vector<16xi32>,
      %bitcast3A_458 = vector.bitcast %get3A_457 : vector<16xi32> to vector<16xf32>
      %swap3A_459 = arith.constant 0 : index
      %swap3A_460 = tpu.vector_load %arg14[%swap3A_459] {strides = array<i32>} : memref<80xf32, #tpu.memory_space<vmem>>, vector<16xf32>,
      tpu.vector_store %arg14[%swap3A_459], %bitcast3A_458 {strides = array<i32>} : memref<80xf32, #tpu.memory_space<vmem>>, vector<16xf32>,
      %get3A_461 = arith.constant 96 : index
      %get3A_462 = tpu.vector_load %arg11[%get3A_461] {strides = array<i32>} : memref<1200xi32, #tpu.memory_space<vmem>>, vector<16xi32>,
      %swap3A_463 = arith.constant 16 : index
      %swap3A_464 = tpu.vector_load %arg12[%swap3A_463] {strides = array<i32>} : memref<80xi32, #tpu.memory_space<vmem>>, vector<16xi32>,
      tpu.vector_store %arg12[%swap3A_463], %get3A_462 {strides = array<i32>} : memref<80xi32, #tpu.memory_space<vmem>>, vector<16xi32>,
      %get3A_465 = arith.constant 176 : index
      %get3A_466 = tpu.vector_load %arg11[%get3A_465] {strides = array<i32>} : memref<1200xi32, #tpu.memory_space<vmem>>, vector<16xi32>,
      %bitcast3A_467 = vector.bitcast %get3A_466 : vector<16xi32> to vector<16xf32>
      %swap3A_468 = arith.constant 16 : index
      %swap3A_469 = tpu.vector_load %arg14[%swap3A_468] {strides = array<i32>} : memref<80xf32, #tpu.memory_space<vmem>>, vector<16xf32>,
      tpu.vector_store %arg14[%swap3A_468], %bitcast3A_467 {strides = array<i32>} : memref<80xf32, #tpu.memory_space<vmem>>, vector<16xf32>,
      %get3A_470 = arith.constant 112 : index
      %get3A_471 = tpu.vector_load %arg11[%get3A_470] {strides = array<i32>} : memref<1200xi32, #tpu.memory_space<vmem>>, vector<16xi32>,
      %swap3A_472 = arith.constant 32 : index
      %swap3A_473 = tpu.vector_load %arg12[%swap3A_472] {strides = array<i32>} : memref<80xi32, #tpu.memory_space<vmem>>, vector<16xi32>,
      tpu.vector_store %arg12[%swap3A_472], %get3A_471 {strides = array<i32>} : memref<80xi32, #tpu.memory_space<vmem>>, vector<16xi32>,
      %get3A_474 = arith.constant 192 : index
      %get3A_475 = tpu.vector_load %arg11[%get3A_474] {strides = array<i32>} : memref<1200xi32, #tpu.memory_space<vmem>>, vector<16xi32>,
      %bitcast3A_476 = vector.bitcast %get3A_475 : vector<16xi32> to vector<16xf32>
      %swap3A_477 = arith.constant 32 : index
      %swap3A_478 = tpu.vector_load %arg14[%swap3A_477] {strides = array<i32>} : memref<80xf32, #tpu.memory_space<vmem>>, vector<16xf32>,
      tpu.vector_store %arg14[%swap3A_477], %bitcast3A_476 {strides = array<i32>} : memref<80xf32, #tpu.memory_space<vmem>>, vector<16xf32>,
      %get3A_479 = arith.constant 128 : index
      %get3A_480 = tpu.vector_load %arg11[%get3A_479] {strides = array<i32>} : memref<1200xi32, #tpu.memory_space<vmem>>, vector<16xi32>,
      %swap3A_481 = arith.constant 48 : index
      %swap3A_482 = tpu.vector_load %arg12[%swap3A_481] {strides = array<i32>} : memref<80xi32, #tpu.memory_space<vmem>>, vector<16xi32>,
      tpu.vector_store %arg12[%swap3A_481], %get3A_480 {strides = array<i32>} : memref<80xi32, #tpu.memory_space<vmem>>, vector<16xi32>,
      %get3A_483 = arith.constant 208 : index
      %get3A_484 = tpu.vector_load %arg11[%get3A_483] {strides = array<i32>} : memref<1200xi32, #tpu.memory_space<vmem>>, vector<16xi32>,
      %bitcast3A_485 = vector.bitcast %get3A_484 : vector<16xi32> to vector<16xf32>
      %swap3A_486 = arith.constant 48 : index
      %swap3A_487 = tpu.vector_load %arg14[%swap3A_486] {strides = array<i32>} : memref<80xf32, #tpu.memory_space<vmem>>, vector<16xf32>,
      tpu.vector_store %arg14[%swap3A_486], %bitcast3A_485 {strides = array<i32>} : memref<80xf32, #tpu.memory_space<vmem>>, vector<16xf32>,
      %get3A_488 = arith.constant 144 : index
      %get3A_489 = tpu.vector_load %arg11[%get3A_488] {strides = array<i32>} : memref<1200xi32, #tpu.memory_space<vmem>>, vector<16xi32>,
      %swap3A_490 = arith.constant 64 : index
      %swap3A_491 = tpu.vector_load %arg12[%swap3A_490] {strides = array<i32>} : memref<80xi32, #tpu.memory_space<vmem>>, vector<16xi32>,
      tpu.vector_store %arg12[%swap3A_490], %get3A_489 {strides = array<i32>} : memref<80xi32, #tpu.memory_space<vmem>>, vector<16xi32>,
      %get3A_492 = arith.constant 224 : index
      %get3A_493 = tpu.vector_load %arg11[%get3A_492] {strides = array<i32>} : memref<1200xi32, #tpu.memory_space<vmem>>, vector<16xi32>,
      %bitcast3A_494 = vector.bitcast %get3A_493 : vector<16xi32> to vector<16xf32>
      %swap3A_495 = arith.constant 64 : index
      %swap3A_496 = tpu.vector_load %arg14[%swap3A_495] {strides = array<i32>} : memref<80xf32, #tpu.memory_space<vmem>>, vector<16xf32>,
      tpu.vector_store %arg14[%swap3A_495], %bitcast3A_494 {strides = array<i32>} : memref<80xf32, #tpu.memory_space<vmem>>, vector<16xf32>,
      "tpu.region"() ({
        %run_scoped3A = tpu.sem_alloc : memref<!tpu.dma_semaphore, #tpu.memory_space<semaphore_mem>>
        %dma_start3A_685 = arith.constant 0 : i32
        %dma_start3A_686 = tpu.memref_slice %arg18[%dma_start3A_685] : memref<10240xf32, #tpu.memory_space<vmem_shared>> -> memref<10240xf32, #tpu.memory_space<vmem_shared>>
        tpu.enqueue_indirect_dma source(%arg14 : memref<80xf32, #tpu.memory_space<vmem>>) target(%dma_start3A_686 : memref<10240xf32, #tpu.memory_space<vmem_shared>>) offsets(%arg12 : memref<80xi32, #tpu.memory_space<vmem>>) semaphore(%run_scoped3A : memref<!tpu.dma_semaphore, #tpu.memory_space<semaphore_mem>>) {add = true}
        %dma_wait3A_687 = arith.constant 0 : i32
        %dma_wait3A_688 = tpu.memref_slice %arg18[%dma_wait3A_687] : memref<10240xf32, #tpu.memory_space<vmem_shared>> -> memref<10240xf32, #tpu.memory_space<vmem_shared>>
        tpu.wait_indirect_dma semaphore(%run_scoped3A : memref<!tpu.dma_semaphore, #tpu.memory_space<semaphore_mem>>) src(%arg14 : memref<80xf32, #tpu.memory_space<vmem>>) dst(%dma_wait3A_688 : memref<10240xf32, #tpu.memory_space<vmem_shared>>)
        tpu.yield
      }) : () -> ()
      %get3A_497 = arith.constant 320 : index
      %get3A_498 = tpu.vector_load %arg11[%get3A_497] {strides = array<i32>} : memref<1200xi32, #tpu.memory_space<vmem>>, vector<16xi32>,
      %swap3A_499 = arith.constant 0 : index
      %swap3A_500 = tpu.vector_load %arg12[%swap3A_499] {strides = array<i32>} : memref<80xi32, #tpu.memory_space<vmem>>, vector<16xi32>,
      tpu.vector_store %arg12[%swap3A_499], %get3A_498 {strides = array<i32>} : memref<80xi32, #tpu.memory_space<vmem>>, vector<16xi32>,
      %get3A_501 = arith.constant 400 : index
      %get3A_502 = tpu.vector_load %arg11[%get3A_501] {strides = array<i32>} : memref<1200xi32, #tpu.memory_space<vmem>>, vector<16xi32>,
      %bitcast3A_503 = vector.bitcast %get3A_502 : vector<16xi32> to vector<16xf32>
      %swap3A_504 = arith.constant 0 : index
      %swap3A_505 = tpu.vector_load %arg14[%swap3A_504] {strides = array<i32>} : memref<80xf32, #tpu.memory_space<vmem>>, vector<16xf32>,
      tpu.vector_store %arg14[%swap3A_504], %bitcast3A_503 {strides = array<i32>} : memref<80xf32, #tpu.memory_space<vmem>>, vector<16xf32>,
      %get3A_506 = arith.constant 336 : index
      %get3A_507 = tpu.vector_load %arg11[%get3A_506] {strides = array<i32>} : memref<1200xi32, #tpu.memory_space<vmem>>, vector<16xi32>,
      %swap3A_508 = arith.constant 16 : index
      %swap3A_509 = tpu.vector_load %arg12[%swap3A_508] {strides = array<i32>} : memref<80xi32, #tpu.memory_space<vmem>>, vector<16xi32>,
      tpu.vector_store %arg12[%swap3A_508], %get3A_507 {strides = array<i32>} : memref<80xi32, #tpu.memory_space<vmem>>, vector<16xi32>,
      %get3A_510 = arith.constant 416 : index
      %get3A_511 = tpu.vector_load %arg11[%get3A_510] {strides = array<i32>} : memref<1200xi32, #tpu.memory_space<vmem>>, vector<16xi32>,
      %bitcast3A_512 = vector.bitcast %get3A_511 : vector<16xi32> to vector<16xf32>
      %swap3A_513 = arith.constant 16 : index
      %swap3A_514 = tpu.vector_load %arg14[%swap3A_513] {strides = array<i32>} : memref<80xf32, #tpu.memory_space<vmem>>, vector<16xf32>,
      tpu.vector_store %arg14[%swap3A_513], %bitcast3A_512 {strides = array<i32>} : memref<80xf32, #tpu.memory_space<vmem>>, vector<16xf32>,
      %get3A_515 = arith.constant 352 : index
      %get3A_516 = tpu.vector_load %arg11[%get3A_515] {strides = array<i32>} : memref<1200xi32, #tpu.memory_space<vmem>>, vector<16xi32>,
      %swap3A_517 = arith.constant 32 : index
      %swap3A_518 = tpu.vector_load %arg12[%swap3A_517] {strides = array<i32>} : memref<80xi32, #tpu.memory_space<vmem>>, vector<16xi32>,
      tpu.vector_store %arg12[%swap3A_517], %get3A_516 {strides = array<i32>} : memref<80xi32, #tpu.memory_space<vmem>>, vector<16xi32>,
      %get3A_519 = arith.constant 432 : index
      %get3A_520 = tpu.vector_load %arg11[%get3A_519] {strides = array<i32>} : memref<1200xi32, #tpu.memory_space<vmem>>, vector<16xi32>,
      %bitcast3A_521 = vector.bitcast %get3A_520 : vector<16xi32> to vector<16xf32>
      %swap3A_522 = arith.constant 32 : index
      %swap3A_523 = tpu.vector_load %arg14[%swap3A_522] {strides = array<i32>} : memref<80xf32, #tpu.memory_space<vmem>>, vector<16xf32>,
      tpu.vector_store %arg14[%swap3A_522], %bitcast3A_521 {strides = array<i32>} : memref<80xf32, #tpu.memory_space<vmem>>, vector<16xf32>,
      %get3A_524 = arith.constant 368 : index
      %get3A_525 = tpu.vector_load %arg11[%get3A_524] {strides = array<i32>} : memref<1200xi32, #tpu.memory_space<vmem>>, vector<16xi32>,
      %swap3A_526 = arith.constant 48 : index
      %swap3A_527 = tpu.vector_load %arg12[%swap3A_526] {strides = array<i32>} : memref<80xi32, #tpu.memory_space<vmem>>, vector<16xi32>,
      tpu.vector_store %arg12[%swap3A_526], %get3A_525 {strides = array<i32>} : memref<80xi32, #tpu.memory_space<vmem>>, vector<16xi32>,
      %get3A_528 = arith.constant 448 : index
      %get3A_529 = tpu.vector_load %arg11[%get3A_528] {strides = array<i32>} : memref<1200xi32, #tpu.memory_space<vmem>>, vector<16xi32>,
      %bitcast3A_530 = vector.bitcast %get3A_529 : vector<16xi32> to vector<16xf32>
      %swap3A_531 = arith.constant 48 : index
      %swap3A_532 = tpu.vector_load %arg14[%swap3A_531] {strides = array<i32>} : memref<80xf32, #tpu.memory_space<vmem>>, vector<16xf32>,
      tpu.vector_store %arg14[%swap3A_531], %bitcast3A_530 {strides = array<i32>} : memref<80xf32, #tpu.memory_space<vmem>>, vector<16xf32>,
      %get3A_533 = arith.constant 384 : index
      %get3A_534 = tpu.vector_load %arg11[%get3A_533] {strides = array<i32>} : memref<1200xi32, #tpu.memory_space<vmem>>, vector<16xi32>,
      %swap3A_535 = arith.constant 64 : index
      %swap3A_536 = tpu.vector_load %arg12[%swap3A_535] {strides = array<i32>} : memref<80xi32, #tpu.memory_space<vmem>>, vector<16xi32>,
      tpu.vector_store %arg12[%swap3A_535], %get3A_534 {strides = array<i32>} : memref<80xi32, #tpu.memory_space<vmem>>, vector<16xi32>,
      %get3A_537 = arith.constant 464 : index
      %get3A_538 = tpu.vector_load %arg11[%get3A_537] {strides = array<i32>} : memref<1200xi32, #tpu.memory_space<vmem>>, vector<16xi32>,
      %bitcast3A_539 = vector.bitcast %get3A_538 : vector<16xi32> to vector<16xf32>
      %swap3A_540 = arith.constant 64 : index
      %swap3A_541 = tpu.vector_load %arg14[%swap3A_540] {strides = array<i32>} : memref<80xf32, #tpu.memory_space<vmem>>, vector<16xf32>,
      tpu.vector_store %arg14[%swap3A_540], %bitcast3A_539 {strides = array<i32>} : memref<80xf32, #tpu.memory_space<vmem>>, vector<16xf32>,
      "tpu.region"() ({
        %run_scoped3A = tpu.sem_alloc : memref<!tpu.dma_semaphore, #tpu.memory_space<semaphore_mem>>
        %dma_start3A_685 = arith.constant 0 : i32
        %dma_start3A_686 = tpu.memref_slice %arg18[%dma_start3A_685] : memref<10240xf32, #tpu.memory_space<vmem_shared>> -> memref<10240xf32, #tpu.memory_space<vmem_shared>>
        tpu.enqueue_indirect_dma source(%arg14 : memref<80xf32, #tpu.memory_space<vmem>>) target(%dma_start3A_686 : memref<10240xf32, #tpu.memory_space<vmem_shared>>) offsets(%arg12 : memref<80xi32, #tpu.memory_space<vmem>>) semaphore(%run_scoped3A : memref<!tpu.dma_semaphore, #tpu.memory_space<semaphore_mem>>) {add = true}
        %dma_wait3A_687 = arith.constant 0 : i32
        %dma_wait3A_688 = tpu.memref_slice %arg18[%dma_wait3A_687] : memref<10240xf32, #tpu.memory_space<vmem_shared>> -> memref<10240xf32, #tpu.memory_space<vmem_shared>>
        tpu.wait_indirect_dma semaphore(%run_scoped3A : memref<!tpu.dma_semaphore, #tpu.memory_space<semaphore_mem>>) src(%arg14 : memref<80xf32, #tpu.memory_space<vmem>>) dst(%dma_wait3A_688 : memref<10240xf32, #tpu.memory_space<vmem_shared>>)
        tpu.yield
      }) : () -> ()
      %get3A_542 = arith.constant 560 : index
      %get3A_543 = tpu.vector_load %arg11[%get3A_542] {strides = array<i32>} : memref<1200xi32, #tpu.memory_space<vmem>>, vector<16xi32>,
      %swap3A_544 = arith.constant 0 : index
      %swap3A_545 = tpu.vector_load %arg12[%swap3A_544] {strides = array<i32>} : memref<80xi32, #tpu.memory_space<vmem>>, vector<16xi32>,
      tpu.vector_store %arg12[%swap3A_544], %get3A_543 {strides = array<i32>} : memref<80xi32, #tpu.memory_space<vmem>>, vector<16xi32>,
      %get3A_546 = arith.constant 640 : index
      %get3A_547 = tpu.vector_load %arg11[%get3A_546] {strides = array<i32>} : memref<1200xi32, #tpu.memory_space<vmem>>, vector<16xi32>,
      %bitcast3A_548 = vector.bitcast %get3A_547 : vector<16xi32> to vector<16xf32>
      %swap3A_549 = arith.constant 0 : index
      %swap3A_550 = tpu.vector_load %arg14[%swap3A_549] {strides = array<i32>} : memref<80xf32, #tpu.memory_space<vmem>>, vector<16xf32>,
      tpu.vector_store %arg14[%swap3A_549], %bitcast3A_548 {strides = array<i32>} : memref<80xf32, #tpu.memory_space<vmem>>, vector<16xf32>,
      %get3A_551 = arith.constant 576 : index
      %get3A_552 = tpu.vector_load %arg11[%get3A_551] {strides = array<i32>} : memref<1200xi32, #tpu.memory_space<vmem>>, vector<16xi32>,
      %swap3A_553 = arith.constant 16 : index
      %swap3A_554 = tpu.vector_load %arg12[%swap3A_553] {strides = array<i32>} : memref<80xi32, #tpu.memory_space<vmem>>, vector<16xi32>,
      tpu.vector_store %arg12[%swap3A_553], %get3A_552 {strides = array<i32>} : memref<80xi32, #tpu.memory_space<vmem>>, vector<16xi32>,
      %get3A_555 = arith.constant 656 : index
      %get3A_556 = tpu.vector_load %arg11[%get3A_555] {strides = array<i32>} : memref<1200xi32, #tpu.memory_space<vmem>>, vector<16xi32>,
      %bitcast3A_557 = vector.bitcast %get3A_556 : vector<16xi32> to vector<16xf32>
      %swap3A_558 = arith.constant 16 : index
      %swap3A_559 = tpu.vector_load %arg14[%swap3A_558] {strides = array<i32>} : memref<80xf32, #tpu.memory_space<vmem>>, vector<16xf32>,
      tpu.vector_store %arg14[%swap3A_558], %bitcast3A_557 {strides = array<i32>} : memref<80xf32, #tpu.memory_space<vmem>>, vector<16xf32>,
      %get3A_560 = arith.constant 592 : index
      %get3A_561 = tpu.vector_load %arg11[%get3A_560] {strides = array<i32>} : memref<1200xi32, #tpu.memory_space<vmem>>, vector<16xi32>,
      %swap3A_562 = arith.constant 32 : index
      %swap3A_563 = tpu.vector_load %arg12[%swap3A_562] {strides = array<i32>} : memref<80xi32, #tpu.memory_space<vmem>>, vector<16xi32>,
      tpu.vector_store %arg12[%swap3A_562], %get3A_561 {strides = array<i32>} : memref<80xi32, #tpu.memory_space<vmem>>, vector<16xi32>,
      %get3A_564 = arith.constant 672 : index
      %get3A_565 = tpu.vector_load %arg11[%get3A_564] {strides = array<i32>} : memref<1200xi32, #tpu.memory_space<vmem>>, vector<16xi32>,
      %bitcast3A_566 = vector.bitcast %get3A_565 : vector<16xi32> to vector<16xf32>
      %swap3A_567 = arith.constant 32 : index
      %swap3A_568 = tpu.vector_load %arg14[%swap3A_567] {strides = array<i32>} : memref<80xf32, #tpu.memory_space<vmem>>, vector<16xf32>,
      tpu.vector_store %arg14[%swap3A_567], %bitcast3A_566 {strides = array<i32>} : memref<80xf32, #tpu.memory_space<vmem>>, vector<16xf32>,
      %get3A_569 = arith.constant 608 : index
      %get3A_570 = tpu.vector_load %arg11[%get3A_569] {strides = array<i32>} : memref<1200xi32, #tpu.memory_space<vmem>>, vector<16xi32>,
      %swap3A_571 = arith.constant 48 : index
      %swap3A_572 = tpu.vector_load %arg12[%swap3A_571] {strides = array<i32>} : memref<80xi32, #tpu.memory_space<vmem>>, vector<16xi32>,
      tpu.vector_store %arg12[%swap3A_571], %get3A_570 {strides = array<i32>} : memref<80xi32, #tpu.memory_space<vmem>>, vector<16xi32>,
      %get3A_573 = arith.constant 688 : index
      %get3A_574 = tpu.vector_load %arg11[%get3A_573] {strides = array<i32>} : memref<1200xi32, #tpu.memory_space<vmem>>, vector<16xi32>,
      %bitcast3A_575 = vector.bitcast %get3A_574 : vector<16xi32> to vector<16xf32>
      %swap3A_576 = arith.constant 48 : index
      %swap3A_577 = tpu.vector_load %arg14[%swap3A_576] {strides = array<i32>} : memref<80xf32, #tpu.memory_space<vmem>>, vector<16xf32>,
      tpu.vector_store %arg14[%swap3A_576], %bitcast3A_575 {strides = array<i32>} : memref<80xf32, #tpu.memory_space<vmem>>, vector<16xf32>,
      %get3A_578 = arith.constant 624 : index
      %get3A_579 = tpu.vector_load %arg11[%get3A_578] {strides = array<i32>} : memref<1200xi32, #tpu.memory_space<vmem>>, vector<16xi32>,
      %swap3A_580 = arith.constant 64 : index
      %swap3A_581 = tpu.vector_load %arg12[%swap3A_580] {strides = array<i32>} : memref<80xi32, #tpu.memory_space<vmem>>, vector<16xi32>,
      tpu.vector_store %arg12[%swap3A_580], %get3A_579 {strides = array<i32>} : memref<80xi32, #tpu.memory_space<vmem>>, vector<16xi32>,
      %get3A_582 = arith.constant 704 : index
      %get3A_583 = tpu.vector_load %arg11[%get3A_582] {strides = array<i32>} : memref<1200xi32, #tpu.memory_space<vmem>>, vector<16xi32>,
      %bitcast3A_584 = vector.bitcast %get3A_583 : vector<16xi32> to vector<16xf32>
      %swap3A_585 = arith.constant 64 : index
      %swap3A_586 = tpu.vector_load %arg14[%swap3A_585] {strides = array<i32>} : memref<80xf32, #tpu.memory_space<vmem>>, vector<16xf32>,
      tpu.vector_store %arg14[%swap3A_585], %bitcast3A_584 {strides = array<i32>} : memref<80xf32, #tpu.memory_space<vmem>>, vector<16xf32>,
      "tpu.region"() ({
        %run_scoped3A = tpu.sem_alloc : memref<!tpu.dma_semaphore, #tpu.memory_space<semaphore_mem>>
        %dma_start3A_685 = arith.constant 0 : i32
        %dma_start3A_686 = tpu.memref_slice %arg18[%dma_start3A_685] : memref<10240xf32, #tpu.memory_space<vmem_shared>> -> memref<10240xf32, #tpu.memory_space<vmem_shared>>
        tpu.enqueue_indirect_dma source(%arg14 : memref<80xf32, #tpu.memory_space<vmem>>) target(%dma_start3A_686 : memref<10240xf32, #tpu.memory_space<vmem_shared>>) offsets(%arg12 : memref<80xi32, #tpu.memory_space<vmem>>) semaphore(%run_scoped3A : memref<!tpu.dma_semaphore, #tpu.memory_space<semaphore_mem>>) {add = true}
        %dma_wait3A_687 = arith.constant 0 : i32
        %dma_wait3A_688 = tpu.memref_slice %arg18[%dma_wait3A_687] : memref<10240xf32, #tpu.memory_space<vmem_shared>> -> memref<10240xf32, #tpu.memory_space<vmem_shared>>
        tpu.wait_indirect_dma semaphore(%run_scoped3A : memref<!tpu.dma_semaphore, #tpu.memory_space<semaphore_mem>>) src(%arg14 : memref<80xf32, #tpu.memory_space<vmem>>) dst(%dma_wait3A_688 : memref<10240xf32, #tpu.memory_space<vmem_shared>>)
        tpu.yield
      }) : () -> ()
      %get3A_587 = arith.constant 800 : index
      %get3A_588 = tpu.vector_load %arg11[%get3A_587] {strides = array<i32>} : memref<1200xi32, #tpu.memory_space<vmem>>, vector<16xi32>,
      %swap3A_589 = arith.constant 0 : index
      %swap3A_590 = tpu.vector_load %arg12[%swap3A_589] {strides = array<i32>} : memref<80xi32, #tpu.memory_space<vmem>>, vector<16xi32>,
      tpu.vector_store %arg12[%swap3A_589], %get3A_588 {strides = array<i32>} : memref<80xi32, #tpu.memory_space<vmem>>, vector<16xi32>,
      %get3A_591 = arith.constant 880 : index
      %get3A_592 = tpu.vector_load %arg11[%get3A_591] {strides = array<i32>} : memref<1200xi32, #tpu.memory_space<vmem>>, vector<16xi32>,
      %bitcast3A_593 = vector.bitcast %get3A_592 : vector<16xi32> to vector<16xf32>
      %swap3A_594 = arith.constant 0 : index
      %swap3A_595 = tpu.vector_load %arg14[%swap3A_594] {strides = array<i32>} : memref<80xf32, #tpu.memory_space<vmem>>, vector<16xf32>,
      tpu.vector_store %arg14[%swap3A_594], %bitcast3A_593 {strides = array<i32>} : memref<80xf32, #tpu.memory_space<vmem>>, vector<16xf32>,
      %get3A_596 = arith.constant 816 : index
      %get3A_597 = tpu.vector_load %arg11[%get3A_596] {strides = array<i32>} : memref<1200xi32, #tpu.memory_space<vmem>>, vector<16xi32>,
      %swap3A_598 = arith.constant 16 : index
      %swap3A_599 = tpu.vector_load %arg12[%swap3A_598] {strides = array<i32>} : memref<80xi32, #tpu.memory_space<vmem>>, vector<16xi32>,
      tpu.vector_store %arg12[%swap3A_598], %get3A_597 {strides = array<i32>} : memref<80xi32, #tpu.memory_space<vmem>>, vector<16xi32>,
      %get3A_600 = arith.constant 896 : index
      %get3A_601 = tpu.vector_load %arg11[%get3A_600] {strides = array<i32>} : memref<1200xi32, #tpu.memory_space<vmem>>, vector<16xi32>,
      %bitcast3A_602 = vector.bitcast %get3A_601 : vector<16xi32> to vector<16xf32>
      %swap3A_603 = arith.constant 16 : index
      %swap3A_604 = tpu.vector_load %arg14[%swap3A_603] {strides = array<i32>} : memref<80xf32, #tpu.memory_space<vmem>>, vector<16xf32>,
      tpu.vector_store %arg14[%swap3A_603], %bitcast3A_602 {strides = array<i32>} : memref<80xf32, #tpu.memory_space<vmem>>, vector<16xf32>,
      %get3A_605 = arith.constant 832 : index
      %get3A_606 = tpu.vector_load %arg11[%get3A_605] {strides = array<i32>} : memref<1200xi32, #tpu.memory_space<vmem>>, vector<16xi32>,
      %swap3A_607 = arith.constant 32 : index
      %swap3A_608 = tpu.vector_load %arg12[%swap3A_607] {strides = array<i32>} : memref<80xi32, #tpu.memory_space<vmem>>, vector<16xi32>,
      tpu.vector_store %arg12[%swap3A_607], %get3A_606 {strides = array<i32>} : memref<80xi32, #tpu.memory_space<vmem>>, vector<16xi32>,
      %get3A_609 = arith.constant 912 : index
      %get3A_610 = tpu.vector_load %arg11[%get3A_609] {strides = array<i32>} : memref<1200xi32, #tpu.memory_space<vmem>>, vector<16xi32>,
      %bitcast3A_611 = vector.bitcast %get3A_610 : vector<16xi32> to vector<16xf32>
      %swap3A_612 = arith.constant 32 : index
      %swap3A_613 = tpu.vector_load %arg14[%swap3A_612] {strides = array<i32>} : memref<80xf32, #tpu.memory_space<vmem>>, vector<16xf32>,
      tpu.vector_store %arg14[%swap3A_612], %bitcast3A_611 {strides = array<i32>} : memref<80xf32, #tpu.memory_space<vmem>>, vector<16xf32>,
      %get3A_614 = arith.constant 848 : index
      %get3A_615 = tpu.vector_load %arg11[%get3A_614] {strides = array<i32>} : memref<1200xi32, #tpu.memory_space<vmem>>, vector<16xi32>,
      %swap3A_616 = arith.constant 48 : index
      %swap3A_617 = tpu.vector_load %arg12[%swap3A_616] {strides = array<i32>} : memref<80xi32, #tpu.memory_space<vmem>>, vector<16xi32>,
      tpu.vector_store %arg12[%swap3A_616], %get3A_615 {strides = array<i32>} : memref<80xi32, #tpu.memory_space<vmem>>, vector<16xi32>,
      %get3A_618 = arith.constant 928 : index
      %get3A_619 = tpu.vector_load %arg11[%get3A_618] {strides = array<i32>} : memref<1200xi32, #tpu.memory_space<vmem>>, vector<16xi32>,
      %bitcast3A_620 = vector.bitcast %get3A_619 : vector<16xi32> to vector<16xf32>
      %swap3A_621 = arith.constant 48 : index
      %swap3A_622 = tpu.vector_load %arg14[%swap3A_621] {strides = array<i32>} : memref<80xf32, #tpu.memory_space<vmem>>, vector<16xf32>,
      tpu.vector_store %arg14[%swap3A_621], %bitcast3A_620 {strides = array<i32>} : memref<80xf32, #tpu.memory_space<vmem>>, vector<16xf32>,
      %get3A_623 = arith.constant 864 : index
      %get3A_624 = tpu.vector_load %arg11[%get3A_623] {strides = array<i32>} : memref<1200xi32, #tpu.memory_space<vmem>>, vector<16xi32>,
      %swap3A_625 = arith.constant 64 : index
      %swap3A_626 = tpu.vector_load %arg12[%swap3A_625] {strides = array<i32>} : memref<80xi32, #tpu.memory_space<vmem>>, vector<16xi32>,
      tpu.vector_store %arg12[%swap3A_625], %get3A_624 {strides = array<i32>} : memref<80xi32, #tpu.memory_space<vmem>>, vector<16xi32>,
      %get3A_627 = arith.constant 944 : index
      %get3A_628 = tpu.vector_load %arg11[%get3A_627] {strides = array<i32>} : memref<1200xi32, #tpu.memory_space<vmem>>, vector<16xi32>,
      %bitcast3A_629 = vector.bitcast %get3A_628 : vector<16xi32> to vector<16xf32>
      %swap3A_630 = arith.constant 64 : index
      %swap3A_631 = tpu.vector_load %arg14[%swap3A_630] {strides = array<i32>} : memref<80xf32, #tpu.memory_space<vmem>>, vector<16xf32>,
      tpu.vector_store %arg14[%swap3A_630], %bitcast3A_629 {strides = array<i32>} : memref<80xf32, #tpu.memory_space<vmem>>, vector<16xf32>,
      "tpu.region"() ({
        %run_scoped3A = tpu.sem_alloc : memref<!tpu.dma_semaphore, #tpu.memory_space<semaphore_mem>>
        %dma_start3A_685 = arith.constant 0 : i32
        %dma_start3A_686 = tpu.memref_slice %arg18[%dma_start3A_685] : memref<10240xf32, #tpu.memory_space<vmem_shared>> -> memref<10240xf32, #tpu.memory_space<vmem_shared>>
        tpu.enqueue_indirect_dma source(%arg14 : memref<80xf32, #tpu.memory_space<vmem>>) target(%dma_start3A_686 : memref<10240xf32, #tpu.memory_space<vmem_shared>>) offsets(%arg12 : memref<80xi32, #tpu.memory_space<vmem>>) semaphore(%run_scoped3A : memref<!tpu.dma_semaphore, #tpu.memory_space<semaphore_mem>>) {add = true}
        %dma_wait3A_687 = arith.constant 0 : i32
        %dma_wait3A_688 = tpu.memref_slice %arg18[%dma_wait3A_687] : memref<10240xf32, #tpu.memory_space<vmem_shared>> -> memref<10240xf32, #tpu.memory_space<vmem_shared>>
        tpu.wait_indirect_dma semaphore(%run_scoped3A : memref<!tpu.dma_semaphore, #tpu.memory_space<semaphore_mem>>) src(%arg14 : memref<80xf32, #tpu.memory_space<vmem>>) dst(%dma_wait3A_688 : memref<10240xf32, #tpu.memory_space<vmem_shared>>)
        tpu.yield
      }) : () -> ()
      %get3A_632 = arith.constant 1040 : index
      %get3A_633 = tpu.vector_load %arg11[%get3A_632] {strides = array<i32>} : memref<1200xi32, #tpu.memory_space<vmem>>, vector<16xi32>,
      %swap3A_634 = arith.constant 0 : index
      %swap3A_635 = tpu.vector_load %arg12[%swap3A_634] {strides = array<i32>} : memref<80xi32, #tpu.memory_space<vmem>>, vector<16xi32>,
      tpu.vector_store %arg12[%swap3A_634], %get3A_633 {strides = array<i32>} : memref<80xi32, #tpu.memory_space<vmem>>, vector<16xi32>,
      %get3A_636 = arith.constant 1120 : index
      %get3A_637 = tpu.vector_load %arg11[%get3A_636] {strides = array<i32>} : memref<1200xi32, #tpu.memory_space<vmem>>, vector<16xi32>,
      %bitcast3A_638 = vector.bitcast %get3A_637 : vector<16xi32> to vector<16xf32>
      %swap3A_639 = arith.constant 0 : index
      %swap3A_640 = tpu.vector_load %arg14[%swap3A_639] {strides = array<i32>} : memref<80xf32, #tpu.memory_space<vmem>>, vector<16xf32>,
      tpu.vector_store %arg14[%swap3A_639], %bitcast3A_638 {strides = array<i32>} : memref<80xf32, #tpu.memory_space<vmem>>, vector<16xf32>,
      %get3A_641 = arith.constant 1056 : index
      %get3A_642 = tpu.vector_load %arg11[%get3A_641] {strides = array<i32>} : memref<1200xi32, #tpu.memory_space<vmem>>, vector<16xi32>,
      %swap3A_643 = arith.constant 16 : index
      %swap3A_644 = tpu.vector_load %arg12[%swap3A_643] {strides = array<i32>} : memref<80xi32, #tpu.memory_space<vmem>>, vector<16xi32>,
      tpu.vector_store %arg12[%swap3A_643], %get3A_642 {strides = array<i32>} : memref<80xi32, #tpu.memory_space<vmem>>, vector<16xi32>,
      %get3A_645 = arith.constant 1136 : index
      %get3A_646 = tpu.vector_load %arg11[%get3A_645] {strides = array<i32>} : memref<1200xi32, #tpu.memory_space<vmem>>, vector<16xi32>,
      %bitcast3A_647 = vector.bitcast %get3A_646 : vector<16xi32> to vector<16xf32>
      %swap3A_648 = arith.constant 16 : index
      %swap3A_649 = tpu.vector_load %arg14[%swap3A_648] {strides = array<i32>} : memref<80xf32, #tpu.memory_space<vmem>>, vector<16xf32>,
      tpu.vector_store %arg14[%swap3A_648], %bitcast3A_647 {strides = array<i32>} : memref<80xf32, #tpu.memory_space<vmem>>, vector<16xf32>,
      %get3A_650 = arith.constant 1072 : index
      %get3A_651 = tpu.vector_load %arg11[%get3A_650] {strides = array<i32>} : memref<1200xi32, #tpu.memory_space<vmem>>, vector<16xi32>,
      %swap3A_652 = arith.constant 32 : index
      %swap3A_653 = tpu.vector_load %arg12[%swap3A_652] {strides = array<i32>} : memref<80xi32, #tpu.memory_space<vmem>>, vector<16xi32>,
      tpu.vector_store %arg12[%swap3A_652], %get3A_651 {strides = array<i32>} : memref<80xi32, #tpu.memory_space<vmem>>, vector<16xi32>,
      %get3A_654 = arith.constant 1152 : index
      %get3A_655 = tpu.vector_load %arg11[%get3A_654] {strides = array<i32>} : memref<1200xi32, #tpu.memory_space<vmem>>, vector<16xi32>,
      %bitcast3A_656 = vector.bitcast %get3A_655 : vector<16xi32> to vector<16xf32>
      %swap3A_657 = arith.constant 32 : index
      %swap3A_658 = tpu.vector_load %arg14[%swap3A_657] {strides = array<i32>} : memref<80xf32, #tpu.memory_space<vmem>>, vector<16xf32>,
      tpu.vector_store %arg14[%swap3A_657], %bitcast3A_656 {strides = array<i32>} : memref<80xf32, #tpu.memory_space<vmem>>, vector<16xf32>,
      %get3A_659 = arith.constant 1088 : index
      %get3A_660 = tpu.vector_load %arg11[%get3A_659] {strides = array<i32>} : memref<1200xi32, #tpu.memory_space<vmem>>, vector<16xi32>,
      %swap3A_661 = arith.constant 48 : index
      %swap3A_662 = tpu.vector_load %arg12[%swap3A_661] {strides = array<i32>} : memref<80xi32, #tpu.memory_space<vmem>>, vector<16xi32>,
      tpu.vector_store %arg12[%swap3A_661], %get3A_660 {strides = array<i32>} : memref<80xi32, #tpu.memory_space<vmem>>, vector<16xi32>,
      %get3A_663 = arith.constant 1168 : index
      %get3A_664 = tpu.vector_load %arg11[%get3A_663] {strides = array<i32>} : memref<1200xi32, #tpu.memory_space<vmem>>, vector<16xi32>,
      %bitcast3A_665 = vector.bitcast %get3A_664 : vector<16xi32> to vector<16xf32>
      %swap3A_666 = arith.constant 48 : index
      %swap3A_667 = tpu.vector_load %arg14[%swap3A_666] {strides = array<i32>} : memref<80xf32, #tpu.memory_space<vmem>>, vector<16xf32>,
      tpu.vector_store %arg14[%swap3A_666], %bitcast3A_665 {strides = array<i32>} : memref<80xf32, #tpu.memory_space<vmem>>, vector<16xf32>,
      %get3A_668 = arith.constant 1104 : index
      %get3A_669 = tpu.vector_load %arg11[%get3A_668] {strides = array<i32>} : memref<1200xi32, #tpu.memory_space<vmem>>, vector<16xi32>,
      %swap3A_670 = arith.constant 64 : index
      %swap3A_671 = tpu.vector_load %arg12[%swap3A_670] {strides = array<i32>} : memref<80xi32, #tpu.memory_space<vmem>>, vector<16xi32>,
      tpu.vector_store %arg12[%swap3A_670], %get3A_669 {strides = array<i32>} : memref<80xi32, #tpu.memory_space<vmem>>, vector<16xi32>,
      %get3A_672 = arith.constant 1184 : index
      %get3A_673 = tpu.vector_load %arg11[%get3A_672] {strides = array<i32>} : memref<1200xi32, #tpu.memory_space<vmem>>, vector<16xi32>,
      %bitcast3A_674 = vector.bitcast %get3A_673 : vector<16xi32> to vector<16xf32>
      %swap3A_675 = arith.constant 64 : index
      %swap3A_676 = tpu.vector_load %arg14[%swap3A_675] {strides = array<i32>} : memref<80xf32, #tpu.memory_space<vmem>>, vector<16xf32>,
      tpu.vector_store %arg14[%swap3A_675], %bitcast3A_674 {strides = array<i32>} : memref<80xf32, #tpu.memory_space<vmem>>, vector<16xf32>,
      "tpu.region"() ({
        %run_scoped3A = tpu.sem_alloc : memref<!tpu.dma_semaphore, #tpu.memory_space<semaphore_mem>>
        %dma_start3A_685 = arith.constant 0 : i32
        %dma_start3A_686 = tpu.memref_slice %arg18[%dma_start3A_685] : memref<10240xf32, #tpu.memory_space<vmem_shared>> -> memref<10240xf32, #tpu.memory_space<vmem_shared>>
        tpu.enqueue_indirect_dma source(%arg14 : memref<80xf32, #tpu.memory_space<vmem>>) target(%dma_start3A_686 : memref<10240xf32, #tpu.memory_space<vmem_shared>>) offsets(%arg12 : memref<80xi32, #tpu.memory_space<vmem>>) semaphore(%run_scoped3A : memref<!tpu.dma_semaphore, #tpu.memory_space<semaphore_mem>>) {add = true}
        %dma_wait3A_687 = arith.constant 0 : i32
        %dma_wait3A_688 = tpu.memref_slice %arg18[%dma_wait3A_687] : memref<10240xf32, #tpu.memory_space<vmem_shared>> -> memref<10240xf32, #tpu.memory_space<vmem_shared>>
        tpu.wait_indirect_dma semaphore(%run_scoped3A : memref<!tpu.dma_semaphore, #tpu.memory_space<semaphore_mem>>) src(%arg14 : memref<80xf32, #tpu.memory_space<vmem>>) dst(%dma_wait3A_688 : memref<10240xf32, #tpu.memory_space<vmem_shared>>)
        tpu.yield
      }) : () -> ()
      %add3A_677 = arith.constant 2 : i32
      %add3A_678 = arith.addi %add3A_444, %add3A_677 : i32
      %lt3A_679 = arith.constant 50 : i32
      %lt3A_680 = arith.cmpi slt, %add3A_678, %lt3A_679 : i32
      %convert_element_type3A_681 = arith.extui %lt3A_680 : i1 to i32
      %cond3A_682 = arith.constant 0 : i32
      %cond3A_683 = arith.cmpi ne, %convert_element_type3A_681, %cond3A_682 : i32
      scf.if %cond3A_683 {
        %add3A_685 = arith.constant 2 : i32
        %add3A_686 = arith.addi %add3A_444, %add3A_685 : i32
        %mul3A_687 = arith.constant 5 : i32
        %mul3A_688 = arith.muli %add3A_686, %mul3A_687 : i32
        %add3A_689 = arith.addi %mul3A_50, %mul3A_688 : i32
        %mul3A_690 = arith.constant 240 : i32
        %mul3A_691 = arith.muli %add3A_689, %mul3A_690 : i32
        %dma_start3A_692 = tpu.memref_slice %arg3[%mul3A_691] : memref<960000xi32, #tpu.memory_space<hbm>> -> memref<1200xi32, #tpu.memory_space<hbm>>
        %dma_start3A_693 = tpu.memref_slice %arg3[%mul3A_691] : memref<960000xi32, #tpu.memory_space<hbm>> -> memref<1200xi32, #tpu.memory_space<hbm>>
        tpu.enqueue_dma source(%dma_start3A_693 : memref<1200xi32, #tpu.memory_space<hbm>>) target(%arg11 : memref<1200xi32, #tpu.memory_space<vmem>>) target_semaphore(%arg24 : memref<!tpu.dma_semaphore, #tpu.memory_space<semaphore_mem>>)
      } else {
      }
      %scan3A_684 = arith.constant 0 : i32
      scf.yield %scan3A_684 : i32
    }
    %scan3A_66 = arith.constant 25 : i32
    %barrier3A_67 = arith.constant 0 : index
    tpu.barrier barrier_id(%barrier3A_67)
    %mul3A_68 = arith.constant 640 : i32
    %mul3A_69 = arith.muli %arg1, %mul3A_68 : i32
    "tpu.region"() ({
      %run_scoped3A = tpu.sem_alloc : memref<!tpu.dma_semaphore, #tpu.memory_space<semaphore_mem>>
      %dma_start3A_197 = tpu.memref_slice %arg18[%mul3A_69] : memref<10240xf32, #tpu.memory_space<vmem_shared>> -> memref<640xf32, #tpu.memory_space<vmem_shared>>
      %dma_start3A_198 = tpu.memref_slice %arg18[%mul3A_69] : memref<10240xf32, #tpu.memory_space<vmem_shared>> -> memref<640xf32, #tpu.memory_space<vmem_shared>>
      tpu.enqueue_dma source(%dma_start3A_198 : memref<640xf32, #tpu.memory_space<vmem_shared>>) target(%arg16 : memref<640xf32, #tpu.memory_space<vmem>>) target_semaphore(%run_scoped3A : memref<!tpu.dma_semaphore, #tpu.memory_space<semaphore_mem>>)
      %dma_wait3A_199 = tpu.memref_slice %arg18[%mul3A_69] : memref<10240xf32, #tpu.memory_space<vmem_shared>> -> memref<640xf32, #tpu.memory_space<vmem_shared>>
      %dma_wait3A_200 = tpu.memref_slice %arg18[%mul3A_69] : memref<10240xf32, #tpu.memory_space<vmem_shared>> -> memref<640xf32, #tpu.memory_space<vmem_shared>>
      tpu.wait_dma2 semaphore(%run_scoped3A : memref<!tpu.dma_semaphore, #tpu.memory_space<semaphore_mem>>) src(%dma_wait3A_200 : memref<640xf32, #tpu.memory_space<vmem_shared>>) dst(%arg16 : memref<640xf32, #tpu.memory_space<vmem>>)
      tpu.yield
    }) : () -> ()
    %scan3A_70 = arith.constant 0 : i32
    %scan3A_71 = arith.constant 0 : i32
    %scan3A_72 = arith.constant 40 : i32
    %scan3A_73 = arith.addi %scan3A_71, %scan3A_72 : i32
    %scan3A_74 = arith.constant 1 : i32
    %scan3A_75 = scf.for %scan3A_197 = %scan3A_71 to %scan3A_73 step %scan3A_74 iter_args(%scan3A_198 = %scan3A_70) -> (i32)  : i32 {
      %mul3A_199 = arith.constant 16 : i32
      %mul3A_200 = arith.muli %scan3A_197, %mul3A_199 : i32
      %get3A_201 = arith.index_cast %mul3A_200 : i32 to index
      %get3A_202 = tpu.vector_load %arg16[%get3A_201] {strides = array<i32>} : memref<640xf32, #tpu.memory_space<vmem>>, vector<16xf32>,
      %add3A_203 = arith.constant 1.000000e+00 : f32
      %add3A_204 = vector.broadcast %add3A_203 : f32 to vector<16xf32>
      %add3A_205 = arith.addf %get3A_202, %add3A_204 : vector<16xf32>
      %bitcast3A_206 = vector.bitcast %add3A_205 : vector<16xf32> to vector<16xi32>
      %shift_right_arithmetic3A = arith.constant 1 : i32
      %shift_right_arithmetic3A_207 = vector.broadcast %shift_right_arithmetic3A : i32 to vector<16xi32>
      %shift_right_arithmetic3A_208 = arith.shrsi %bitcast3A_206, %shift_right_arithmetic3A_207 : vector<16xi32>
      %sub3A = arith.constant 1597463007 : i32
      %sub3A_209 = vector.broadcast %sub3A : i32 to vector<16xi32>
      %sub3A_210 = arith.subi %sub3A_209, %shift_right_arithmetic3A_208 : vector<16xi32>
      %bitcast3A_211 = vector.bitcast %sub3A_210 : vector<16xi32> to vector<16xf32>
      %mul3A_212 = arith.constant 5.000000e-01 : f32
      %mul3A_213 = vector.broadcast %mul3A_212 : f32 to vector<16xf32>
      %mul3A_214 = arith.mulf %mul3A_213, %add3A_205 : vector<16xf32>
      %mul3A_215 = arith.mulf %mul3A_214, %bitcast3A_211 : vector<16xf32>
      %mul3A_216 = arith.mulf %mul3A_215, %bitcast3A_211 : vector<16xf32>
      %sub3A_217 = arith.constant 1.500000e+00 : f32
      %sub3A_218 = vector.broadcast %sub3A_217 : f32 to vector<16xf32>
      %sub3A_219 = arith.subf %sub3A_218, %mul3A_216 : vector<16xf32>
      %mul3A_220 = arith.mulf %bitcast3A_211, %sub3A_219 : vector<16xf32>
      %mul3A_221 = arith.constant 5.000000e-01 : f32
      %mul3A_222 = vector.broadcast %mul3A_221 : f32 to vector<16xf32>
      %mul3A_223 = arith.mulf %mul3A_222, %add3A_205 : vector<16xf32>
      %mul3A_224 = arith.mulf %mul3A_223, %mul3A_220 : vector<16xf32>
      %mul3A_225 = arith.mulf %mul3A_224, %mul3A_220 : vector<16xf32>
      %sub3A_226 = arith.constant 1.500000e+00 : f32
      %sub3A_227 = vector.broadcast %sub3A_226 : f32 to vector<16xf32>
      %sub3A_228 = arith.subf %sub3A_227, %mul3A_225 : vector<16xf32>
      %mul3A_229 = arith.mulf %mul3A_220, %sub3A_228 : vector<16xf32>
      %mul3A_230 = arith.constant 5.000000e-01 : f32
      %mul3A_231 = vector.broadcast %mul3A_230 : f32 to vector<16xf32>
      %mul3A_232 = arith.mulf %mul3A_231, %add3A_205 : vector<16xf32>
      %mul3A_233 = arith.mulf %mul3A_232, %mul3A_229 : vector<16xf32>
      %mul3A_234 = arith.mulf %mul3A_233, %mul3A_229 : vector<16xf32>
      %sub3A_235 = arith.constant 1.500000e+00 : f32
      %sub3A_236 = vector.broadcast %sub3A_235 : f32 to vector<16xf32>
      %sub3A_237 = arith.subf %sub3A_236, %mul3A_234 : vector<16xf32>
      %mul3A_238 = arith.mulf %mul3A_229, %sub3A_237 : vector<16xf32>
      %mul3A_239 = arith.constant 16 : i32
      %mul3A_240 = arith.muli %scan3A_197, %mul3A_239 : i32
      %swap3A_241 = arith.index_cast %mul3A_240 : i32 to index
      %swap3A_242 = tpu.vector_load %arg16[%swap3A_241] {strides = array<i32>} : memref<640xf32, #tpu.memory_space<vmem>>, vector<16xf32>,
      tpu.vector_store %arg16[%swap3A_241], %mul3A_238 {strides = array<i32>} : memref<640xf32, #tpu.memory_space<vmem>>, vector<16xf32>,
      %scan3A_243 = arith.constant 0 : i32
      scf.yield %scan3A_243 : i32
    }
    %scan3A_76 = arith.constant 40 : i32
    %mul3A_77 = arith.constant 640 : i32
    %mul3A_78 = arith.muli %arg1, %mul3A_77 : i32
    "tpu.region"() ({
      %run_scoped3A = tpu.sem_alloc : memref<!tpu.dma_semaphore, #tpu.memory_space<semaphore_mem>>
      %dma_start3A_197 = tpu.memref_slice %arg19[%mul3A_78] : memref<10240xf32, #tpu.memory_space<vmem_shared>> -> memref<640xf32, #tpu.memory_space<vmem_shared>>
      %dma_start3A_198 = tpu.memref_slice %arg19[%mul3A_78] : memref<10240xf32, #tpu.memory_space<vmem_shared>> -> memref<640xf32, #tpu.memory_space<vmem_shared>>
      tpu.enqueue_dma source(%arg16 : memref<640xf32, #tpu.memory_space<vmem>>) target(%dma_start3A_198 : memref<640xf32, #tpu.memory_space<vmem_shared>>) target_semaphore(%run_scoped3A : memref<!tpu.dma_semaphore, #tpu.memory_space<semaphore_mem>>)
      %dma_wait3A_199 = tpu.memref_slice %arg19[%mul3A_78] : memref<10240xf32, #tpu.memory_space<vmem_shared>> -> memref<640xf32, #tpu.memory_space<vmem_shared>>
      %dma_wait3A_200 = tpu.memref_slice %arg19[%mul3A_78] : memref<10240xf32, #tpu.memory_space<vmem_shared>> -> memref<640xf32, #tpu.memory_space<vmem_shared>>
      tpu.wait_dma2 semaphore(%run_scoped3A : memref<!tpu.dma_semaphore, #tpu.memory_space<semaphore_mem>>) src(%arg16 : memref<640xf32, #tpu.memory_space<vmem>>) dst(%dma_wait3A_200 : memref<640xf32, #tpu.memory_space<vmem_shared>>)
      tpu.yield
    }) : () -> ()
    %eq3A = arith.constant 0 : i32
    %eq3A_79 = arith.cmpi eq, %arg0, %eq3A : i32
    %convert_element_type3A = arith.extui %eq3A_79 : i1 to i32
    %cond3A = arith.constant 0 : i32
    %cond3A_80 = arith.cmpi ne, %convert_element_type3A, %cond3A : i32
    scf.if %cond3A_80 {
      %mul3A_197 = arith.constant 640 : i32
      %mul3A_198 = arith.muli %arg1, %mul3A_197 : i32
      "tpu.region"() ({
        %run_scoped3A = tpu.sem_alloc : memref<!tpu.dma_semaphore, #tpu.memory_space<semaphore_mem>>
        %dma_start3A_199 = tpu.memref_slice %arg5[%mul3A_198] : memref<10240xf32, #tpu.memory_space<hbm>> -> memref<640xf32, #tpu.memory_space<hbm>>
        %dma_start3A_200 = tpu.memref_slice %arg5[%mul3A_198] : memref<10240xf32, #tpu.memory_space<hbm>> -> memref<640xf32, #tpu.memory_space<hbm>>
        tpu.enqueue_dma source(%arg16 : memref<640xf32, #tpu.memory_space<vmem>>) target(%dma_start3A_200 : memref<640xf32, #tpu.memory_space<hbm>>) target_semaphore(%run_scoped3A : memref<!tpu.dma_semaphore, #tpu.memory_space<semaphore_mem>>)
        %dma_wait3A_201 = tpu.memref_slice %arg5[%mul3A_198] : memref<10240xf32, #tpu.memory_space<hbm>> -> memref<640xf32, #tpu.memory_space<hbm>>
        %dma_wait3A_202 = tpu.memref_slice %arg5[%mul3A_198] : memref<10240xf32, #tpu.memory_space<hbm>> -> memref<640xf32, #tpu.memory_space<hbm>>
        tpu.wait_dma2 semaphore(%run_scoped3A : memref<!tpu.dma_semaphore, #tpu.memory_space<semaphore_mem>>) src(%arg16 : memref<640xf32, #tpu.memory_space<vmem>>) dst(%dma_wait3A_202 : memref<640xf32, #tpu.memory_space<hbm>>)
        tpu.yield
      }) : () -> ()
    } else {
    }
    %barrier3A_81 = arith.constant 0 : index
    tpu.barrier barrier_id(%barrier3A_81)
    "tpu.region"() ({
      %run_scoped3A = tpu.sem_alloc : memref<!tpu.dma_semaphore, #tpu.memory_space<semaphore_mem>>
      tpu.enqueue_dma source(%arg19 : memref<10240xf32, #tpu.memory_space<vmem_shared>>) target(%arg17 : memref<10240xf32, #tpu.memory_space<vmem>>) target_semaphore(%run_scoped3A : memref<!tpu.dma_semaphore, #tpu.memory_space<semaphore_mem>>)
      tpu.wait_dma2 semaphore(%run_scoped3A : memref<!tpu.dma_semaphore, #tpu.memory_space<semaphore_mem>>) src(%arg19 : memref<10240xf32, #tpu.memory_space<vmem_shared>>) dst(%arg17 : memref<10240xf32, #tpu.memory_space<vmem>>)
      tpu.yield
    }) : () -> ()
    %mul3A_82 = arith.constant 125 : i32
    %mul3A_83 = arith.muli %add3A, %mul3A_82 : i32
    %mul3A_84 = arith.constant 240 : i32
    %mul3A_85 = arith.muli %mul3A_83, %mul3A_84 : i32
    %dma_start3A_86 = tpu.memref_slice %arg3[%mul3A_85] : memref<960000xi32, #tpu.memory_space<hbm>> -> memref<240xi32, #tpu.memory_space<hbm>>
    %dma_start3A_87 = tpu.memref_slice %arg3[%mul3A_85] : memref<960000xi32, #tpu.memory_space<hbm>> -> memref<240xi32, #tpu.memory_space<hbm>>
    tpu.enqueue_dma source(%dma_start3A_87 : memref<240xi32, #tpu.memory_space<hbm>>) target(%arg8 : memref<240xi32, #tpu.memory_space<vmem>>) target_semaphore(%arg21 : memref<!tpu.dma_semaphore, #tpu.memory_space<semaphore_mem>>)
    %add3A_88 = arith.constant 1 : i32
    %add3A_89 = arith.addi %mul3A_83, %add3A_88 : i32
    %mul3A_90 = arith.constant 240 : i32
    %mul3A_91 = arith.muli %add3A_89, %mul3A_90 : i32
    %dma_start3A_92 = tpu.memref_slice %arg3[%mul3A_91] : memref<960000xi32, #tpu.memory_space<hbm>> -> memref<240xi32, #tpu.memory_space<hbm>>
    %dma_start3A_93 = tpu.memref_slice %arg3[%mul3A_91] : memref<960000xi32, #tpu.memory_space<hbm>> -> memref<240xi32, #tpu.memory_space<hbm>>
    tpu.enqueue_dma source(%dma_start3A_93 : memref<240xi32, #tpu.memory_space<hbm>>) target(%arg9 : memref<240xi32, #tpu.memory_space<vmem>>) target_semaphore(%arg22 : memref<!tpu.dma_semaphore, #tpu.memory_space<semaphore_mem>>)
    %mul3A_94 = arith.constant 240 : i32
    %mul3A_95 = arith.muli %mul3A_83, %mul3A_94 : i32
    %dma_wait3A = tpu.memref_slice %arg3[%mul3A_95] : memref<960000xi32, #tpu.memory_space<hbm>> -> memref<240xi32, #tpu.memory_space<hbm>>
    %dma_wait3A_96 = tpu.memref_slice %arg3[%mul3A_95] : memref<960000xi32, #tpu.memory_space<hbm>> -> memref<240xi32, #tpu.memory_space<hbm>>
    tpu.wait_dma2 semaphore(%arg21 : memref<!tpu.dma_semaphore, #tpu.memory_space<semaphore_mem>>) src(%dma_wait3A_96 : memref<240xi32, #tpu.memory_space<hbm>>) dst(%arg8 : memref<240xi32, #tpu.memory_space<vmem>>)
    %dma_start3A_97 = arith.constant 0 : i32
    %dma_start3A_98 = tpu.memref_slice %arg8[%dma_start3A_97] : memref<240xi32, #tpu.memory_space<vmem>> -> memref<80xi32, #tpu.memory_space<vmem>>
    %dma_start3A_99 = arith.constant 0 : i32
    %dma_start3A_100 = arith.constant 0 : i32
    %dma_start3A_101 = tpu.memref_slice %arg2[%dma_start3A_99, %dma_start3A_100] : memref<10000x128xf32, #tpu.memory_space<hbm>> -> memref<10000x128xf32, #tpu.memory_space<hbm>>
    tpu.enqueue_indirect_dma source(%dma_start3A_101 : memref<10000x128xf32, #tpu.memory_space<hbm>>) target(%arg6 : memref<80x128xf32, #tpu.memory_space<vmem>>) offsets(%dma_start3A_98 : memref<80xi32, #tpu.memory_space<vmem>>) semaphore(%arg25 : memref<!tpu.dma_semaphore, #tpu.memory_space<semaphore_mem>>)
    %scan3A_102 = arith.constant 0 : i32
    %scan3A_103 = arith.constant 0 : i32
    %scan3A_104 = arith.constant 62 : i32
    %scan3A_105 = arith.addi %scan3A_103, %scan3A_104 : i32
    %scan3A_106 = arith.constant 1 : i32
    %scan3A_107 = scf.for %scan3A_197 = %scan3A_103 to %scan3A_105 step %scan3A_106 iter_args(%scan3A_198 = %scan3A_102) -> (i32)  : i32 {
      %mul3A_199 = arith.constant 2 : i32
      %mul3A_200 = arith.muli %scan3A_197, %mul3A_199 : i32
      %add3A_201 = arith.constant 0 : i32
      %add3A_202 = arith.addi %mul3A_200, %add3A_201 : i32
      %dma_wait3A_203 = arith.constant 0 : i32
      %dma_wait3A_204 = tpu.memref_slice %arg8[%dma_wait3A_203] : memref<240xi32, #tpu.memory_space<vmem>> -> memref<80xi32, #tpu.memory_space<vmem>>
      %dma_wait3A_205 = arith.constant 0 : i32
      %dma_wait3A_206 = arith.constant 0 : i32
      %dma_wait3A_207 = tpu.memref_slice %arg2[%dma_wait3A_205, %dma_wait3A_206] : memref<10000x128xf32, #tpu.memory_space<hbm>> -> memref<10000x128xf32, #tpu.memory_space<hbm>>
      tpu.wait_indirect_dma semaphore(%arg25 : memref<!tpu.dma_semaphore, #tpu.memory_space<semaphore_mem>>) src(%dma_wait3A_207 : memref<10000x128xf32, #tpu.memory_space<hbm>>) dst(%arg6 : memref<80x128xf32, #tpu.memory_space<vmem>>)
      %add3A_208 = arith.addi %mul3A_83, %add3A_202 : i32
      %add3A_209 = arith.constant 1 : i32
      %add3A_210 = arith.addi %add3A_208, %add3A_209 : i32
      %mul3A_211 = arith.constant 240 : i32
      %mul3A_212 = arith.muli %add3A_210, %mul3A_211 : i32
      %dma_wait3A_213 = tpu.memref_slice %arg3[%mul3A_212] : memref<960000xi32, #tpu.memory_space<hbm>> -> memref<240xi32, #tpu.memory_space<hbm>>
      %dma_wait3A_214 = tpu.memref_slice %arg3[%mul3A_212] : memref<960000xi32, #tpu.memory_space<hbm>> -> memref<240xi32, #tpu.memory_space<hbm>>
      tpu.wait_dma2 semaphore(%arg22 : memref<!tpu.dma_semaphore, #tpu.memory_space<semaphore_mem>>) src(%dma_wait3A_214 : memref<240xi32, #tpu.memory_space<hbm>>) dst(%arg9 : memref<240xi32, #tpu.memory_space<vmem>>)
      %dma_start3A_215 = arith.constant 0 : i32
      %dma_start3A_216 = tpu.memref_slice %arg9[%dma_start3A_215] : memref<240xi32, #tpu.memory_space<vmem>> -> memref<80xi32, #tpu.memory_space<vmem>>
      %dma_start3A_217 = arith.constant 0 : i32
      %dma_start3A_218 = arith.constant 0 : i32
      %dma_start3A_219 = tpu.memref_slice %arg2[%dma_start3A_217, %dma_start3A_218] : memref<10000x128xf32, #tpu.memory_space<hbm>> -> memref<10000x128xf32, #tpu.memory_space<hbm>>
      tpu.enqueue_indirect_dma source(%dma_start3A_219 : memref<10000x128xf32, #tpu.memory_space<hbm>>) target(%arg7 : memref<80x128xf32, #tpu.memory_space<vmem>>) offsets(%dma_start3A_216 : memref<80xi32, #tpu.memory_space<vmem>>) semaphore(%arg26 : memref<!tpu.dma_semaphore, #tpu.memory_space<semaphore_mem>>)
      %get3A_220 = arith.constant 0 : index
      %get3A_221 = tpu.vector_load %arg8[%get3A_220] {strides = array<i32>} : memref<240xi32, #tpu.memory_space<vmem>>, vector<16xi32>,
      %get3A_222 = arith.constant 80 : index
      %get3A_223 = tpu.vector_load %arg8[%get3A_222] {strides = array<i32>} : memref<240xi32, #tpu.memory_space<vmem>>, vector<16xi32>,
      %get3A_224 = arith.constant 160 : index
      %get3A_225 = tpu.vector_load %arg8[%get3A_224] {strides = array<i32>} : memref<240xi32, #tpu.memory_space<vmem>>, vector<16xi32>,
      %bitcast3A_226 = vector.bitcast %get3A_225 : vector<16xi32> to vector<16xf32>
      %gather3A_227 = tpu.vector_load_idx %arg17[%get3A_221] : memref<10240xf32, #tpu.memory_space<vmem>>[vector<16xi32>], vector<16xf32>,
      %gather3A_228 = tpu.vector_load_idx %arg17[%get3A_223] : memref<10240xf32, #tpu.memory_space<vmem>>[vector<16xi32>], vector<16xf32>,
      %mul3A_229 = arith.mulf %gather3A_227, %bitcast3A_226 : vector<16xf32>
      %mul3A_230 = arith.mulf %mul3A_229, %gather3A_228 : vector<16xf32>
      %swap3A_231 = arith.constant 0 : index
      %swap3A_232 = tpu.vector_load %arg15[%swap3A_231] {strides = array<i32>} : memref<80xf32, #tpu.memory_space<vmem>>, vector<16xf32>,
      tpu.vector_store %arg15[%swap3A_231], %mul3A_230 {strides = array<i32>} : memref<80xf32, #tpu.memory_space<vmem>>, vector<16xf32>,
      %swap3A_233 = arith.constant 0 : index
      %swap3A_234 = tpu.vector_load %arg12[%swap3A_233] {strides = array<i32>} : memref<80xi32, #tpu.memory_space<vmem>>, vector<16xi32>,
      tpu.vector_store %arg12[%swap3A_233], %get3A_223 {strides = array<i32>} : memref<80xi32, #tpu.memory_space<vmem>>, vector<16xi32>,
      %get3A_235 = arith.constant 16 : index
      %get3A_236 = tpu.vector_load %arg8[%get3A_235] {strides = array<i32>} : memref<240xi32, #tpu.memory_space<vmem>>, vector<16xi32>,
      %get3A_237 = arith.constant 96 : index
      %get3A_238 = tpu.vector_load %arg8[%get3A_237] {strides = array<i32>} : memref<240xi32, #tpu.memory_space<vmem>>, vector<16xi32>,
      %get3A_239 = arith.constant 176 : index
      %get3A_240 = tpu.vector_load %arg8[%get3A_239] {strides = array<i32>} : memref<240xi32, #tpu.memory_space<vmem>>, vector<16xi32>,
      %bitcast3A_241 = vector.bitcast %get3A_240 : vector<16xi32> to vector<16xf32>
      %gather3A_242 = tpu.vector_load_idx %arg17[%get3A_236] : memref<10240xf32, #tpu.memory_space<vmem>>[vector<16xi32>], vector<16xf32>,
      %gather3A_243 = tpu.vector_load_idx %arg17[%get3A_238] : memref<10240xf32, #tpu.memory_space<vmem>>[vector<16xi32>], vector<16xf32>,
      %mul3A_244 = arith.mulf %gather3A_242, %bitcast3A_241 : vector<16xf32>
      %mul3A_245 = arith.mulf %mul3A_244, %gather3A_243 : vector<16xf32>
      %swap3A_246 = arith.constant 16 : index
      %swap3A_247 = tpu.vector_load %arg15[%swap3A_246] {strides = array<i32>} : memref<80xf32, #tpu.memory_space<vmem>>, vector<16xf32>,
      tpu.vector_store %arg15[%swap3A_246], %mul3A_245 {strides = array<i32>} : memref<80xf32, #tpu.memory_space<vmem>>, vector<16xf32>,
      %swap3A_248 = arith.constant 16 : index
      %swap3A_249 = tpu.vector_load %arg12[%swap3A_248] {strides = array<i32>} : memref<80xi32, #tpu.memory_space<vmem>>, vector<16xi32>,
      tpu.vector_store %arg12[%swap3A_248], %get3A_238 {strides = array<i32>} : memref<80xi32, #tpu.memory_space<vmem>>, vector<16xi32>,
      %get3A_250 = arith.constant 32 : index
      %get3A_251 = tpu.vector_load %arg8[%get3A_250] {strides = array<i32>} : memref<240xi32, #tpu.memory_space<vmem>>, vector<16xi32>,
      %get3A_252 = arith.constant 112 : index
      %get3A_253 = tpu.vector_load %arg8[%get3A_252] {strides = array<i32>} : memref<240xi32, #tpu.memory_space<vmem>>, vector<16xi32>,
      %get3A_254 = arith.constant 192 : index
      %get3A_255 = tpu.vector_load %arg8[%get3A_254] {strides = array<i32>} : memref<240xi32, #tpu.memory_space<vmem>>, vector<16xi32>,
      %bitcast3A_256 = vector.bitcast %get3A_255 : vector<16xi32> to vector<16xf32>
      %gather3A_257 = tpu.vector_load_idx %arg17[%get3A_251] : memref<10240xf32, #tpu.memory_space<vmem>>[vector<16xi32>], vector<16xf32>,
      %gather3A_258 = tpu.vector_load_idx %arg17[%get3A_253] : memref<10240xf32, #tpu.memory_space<vmem>>[vector<16xi32>], vector<16xf32>,
      %mul3A_259 = arith.mulf %gather3A_257, %bitcast3A_256 : vector<16xf32>
      %mul3A_260 = arith.mulf %mul3A_259, %gather3A_258 : vector<16xf32>
      %swap3A_261 = arith.constant 32 : index
      %swap3A_262 = tpu.vector_load %arg15[%swap3A_261] {strides = array<i32>} : memref<80xf32, #tpu.memory_space<vmem>>, vector<16xf32>,
      tpu.vector_store %arg15[%swap3A_261], %mul3A_260 {strides = array<i32>} : memref<80xf32, #tpu.memory_space<vmem>>, vector<16xf32>,
      %swap3A_263 = arith.constant 32 : index
      %swap3A_264 = tpu.vector_load %arg12[%swap3A_263] {strides = array<i32>} : memref<80xi32, #tpu.memory_space<vmem>>, vector<16xi32>,
      tpu.vector_store %arg12[%swap3A_263], %get3A_253 {strides = array<i32>} : memref<80xi32, #tpu.memory_space<vmem>>, vector<16xi32>,
      %get3A_265 = arith.constant 48 : index
      %get3A_266 = tpu.vector_load %arg8[%get3A_265] {strides = array<i32>} : memref<240xi32, #tpu.memory_space<vmem>>, vector<16xi32>,
      %get3A_267 = arith.constant 128 : index
      %get3A_268 = tpu.vector_load %arg8[%get3A_267] {strides = array<i32>} : memref<240xi32, #tpu.memory_space<vmem>>, vector<16xi32>,
      %get3A_269 = arith.constant 208 : index
      %get3A_270 = tpu.vector_load %arg8[%get3A_269] {strides = array<i32>} : memref<240xi32, #tpu.memory_space<vmem>>, vector<16xi32>,
      %bitcast3A_271 = vector.bitcast %get3A_270 : vector<16xi32> to vector<16xf32>
      %gather3A_272 = tpu.vector_load_idx %arg17[%get3A_266] : memref<10240xf32, #tpu.memory_space<vmem>>[vector<16xi32>], vector<16xf32>,
      %gather3A_273 = tpu.vector_load_idx %arg17[%get3A_268] : memref<10240xf32, #tpu.memory_space<vmem>>[vector<16xi32>], vector<16xf32>,
      %mul3A_274 = arith.mulf %gather3A_272, %bitcast3A_271 : vector<16xf32>
      %mul3A_275 = arith.mulf %mul3A_274, %gather3A_273 : vector<16xf32>
      %swap3A_276 = arith.constant 48 : index
      %swap3A_277 = tpu.vector_load %arg15[%swap3A_276] {strides = array<i32>} : memref<80xf32, #tpu.memory_space<vmem>>, vector<16xf32>,
      tpu.vector_store %arg15[%swap3A_276], %mul3A_275 {strides = array<i32>} : memref<80xf32, #tpu.memory_space<vmem>>, vector<16xf32>,
      %swap3A_278 = arith.constant 48 : index
      %swap3A_279 = tpu.vector_load %arg12[%swap3A_278] {strides = array<i32>} : memref<80xi32, #tpu.memory_space<vmem>>, vector<16xi32>,
      tpu.vector_store %arg12[%swap3A_278], %get3A_268 {strides = array<i32>} : memref<80xi32, #tpu.memory_space<vmem>>, vector<16xi32>,
      %get3A_280 = arith.constant 64 : index
      %get3A_281 = tpu.vector_load %arg8[%get3A_280] {strides = array<i32>} : memref<240xi32, #tpu.memory_space<vmem>>, vector<16xi32>,
      %get3A_282 = arith.constant 144 : index
      %get3A_283 = tpu.vector_load %arg8[%get3A_282] {strides = array<i32>} : memref<240xi32, #tpu.memory_space<vmem>>, vector<16xi32>,
      %get3A_284 = arith.constant 224 : index
      %get3A_285 = tpu.vector_load %arg8[%get3A_284] {strides = array<i32>} : memref<240xi32, #tpu.memory_space<vmem>>, vector<16xi32>,
      %bitcast3A_286 = vector.bitcast %get3A_285 : vector<16xi32> to vector<16xf32>
      %gather3A_287 = tpu.vector_load_idx %arg17[%get3A_281] : memref<10240xf32, #tpu.memory_space<vmem>>[vector<16xi32>], vector<16xf32>,
      %gather3A_288 = tpu.vector_load_idx %arg17[%get3A_283] : memref<10240xf32, #tpu.memory_space<vmem>>[vector<16xi32>], vector<16xf32>,
      %mul3A_289 = arith.mulf %gather3A_287, %bitcast3A_286 : vector<16xf32>
      %mul3A_290 = arith.mulf %mul3A_289, %gather3A_288 : vector<16xf32>
      %swap3A_291 = arith.constant 64 : index
      %swap3A_292 = tpu.vector_load %arg15[%swap3A_291] {strides = array<i32>} : memref<80xf32, #tpu.memory_space<vmem>>, vector<16xf32>,
      tpu.vector_store %arg15[%swap3A_291], %mul3A_290 {strides = array<i32>} : memref<80xf32, #tpu.memory_space<vmem>>, vector<16xf32>,
      %swap3A_293 = arith.constant 64 : index
      %swap3A_294 = tpu.vector_load %arg12[%swap3A_293] {strides = array<i32>} : memref<80xi32, #tpu.memory_space<vmem>>, vector<16xi32>,
      tpu.vector_store %arg12[%swap3A_293], %get3A_283 {strides = array<i32>} : memref<80xi32, #tpu.memory_space<vmem>>, vector<16xi32>,
      %scan3A_295 = arith.constant 0 : i32
      %scan3A_296 = arith.constant 0 : i32
      %scan3A_297 = arith.constant 80 : i32
      %scan3A_298 = arith.addi %scan3A_296, %scan3A_297 : i32
      %scan3A_299 = arith.constant 1 : i32
      %scan3A_300 = scf.for %scan3A_419 = %scan3A_296 to %scan3A_298 step %scan3A_299 iter_args(%scan3A_420 = %scan3A_295) -> (i32)  : i32 {
        %broadcast_in_dim3A_421 = vector.broadcast %scan3A_419 : i32 to vector<16xi32>
        %gather3A_422 = tpu.vector_load_idx %arg15[%broadcast_in_dim3A_421] : memref<80xf32, #tpu.memory_space<vmem>>[vector<16xi32>], vector<16xf32>,
        %get3A_423 = arith.index_cast %scan3A_419 : i32 to index
        %get3A_424 = arith.constant 0 : index
        %get3A_425 = tpu.vector_load %arg6[%get3A_423, %get3A_424] {strides = array<i32>} : memref<80x128xf32, #tpu.memory_space<vmem>>, vector<16xf32>,
        %mul3A_426 = arith.mulf %get3A_425, %gather3A_422 : vector<16xf32>
        %swap3A_427 = arith.index_cast %scan3A_419 : i32 to index
        %swap3A_428 = arith.constant 0 : index
        %swap3A_429 = tpu.vector_load %arg6[%swap3A_427, %swap3A_428] {strides = array<i32>} : memref<80x128xf32, #tpu.memory_space<vmem>>, vector<16xf32>,
        tpu.vector_store %arg6[%swap3A_427, %swap3A_428], %mul3A_426 {strides = array<i32>} : memref<80x128xf32, #tpu.memory_space<vmem>>, vector<16xf32>,
        %get3A_430 = arith.index_cast %scan3A_419 : i32 to index
        %get3A_431 = arith.constant 16 : index
        %get3A_432 = tpu.vector_load %arg6[%get3A_430, %get3A_431] {strides = array<i32>} : memref<80x128xf32, #tpu.memory_space<vmem>>, vector<16xf32>,
        %mul3A_433 = arith.mulf %get3A_432, %gather3A_422 : vector<16xf32>
        %swap3A_434 = arith.index_cast %scan3A_419 : i32 to index
        %swap3A_435 = arith.constant 16 : index
        %swap3A_436 = tpu.vector_load %arg6[%swap3A_434, %swap3A_435] {strides = array<i32>} : memref<80x128xf32, #tpu.memory_space<vmem>>, vector<16xf32>,
        tpu.vector_store %arg6[%swap3A_434, %swap3A_435], %mul3A_433 {strides = array<i32>} : memref<80x128xf32, #tpu.memory_space<vmem>>, vector<16xf32>,
        %get3A_437 = arith.index_cast %scan3A_419 : i32 to index
        %get3A_438 = arith.constant 32 : index
        %get3A_439 = tpu.vector_load %arg6[%get3A_437, %get3A_438] {strides = array<i32>} : memref<80x128xf32, #tpu.memory_space<vmem>>, vector<16xf32>,
        %mul3A_440 = arith.mulf %get3A_439, %gather3A_422 : vector<16xf32>
        %swap3A_441 = arith.index_cast %scan3A_419 : i32 to index
        %swap3A_442 = arith.constant 32 : index
        %swap3A_443 = tpu.vector_load %arg6[%swap3A_441, %swap3A_442] {strides = array<i32>} : memref<80x128xf32, #tpu.memory_space<vmem>>, vector<16xf32>,
        tpu.vector_store %arg6[%swap3A_441, %swap3A_442], %mul3A_440 {strides = array<i32>} : memref<80x128xf32, #tpu.memory_space<vmem>>, vector<16xf32>,
        %get3A_444 = arith.index_cast %scan3A_419 : i32 to index
        %get3A_445 = arith.constant 48 : index
        %get3A_446 = tpu.vector_load %arg6[%get3A_444, %get3A_445] {strides = array<i32>} : memref<80x128xf32, #tpu.memory_space<vmem>>, vector<16xf32>,
        %mul3A_447 = arith.mulf %get3A_446, %gather3A_422 : vector<16xf32>
        %swap3A_448 = arith.index_cast %scan3A_419 : i32 to index
        %swap3A_449 = arith.constant 48 : index
        %swap3A_450 = tpu.vector_load %arg6[%swap3A_448, %swap3A_449] {strides = array<i32>} : memref<80x128xf32, #tpu.memory_space<vmem>>, vector<16xf32>,
        tpu.vector_store %arg6[%swap3A_448, %swap3A_449], %mul3A_447 {strides = array<i32>} : memref<80x128xf32, #tpu.memory_space<vmem>>, vector<16xf32>,
        %get3A_451 = arith.index_cast %scan3A_419 : i32 to index
        %get3A_452 = arith.constant 64 : index
        %get3A_453 = tpu.vector_load %arg6[%get3A_451, %get3A_452] {strides = array<i32>} : memref<80x128xf32, #tpu.memory_space<vmem>>, vector<16xf32>,
        %mul3A_454 = arith.mulf %get3A_453, %gather3A_422 : vector<16xf32>
        %swap3A_455 = arith.index_cast %scan3A_419 : i32 to index
        %swap3A_456 = arith.constant 64 : index
        %swap3A_457 = tpu.vector_load %arg6[%swap3A_455, %swap3A_456] {strides = array<i32>} : memref<80x128xf32, #tpu.memory_space<vmem>>, vector<16xf32>,
        tpu.vector_store %arg6[%swap3A_455, %swap3A_456], %mul3A_454 {strides = array<i32>} : memref<80x128xf32, #tpu.memory_space<vmem>>, vector<16xf32>,
        %get3A_458 = arith.index_cast %scan3A_419 : i32 to index
        %get3A_459 = arith.constant 80 : index
        %get3A_460 = tpu.vector_load %arg6[%get3A_458, %get3A_459] {strides = array<i32>} : memref<80x128xf32, #tpu.memory_space<vmem>>, vector<16xf32>,
        %mul3A_461 = arith.mulf %get3A_460, %gather3A_422 : vector<16xf32>
        %swap3A_462 = arith.index_cast %scan3A_419 : i32 to index
        %swap3A_463 = arith.constant 80 : index
        %swap3A_464 = tpu.vector_load %arg6[%swap3A_462, %swap3A_463] {strides = array<i32>} : memref<80x128xf32, #tpu.memory_space<vmem>>, vector<16xf32>,
        tpu.vector_store %arg6[%swap3A_462, %swap3A_463], %mul3A_461 {strides = array<i32>} : memref<80x128xf32, #tpu.memory_space<vmem>>, vector<16xf32>,
        %get3A_465 = arith.index_cast %scan3A_419 : i32 to index
        %get3A_466 = arith.constant 96 : index
        %get3A_467 = tpu.vector_load %arg6[%get3A_465, %get3A_466] {strides = array<i32>} : memref<80x128xf32, #tpu.memory_space<vmem>>, vector<16xf32>,
        %mul3A_468 = arith.mulf %get3A_467, %gather3A_422 : vector<16xf32>
        %swap3A_469 = arith.index_cast %scan3A_419 : i32 to index
        %swap3A_470 = arith.constant 96 : index
        %swap3A_471 = tpu.vector_load %arg6[%swap3A_469, %swap3A_470] {strides = array<i32>} : memref<80x128xf32, #tpu.memory_space<vmem>>, vector<16xf32>,
        tpu.vector_store %arg6[%swap3A_469, %swap3A_470], %mul3A_468 {strides = array<i32>} : memref<80x128xf32, #tpu.memory_space<vmem>>, vector<16xf32>,
        %get3A_472 = arith.index_cast %scan3A_419 : i32 to index
        %get3A_473 = arith.constant 112 : index
        %get3A_474 = tpu.vector_load %arg6[%get3A_472, %get3A_473] {strides = array<i32>} : memref<80x128xf32, #tpu.memory_space<vmem>>, vector<16xf32>,
        %mul3A_475 = arith.mulf %get3A_474, %gather3A_422 : vector<16xf32>
        %swap3A_476 = arith.index_cast %scan3A_419 : i32 to index
        %swap3A_477 = arith.constant 112 : index
        %swap3A_478 = tpu.vector_load %arg6[%swap3A_476, %swap3A_477] {strides = array<i32>} : memref<80x128xf32, #tpu.memory_space<vmem>>, vector<16xf32>,
        tpu.vector_store %arg6[%swap3A_476, %swap3A_477], %mul3A_475 {strides = array<i32>} : memref<80x128xf32, #tpu.memory_space<vmem>>, vector<16xf32>,
        %scan3A_479 = arith.constant 0 : i32
        scf.yield %scan3A_479 : i32
      }
      %scan3A_301 = arith.constant 80 : i32
      "tpu.region"() ({
        %run_scoped3A = tpu.sem_alloc : memref<!tpu.dma_semaphore, #tpu.memory_space<semaphore_mem>>
        %dma_start3A_419 = arith.constant 0 : i32
        %dma_start3A_420 = arith.constant 0 : i32
        %dma_start3A_421 = tpu.memref_slice %arg20[%dma_start3A_419, %dma_start3A_420] : memref<10240x128xf32, #tpu.memory_space<vmem_shared>> -> memref<10240x128xf32, #tpu.memory_space<vmem_shared>>
        tpu.enqueue_indirect_dma source(%arg6 : memref<80x128xf32, #tpu.memory_space<vmem>>) target(%dma_start3A_421 : memref<10240x128xf32, #tpu.memory_space<vmem_shared>>) offsets(%arg12 : memref<80xi32, #tpu.memory_space<vmem>>) semaphore(%run_scoped3A : memref<!tpu.dma_semaphore, #tpu.memory_space<semaphore_mem>>) {add = true}
        %dma_wait3A_422 = arith.constant 0 : i32
        %dma_wait3A_423 = arith.constant 0 : i32
        %dma_wait3A_424 = tpu.memref_slice %arg20[%dma_wait3A_422, %dma_wait3A_423] : memref<10240x128xf32, #tpu.memory_space<vmem_shared>> -> memref<10240x128xf32, #tpu.memory_space<vmem_shared>>
        tpu.wait_indirect_dma semaphore(%run_scoped3A : memref<!tpu.dma_semaphore, #tpu.memory_space<semaphore_mem>>) src(%arg6 : memref<80x128xf32, #tpu.memory_space<vmem>>) dst(%dma_wait3A_424 : memref<10240x128xf32, #tpu.memory_space<vmem_shared>>)
        tpu.yield
      }) : () -> ()
      %add3A_302 = arith.addi %mul3A_83, %add3A_202 : i32
      %add3A_303 = arith.constant 2 : i32
      %add3A_304 = arith.addi %add3A_302, %add3A_303 : i32
      %mul3A_305 = arith.constant 240 : i32
      %mul3A_306 = arith.muli %add3A_304, %mul3A_305 : i32
      %dma_start3A_307 = tpu.memref_slice %arg3[%mul3A_306] : memref<960000xi32, #tpu.memory_space<hbm>> -> memref<240xi32, #tpu.memory_space<hbm>>
      %dma_start3A_308 = tpu.memref_slice %arg3[%mul3A_306] : memref<960000xi32, #tpu.memory_space<hbm>> -> memref<240xi32, #tpu.memory_space<hbm>>
      tpu.enqueue_dma source(%dma_start3A_308 : memref<240xi32, #tpu.memory_space<hbm>>) target(%arg8 : memref<240xi32, #tpu.memory_space<vmem>>) target_semaphore(%arg21 : memref<!tpu.dma_semaphore, #tpu.memory_space<semaphore_mem>>)
      %mul3A_309 = arith.constant 2 : i32
      %mul3A_310 = arith.muli %scan3A_197, %mul3A_309 : i32
      %add3A_311 = arith.constant 1 : i32
      %add3A_312 = arith.addi %mul3A_310, %add3A_311 : i32
      %dma_wait3A_313 = arith.constant 0 : i32
      %dma_wait3A_314 = tpu.memref_slice %arg9[%dma_wait3A_313] : memref<240xi32, #tpu.memory_space<vmem>> -> memref<80xi32, #tpu.memory_space<vmem>>
      %dma_wait3A_315 = arith.constant 0 : i32
      %dma_wait3A_316 = arith.constant 0 : i32
      %dma_wait3A_317 = tpu.memref_slice %arg2[%dma_wait3A_315, %dma_wait3A_316] : memref<10000x128xf32, #tpu.memory_space<hbm>> -> memref<10000x128xf32, #tpu.memory_space<hbm>>
      tpu.wait_indirect_dma semaphore(%arg26 : memref<!tpu.dma_semaphore, #tpu.memory_space<semaphore_mem>>) src(%dma_wait3A_317 : memref<10000x128xf32, #tpu.memory_space<hbm>>) dst(%arg7 : memref<80x128xf32, #tpu.memory_space<vmem>>)
      %add3A_318 = arith.addi %mul3A_83, %add3A_312 : i32
      %add3A_319 = arith.constant 1 : i32
      %add3A_320 = arith.addi %add3A_318, %add3A_319 : i32
      %mul3A_321 = arith.constant 240 : i32
      %mul3A_322 = arith.muli %add3A_320, %mul3A_321 : i32
      %dma_wait3A_323 = tpu.memref_slice %arg3[%mul3A_322] : memref<960000xi32, #tpu.memory_space<hbm>> -> memref<240xi32, #tpu.memory_space<hbm>>
      %dma_wait3A_324 = tpu.memref_slice %arg3[%mul3A_322] : memref<960000xi32, #tpu.memory_space<hbm>> -> memref<240xi32, #tpu.memory_space<hbm>>
      tpu.wait_dma2 semaphore(%arg21 : memref<!tpu.dma_semaphore, #tpu.memory_space<semaphore_mem>>) src(%dma_wait3A_324 : memref<240xi32, #tpu.memory_space<hbm>>) dst(%arg8 : memref<240xi32, #tpu.memory_space<vmem>>)
      %dma_start3A_325 = arith.constant 0 : i32
      %dma_start3A_326 = tpu.memref_slice %arg8[%dma_start3A_325] : memref<240xi32, #tpu.memory_space<vmem>> -> memref<80xi32, #tpu.memory_space<vmem>>
      %dma_start3A_327 = arith.constant 0 : i32
      %dma_start3A_328 = arith.constant 0 : i32
      %dma_start3A_329 = tpu.memref_slice %arg2[%dma_start3A_327, %dma_start3A_328] : memref<10000x128xf32, #tpu.memory_space<hbm>> -> memref<10000x128xf32, #tpu.memory_space<hbm>>
      tpu.enqueue_indirect_dma source(%dma_start3A_329 : memref<10000x128xf32, #tpu.memory_space<hbm>>) target(%arg6 : memref<80x128xf32, #tpu.memory_space<vmem>>) offsets(%dma_start3A_326 : memref<80xi32, #tpu.memory_space<vmem>>) semaphore(%arg25 : memref<!tpu.dma_semaphore, #tpu.memory_space<semaphore_mem>>)
      %get3A_330 = arith.constant 0 : index
      %get3A_331 = tpu.vector_load %arg9[%get3A_330] {strides = array<i32>} : memref<240xi32, #tpu.memory_space<vmem>>, vector<16xi32>,
      %get3A_332 = arith.constant 80 : index
      %get3A_333 = tpu.vector_load %arg9[%get3A_332] {strides = array<i32>} : memref<240xi32, #tpu.memory_space<vmem>>, vector<16xi32>,
      %get3A_334 = arith.constant 160 : index
      %get3A_335 = tpu.vector_load %arg9[%get3A_334] {strides = array<i32>} : memref<240xi32, #tpu.memory_space<vmem>>, vector<16xi32>,
      %bitcast3A_336 = vector.bitcast %get3A_335 : vector<16xi32> to vector<16xf32>
      %gather3A_337 = tpu.vector_load_idx %arg17[%get3A_331] : memref<10240xf32, #tpu.memory_space<vmem>>[vector<16xi32>], vector<16xf32>,
      %gather3A_338 = tpu.vector_load_idx %arg17[%get3A_333] : memref<10240xf32, #tpu.memory_space<vmem>>[vector<16xi32>], vector<16xf32>,
      %mul3A_339 = arith.mulf %gather3A_337, %bitcast3A_336 : vector<16xf32>
      %mul3A_340 = arith.mulf %mul3A_339, %gather3A_338 : vector<16xf32>
      %swap3A_341 = arith.constant 0 : index
      %swap3A_342 = tpu.vector_load %arg15[%swap3A_341] {strides = array<i32>} : memref<80xf32, #tpu.memory_space<vmem>>, vector<16xf32>,
      tpu.vector_store %arg15[%swap3A_341], %mul3A_340 {strides = array<i32>} : memref<80xf32, #tpu.memory_space<vmem>>, vector<16xf32>,
      %swap3A_343 = arith.constant 0 : index
      %swap3A_344 = tpu.vector_load %arg13[%swap3A_343] {strides = array<i32>} : memref<80xi32, #tpu.memory_space<vmem>>, vector<16xi32>,
      tpu.vector_store %arg13[%swap3A_343], %get3A_333 {strides = array<i32>} : memref<80xi32, #tpu.memory_space<vmem>>, vector<16xi32>,
      %get3A_345 = arith.constant 16 : index
      %get3A_346 = tpu.vector_load %arg9[%get3A_345] {strides = array<i32>} : memref<240xi32, #tpu.memory_space<vmem>>, vector<16xi32>,
      %get3A_347 = arith.constant 96 : index
      %get3A_348 = tpu.vector_load %arg9[%get3A_347] {strides = array<i32>} : memref<240xi32, #tpu.memory_space<vmem>>, vector<16xi32>,
      %get3A_349 = arith.constant 176 : index
      %get3A_350 = tpu.vector_load %arg9[%get3A_349] {strides = array<i32>} : memref<240xi32, #tpu.memory_space<vmem>>, vector<16xi32>,
      %bitcast3A_351 = vector.bitcast %get3A_350 : vector<16xi32> to vector<16xf32>
      %gather3A_352 = tpu.vector_load_idx %arg17[%get3A_346] : memref<10240xf32, #tpu.memory_space<vmem>>[vector<16xi32>], vector<16xf32>,
      %gather3A_353 = tpu.vector_load_idx %arg17[%get3A_348] : memref<10240xf32, #tpu.memory_space<vmem>>[vector<16xi32>], vector<16xf32>,
      %mul3A_354 = arith.mulf %gather3A_352, %bitcast3A_351 : vector<16xf32>
      %mul3A_355 = arith.mulf %mul3A_354, %gather3A_353 : vector<16xf32>
      %swap3A_356 = arith.constant 16 : index
      %swap3A_357 = tpu.vector_load %arg15[%swap3A_356] {strides = array<i32>} : memref<80xf32, #tpu.memory_space<vmem>>, vector<16xf32>,
      tpu.vector_store %arg15[%swap3A_356], %mul3A_355 {strides = array<i32>} : memref<80xf32, #tpu.memory_space<vmem>>, vector<16xf32>,
      %swap3A_358 = arith.constant 16 : index
      %swap3A_359 = tpu.vector_load %arg13[%swap3A_358] {strides = array<i32>} : memref<80xi32, #tpu.memory_space<vmem>>, vector<16xi32>,
      tpu.vector_store %arg13[%swap3A_358], %get3A_348 {strides = array<i32>} : memref<80xi32, #tpu.memory_space<vmem>>, vector<16xi32>,
      %get3A_360 = arith.constant 32 : index
      %get3A_361 = tpu.vector_load %arg9[%get3A_360] {strides = array<i32>} : memref<240xi32, #tpu.memory_space<vmem>>, vector<16xi32>,
      %get3A_362 = arith.constant 112 : index
      %get3A_363 = tpu.vector_load %arg9[%get3A_362] {strides = array<i32>} : memref<240xi32, #tpu.memory_space<vmem>>, vector<16xi32>,
      %get3A_364 = arith.constant 192 : index
      %get3A_365 = tpu.vector_load %arg9[%get3A_364] {strides = array<i32>} : memref<240xi32, #tpu.memory_space<vmem>>, vector<16xi32>,
      %bitcast3A_366 = vector.bitcast %get3A_365 : vector<16xi32> to vector<16xf32>
      %gather3A_367 = tpu.vector_load_idx %arg17[%get3A_361] : memref<10240xf32, #tpu.memory_space<vmem>>[vector<16xi32>], vector<16xf32>,
      %gather3A_368 = tpu.vector_load_idx %arg17[%get3A_363] : memref<10240xf32, #tpu.memory_space<vmem>>[vector<16xi32>], vector<16xf32>,
      %mul3A_369 = arith.mulf %gather3A_367, %bitcast3A_366 : vector<16xf32>
      %mul3A_370 = arith.mulf %mul3A_369, %gather3A_368 : vector<16xf32>
      %swap3A_371 = arith.constant 32 : index
      %swap3A_372 = tpu.vector_load %arg15[%swap3A_371] {strides = array<i32>} : memref<80xf32, #tpu.memory_space<vmem>>, vector<16xf32>,
      tpu.vector_store %arg15[%swap3A_371], %mul3A_370 {strides = array<i32>} : memref<80xf32, #tpu.memory_space<vmem>>, vector<16xf32>,
      %swap3A_373 = arith.constant 32 : index
      %swap3A_374 = tpu.vector_load %arg13[%swap3A_373] {strides = array<i32>} : memref<80xi32, #tpu.memory_space<vmem>>, vector<16xi32>,
      tpu.vector_store %arg13[%swap3A_373], %get3A_363 {strides = array<i32>} : memref<80xi32, #tpu.memory_space<vmem>>, vector<16xi32>,
      %get3A_375 = arith.constant 48 : index
      %get3A_376 = tpu.vector_load %arg9[%get3A_375] {strides = array<i32>} : memref<240xi32, #tpu.memory_space<vmem>>, vector<16xi32>,
      %get3A_377 = arith.constant 128 : index
      %get3A_378 = tpu.vector_load %arg9[%get3A_377] {strides = array<i32>} : memref<240xi32, #tpu.memory_space<vmem>>, vector<16xi32>,
      %get3A_379 = arith.constant 208 : index
      %get3A_380 = tpu.vector_load %arg9[%get3A_379] {strides = array<i32>} : memref<240xi32, #tpu.memory_space<vmem>>, vector<16xi32>,
      %bitcast3A_381 = vector.bitcast %get3A_380 : vector<16xi32> to vector<16xf32>
      %gather3A_382 = tpu.vector_load_idx %arg17[%get3A_376] : memref<10240xf32, #tpu.memory_space<vmem>>[vector<16xi32>], vector<16xf32>,
      %gather3A_383 = tpu.vector_load_idx %arg17[%get3A_378] : memref<10240xf32, #tpu.memory_space<vmem>>[vector<16xi32>], vector<16xf32>,
      %mul3A_384 = arith.mulf %gather3A_382, %bitcast3A_381 : vector<16xf32>
      %mul3A_385 = arith.mulf %mul3A_384, %gather3A_383 : vector<16xf32>
      %swap3A_386 = arith.constant 48 : index
      %swap3A_387 = tpu.vector_load %arg15[%swap3A_386] {strides = array<i32>} : memref<80xf32, #tpu.memory_space<vmem>>, vector<16xf32>,
      tpu.vector_store %arg15[%swap3A_386], %mul3A_385 {strides = array<i32>} : memref<80xf32, #tpu.memory_space<vmem>>, vector<16xf32>,
      %swap3A_388 = arith.constant 48 : index
      %swap3A_389 = tpu.vector_load %arg13[%swap3A_388] {strides = array<i32>} : memref<80xi32, #tpu.memory_space<vmem>>, vector<16xi32>,
      tpu.vector_store %arg13[%swap3A_388], %get3A_378 {strides = array<i32>} : memref<80xi32, #tpu.memory_space<vmem>>, vector<16xi32>,
      %get3A_390 = arith.constant 64 : index
      %get3A_391 = tpu.vector_load %arg9[%get3A_390] {strides = array<i32>} : memref<240xi32, #tpu.memory_space<vmem>>, vector<16xi32>,
      %get3A_392 = arith.constant 144 : index
      %get3A_393 = tpu.vector_load %arg9[%get3A_392] {strides = array<i32>} : memref<240xi32, #tpu.memory_space<vmem>>, vector<16xi32>,
      %get3A_394 = arith.constant 224 : index
      %get3A_395 = tpu.vector_load %arg9[%get3A_394] {strides = array<i32>} : memref<240xi32, #tpu.memory_space<vmem>>, vector<16xi32>,
      %bitcast3A_396 = vector.bitcast %get3A_395 : vector<16xi32> to vector<16xf32>
      %gather3A_397 = tpu.vector_load_idx %arg17[%get3A_391] : memref<10240xf32, #tpu.memory_space<vmem>>[vector<16xi32>], vector<16xf32>,
      %gather3A_398 = tpu.vector_load_idx %arg17[%get3A_393] : memref<10240xf32, #tpu.memory_space<vmem>>[vector<16xi32>], vector<16xf32>,
      %mul3A_399 = arith.mulf %gather3A_397, %bitcast3A_396 : vector<16xf32>
      %mul3A_400 = arith.mulf %mul3A_399, %gather3A_398 : vector<16xf32>
      %swap3A_401 = arith.constant 64 : index
      %swap3A_402 = tpu.vector_load %arg15[%swap3A_401] {strides = array<i32>} : memref<80xf32, #tpu.memory_space<vmem>>, vector<16xf32>,
      tpu.vector_store %arg15[%swap3A_401], %mul3A_400 {strides = array<i32>} : memref<80xf32, #tpu.memory_space<vmem>>, vector<16xf32>,
      %swap3A_403 = arith.constant 64 : index
      %swap3A_404 = tpu.vector_load %arg13[%swap3A_403] {strides = array<i32>} : memref<80xi32, #tpu.memory_space<vmem>>, vector<16xi32>,
      tpu.vector_store %arg13[%swap3A_403], %get3A_393 {strides = array<i32>} : memref<80xi32, #tpu.memory_space<vmem>>, vector<16xi32>,
      %scan3A_405 = arith.constant 0 : i32
      %scan3A_406 = arith.constant 0 : i32
      %scan3A_407 = arith.constant 80 : i32
      %scan3A_408 = arith.addi %scan3A_406, %scan3A_407 : i32
      %scan3A_409 = arith.constant 1 : i32
      %scan3A_410 = scf.for %scan3A_419 = %scan3A_406 to %scan3A_408 step %scan3A_409 iter_args(%scan3A_420 = %scan3A_405) -> (i32)  : i32 {
        %broadcast_in_dim3A_421 = vector.broadcast %scan3A_419 : i32 to vector<16xi32>
        %gather3A_422 = tpu.vector_load_idx %arg15[%broadcast_in_dim3A_421] : memref<80xf32, #tpu.memory_space<vmem>>[vector<16xi32>], vector<16xf32>,
        %get3A_423 = arith.index_cast %scan3A_419 : i32 to index
        %get3A_424 = arith.constant 0 : index
        %get3A_425 = tpu.vector_load %arg7[%get3A_423, %get3A_424] {strides = array<i32>} : memref<80x128xf32, #tpu.memory_space<vmem>>, vector<16xf32>,
        %mul3A_426 = arith.mulf %get3A_425, %gather3A_422 : vector<16xf32>
        %swap3A_427 = arith.index_cast %scan3A_419 : i32 to index
        %swap3A_428 = arith.constant 0 : index
        %swap3A_429 = tpu.vector_load %arg7[%swap3A_427, %swap3A_428] {strides = array<i32>} : memref<80x128xf32, #tpu.memory_space<vmem>>, vector<16xf32>,
        tpu.vector_store %arg7[%swap3A_427, %swap3A_428], %mul3A_426 {strides = array<i32>} : memref<80x128xf32, #tpu.memory_space<vmem>>, vector<16xf32>,
        %get3A_430 = arith.index_cast %scan3A_419 : i32 to index
        %get3A_431 = arith.constant 16 : index
        %get3A_432 = tpu.vector_load %arg7[%get3A_430, %get3A_431] {strides = array<i32>} : memref<80x128xf32, #tpu.memory_space<vmem>>, vector<16xf32>,
        %mul3A_433 = arith.mulf %get3A_432, %gather3A_422 : vector<16xf32>
        %swap3A_434 = arith.index_cast %scan3A_419 : i32 to index
        %swap3A_435 = arith.constant 16 : index
        %swap3A_436 = tpu.vector_load %arg7[%swap3A_434, %swap3A_435] {strides = array<i32>} : memref<80x128xf32, #tpu.memory_space<vmem>>, vector<16xf32>,
        tpu.vector_store %arg7[%swap3A_434, %swap3A_435], %mul3A_433 {strides = array<i32>} : memref<80x128xf32, #tpu.memory_space<vmem>>, vector<16xf32>,
        %get3A_437 = arith.index_cast %scan3A_419 : i32 to index
        %get3A_438 = arith.constant 32 : index
        %get3A_439 = tpu.vector_load %arg7[%get3A_437, %get3A_438] {strides = array<i32>} : memref<80x128xf32, #tpu.memory_space<vmem>>, vector<16xf32>,
        %mul3A_440 = arith.mulf %get3A_439, %gather3A_422 : vector<16xf32>
        %swap3A_441 = arith.index_cast %scan3A_419 : i32 to index
        %swap3A_442 = arith.constant 32 : index
        %swap3A_443 = tpu.vector_load %arg7[%swap3A_441, %swap3A_442] {strides = array<i32>} : memref<80x128xf32, #tpu.memory_space<vmem>>, vector<16xf32>,
        tpu.vector_store %arg7[%swap3A_441, %swap3A_442], %mul3A_440 {strides = array<i32>} : memref<80x128xf32, #tpu.memory_space<vmem>>, vector<16xf32>,
        %get3A_444 = arith.index_cast %scan3A_419 : i32 to index
        %get3A_445 = arith.constant 48 : index
        %get3A_446 = tpu.vector_load %arg7[%get3A_444, %get3A_445] {strides = array<i32>} : memref<80x128xf32, #tpu.memory_space<vmem>>, vector<16xf32>,
        %mul3A_447 = arith.mulf %get3A_446, %gather3A_422 : vector<16xf32>
        %swap3A_448 = arith.index_cast %scan3A_419 : i32 to index
        %swap3A_449 = arith.constant 48 : index
        %swap3A_450 = tpu.vector_load %arg7[%swap3A_448, %swap3A_449] {strides = array<i32>} : memref<80x128xf32, #tpu.memory_space<vmem>>, vector<16xf32>,
        tpu.vector_store %arg7[%swap3A_448, %swap3A_449], %mul3A_447 {strides = array<i32>} : memref<80x128xf32, #tpu.memory_space<vmem>>, vector<16xf32>,
        %get3A_451 = arith.index_cast %scan3A_419 : i32 to index
        %get3A_452 = arith.constant 64 : index
        %get3A_453 = tpu.vector_load %arg7[%get3A_451, %get3A_452] {strides = array<i32>} : memref<80x128xf32, #tpu.memory_space<vmem>>, vector<16xf32>,
        %mul3A_454 = arith.mulf %get3A_453, %gather3A_422 : vector<16xf32>
        %swap3A_455 = arith.index_cast %scan3A_419 : i32 to index
        %swap3A_456 = arith.constant 64 : index
        %swap3A_457 = tpu.vector_load %arg7[%swap3A_455, %swap3A_456] {strides = array<i32>} : memref<80x128xf32, #tpu.memory_space<vmem>>, vector<16xf32>,
        tpu.vector_store %arg7[%swap3A_455, %swap3A_456], %mul3A_454 {strides = array<i32>} : memref<80x128xf32, #tpu.memory_space<vmem>>, vector<16xf32>,
        %get3A_458 = arith.index_cast %scan3A_419 : i32 to index
        %get3A_459 = arith.constant 80 : index
        %get3A_460 = tpu.vector_load %arg7[%get3A_458, %get3A_459] {strides = array<i32>} : memref<80x128xf32, #tpu.memory_space<vmem>>, vector<16xf32>,
        %mul3A_461 = arith.mulf %get3A_460, %gather3A_422 : vector<16xf32>
        %swap3A_462 = arith.index_cast %scan3A_419 : i32 to index
        %swap3A_463 = arith.constant 80 : index
        %swap3A_464 = tpu.vector_load %arg7[%swap3A_462, %swap3A_463] {strides = array<i32>} : memref<80x128xf32, #tpu.memory_space<vmem>>, vector<16xf32>,
        tpu.vector_store %arg7[%swap3A_462, %swap3A_463], %mul3A_461 {strides = array<i32>} : memref<80x128xf32, #tpu.memory_space<vmem>>, vector<16xf32>,
        %get3A_465 = arith.index_cast %scan3A_419 : i32 to index
        %get3A_466 = arith.constant 96 : index
        %get3A_467 = tpu.vector_load %arg7[%get3A_465, %get3A_466] {strides = array<i32>} : memref<80x128xf32, #tpu.memory_space<vmem>>, vector<16xf32>,
        %mul3A_468 = arith.mulf %get3A_467, %gather3A_422 : vector<16xf32>
        %swap3A_469 = arith.index_cast %scan3A_419 : i32 to index
        %swap3A_470 = arith.constant 96 : index
        %swap3A_471 = tpu.vector_load %arg7[%swap3A_469, %swap3A_470] {strides = array<i32>} : memref<80x128xf32, #tpu.memory_space<vmem>>, vector<16xf32>,
        tpu.vector_store %arg7[%swap3A_469, %swap3A_470], %mul3A_468 {strides = array<i32>} : memref<80x128xf32, #tpu.memory_space<vmem>>, vector<16xf32>,
        %get3A_472 = arith.index_cast %scan3A_419 : i32 to index
        %get3A_473 = arith.constant 112 : index
        %get3A_474 = tpu.vector_load %arg7[%get3A_472, %get3A_473] {strides = array<i32>} : memref<80x128xf32, #tpu.memory_space<vmem>>, vector<16xf32>,
        %mul3A_475 = arith.mulf %get3A_474, %gather3A_422 : vector<16xf32>
        %swap3A_476 = arith.index_cast %scan3A_419 : i32 to index
        %swap3A_477 = arith.constant 112 : index
        %swap3A_478 = tpu.vector_load %arg7[%swap3A_476, %swap3A_477] {strides = array<i32>} : memref<80x128xf32, #tpu.memory_space<vmem>>, vector<16xf32>,
        tpu.vector_store %arg7[%swap3A_476, %swap3A_477], %mul3A_475 {strides = array<i32>} : memref<80x128xf32, #tpu.memory_space<vmem>>, vector<16xf32>,
        %scan3A_479 = arith.constant 0 : i32
        scf.yield %scan3A_479 : i32
      }
      %scan3A_411 = arith.constant 80 : i32
      "tpu.region"() ({
        %run_scoped3A = tpu.sem_alloc : memref<!tpu.dma_semaphore, #tpu.memory_space<semaphore_mem>>
        %dma_start3A_419 = arith.constant 0 : i32
        %dma_start3A_420 = arith.constant 0 : i32
        %dma_start3A_421 = tpu.memref_slice %arg20[%dma_start3A_419, %dma_start3A_420] : memref<10240x128xf32, #tpu.memory_space<vmem_shared>> -> memref<10240x128xf32, #tpu.memory_space<vmem_shared>>
        tpu.enqueue_indirect_dma source(%arg7 : memref<80x128xf32, #tpu.memory_space<vmem>>) target(%dma_start3A_421 : memref<10240x128xf32, #tpu.memory_space<vmem_shared>>) offsets(%arg13 : memref<80xi32, #tpu.memory_space<vmem>>) semaphore(%run_scoped3A : memref<!tpu.dma_semaphore, #tpu.memory_space<semaphore_mem>>) {add = true}
        %dma_wait3A_422 = arith.constant 0 : i32
        %dma_wait3A_423 = arith.constant 0 : i32
        %dma_wait3A_424 = tpu.memref_slice %arg20[%dma_wait3A_422, %dma_wait3A_423] : memref<10240x128xf32, #tpu.memory_space<vmem_shared>> -> memref<10240x128xf32, #tpu.memory_space<vmem_shared>>
        tpu.wait_indirect_dma semaphore(%run_scoped3A : memref<!tpu.dma_semaphore, #tpu.memory_space<semaphore_mem>>) src(%arg7 : memref<80x128xf32, #tpu.memory_space<vmem>>) dst(%dma_wait3A_424 : memref<10240x128xf32, #tpu.memory_space<vmem_shared>>)
        tpu.yield
      }) : () -> ()
      %add3A_412 = arith.constant 2 : i32
      %add3A_413 = arith.addi %add3A_312, %add3A_412 : i32
      %lt3A = arith.constant 125 : i32
      %lt3A_414 = arith.cmpi slt, %add3A_413, %lt3A : i32
      %convert_element_type3A_415 = arith.extui %lt3A_414 : i1 to i32
      %cond3A_416 = arith.constant 0 : i32
      %cond3A_417 = arith.cmpi ne, %convert_element_type3A_415, %cond3A_416 : i32
      scf.if %cond3A_417 {
        %add3A_419 = arith.addi %mul3A_83, %add3A_312 : i32
        %add3A_420 = arith.constant 2 : i32
        %add3A_421 = arith.addi %add3A_419, %add3A_420 : i32
        %mul3A_422 = arith.constant 240 : i32
        %mul3A_423 = arith.muli %add3A_421, %mul3A_422 : i32
        %dma_start3A_424 = tpu.memref_slice %arg3[%mul3A_423] : memref<960000xi32, #tpu.memory_space<hbm>> -> memref<240xi32, #tpu.memory_space<hbm>>
        %dma_start3A_425 = tpu.memref_slice %arg3[%mul3A_423] : memref<960000xi32, #tpu.memory_space<hbm>> -> memref<240xi32, #tpu.memory_space<hbm>>
        tpu.enqueue_dma source(%dma_start3A_425 : memref<240xi32, #tpu.memory_space<hbm>>) target(%arg9 : memref<240xi32, #tpu.memory_space<vmem>>) target_semaphore(%arg22 : memref<!tpu.dma_semaphore, #tpu.memory_space<semaphore_mem>>)
      } else {
      }
      %scan3A_418 = arith.constant 0 : i32
      scf.yield %scan3A_418 : i32
    }
    %scan3A_108 = arith.constant 62 : i32
    %dma_wait3A_109 = arith.constant 0 : i32
    %dma_wait3A_110 = tpu.memref_slice %arg8[%dma_wait3A_109] : memref<240xi32, #tpu.memory_space<vmem>> -> memref<80xi32, #tpu.memory_space<vmem>>
    %dma_wait3A_111 = arith.constant 0 : i32
    %dma_wait3A_112 = arith.constant 0 : i32
    %dma_wait3A_113 = tpu.memref_slice %arg2[%dma_wait3A_111, %dma_wait3A_112] : memref<10000x128xf32, #tpu.memory_space<hbm>> -> memref<10000x128xf32, #tpu.memory_space<hbm>>
    tpu.wait_indirect_dma semaphore(%arg25 : memref<!tpu.dma_semaphore, #tpu.memory_space<semaphore_mem>>) src(%dma_wait3A_113 : memref<10000x128xf32, #tpu.memory_space<hbm>>) dst(%arg6 : memref<80x128xf32, #tpu.memory_space<vmem>>)
    %get3A = arith.constant 0 : index
    %get3A_114 = tpu.vector_load %arg8[%get3A] {strides = array<i32>} : memref<240xi32, #tpu.memory_space<vmem>>, vector<16xi32>,
    %get3A_115 = arith.constant 80 : index
    %get3A_116 = tpu.vector_load %arg8[%get3A_115] {strides = array<i32>} : memref<240xi32, #tpu.memory_space<vmem>>, vector<16xi32>,
    %get3A_117 = arith.constant 160 : index
    %get3A_118 = tpu.vector_load %arg8[%get3A_117] {strides = array<i32>} : memref<240xi32, #tpu.memory_space<vmem>>, vector<16xi32>,
    %bitcast3A = vector.bitcast %get3A_118 : vector<16xi32> to vector<16xf32>
    %gather3A = tpu.vector_load_idx %arg17[%get3A_114] : memref<10240xf32, #tpu.memory_space<vmem>>[vector<16xi32>], vector<16xf32>,
    %gather3A_119 = tpu.vector_load_idx %arg17[%get3A_116] : memref<10240xf32, #tpu.memory_space<vmem>>[vector<16xi32>], vector<16xf32>,
    %mul3A_120 = arith.mulf %gather3A, %bitcast3A : vector<16xf32>
    %mul3A_121 = arith.mulf %mul3A_120, %gather3A_119 : vector<16xf32>
    %swap3A = arith.constant 0 : index
    %swap3A_122 = tpu.vector_load %arg15[%swap3A] {strides = array<i32>} : memref<80xf32, #tpu.memory_space<vmem>>, vector<16xf32>,
    tpu.vector_store %arg15[%swap3A], %mul3A_121 {strides = array<i32>} : memref<80xf32, #tpu.memory_space<vmem>>, vector<16xf32>,
    %swap3A_123 = arith.constant 0 : index
    %swap3A_124 = tpu.vector_load %arg12[%swap3A_123] {strides = array<i32>} : memref<80xi32, #tpu.memory_space<vmem>>, vector<16xi32>,
    tpu.vector_store %arg12[%swap3A_123], %get3A_116 {strides = array<i32>} : memref<80xi32, #tpu.memory_space<vmem>>, vector<16xi32>,
    %get3A_125 = arith.constant 16 : index
    %get3A_126 = tpu.vector_load %arg8[%get3A_125] {strides = array<i32>} : memref<240xi32, #tpu.memory_space<vmem>>, vector<16xi32>,
    %get3A_127 = arith.constant 96 : index
    %get3A_128 = tpu.vector_load %arg8[%get3A_127] {strides = array<i32>} : memref<240xi32, #tpu.memory_space<vmem>>, vector<16xi32>,
    %get3A_129 = arith.constant 176 : index
    %get3A_130 = tpu.vector_load %arg8[%get3A_129] {strides = array<i32>} : memref<240xi32, #tpu.memory_space<vmem>>, vector<16xi32>,
    %bitcast3A_131 = vector.bitcast %get3A_130 : vector<16xi32> to vector<16xf32>
    %gather3A_132 = tpu.vector_load_idx %arg17[%get3A_126] : memref<10240xf32, #tpu.memory_space<vmem>>[vector<16xi32>], vector<16xf32>,
    %gather3A_133 = tpu.vector_load_idx %arg17[%get3A_128] : memref<10240xf32, #tpu.memory_space<vmem>>[vector<16xi32>], vector<16xf32>,
    %mul3A_134 = arith.mulf %gather3A_132, %bitcast3A_131 : vector<16xf32>
    %mul3A_135 = arith.mulf %mul3A_134, %gather3A_133 : vector<16xf32>
    %swap3A_136 = arith.constant 16 : index
    %swap3A_137 = tpu.vector_load %arg15[%swap3A_136] {strides = array<i32>} : memref<80xf32, #tpu.memory_space<vmem>>, vector<16xf32>,
    tpu.vector_store %arg15[%swap3A_136], %mul3A_135 {strides = array<i32>} : memref<80xf32, #tpu.memory_space<vmem>>, vector<16xf32>,
    %swap3A_138 = arith.constant 16 : index
    %swap3A_139 = tpu.vector_load %arg12[%swap3A_138] {strides = array<i32>} : memref<80xi32, #tpu.memory_space<vmem>>, vector<16xi32>,
    tpu.vector_store %arg12[%swap3A_138], %get3A_128 {strides = array<i32>} : memref<80xi32, #tpu.memory_space<vmem>>, vector<16xi32>,
    %get3A_140 = arith.constant 32 : index
    %get3A_141 = tpu.vector_load %arg8[%get3A_140] {strides = array<i32>} : memref<240xi32, #tpu.memory_space<vmem>>, vector<16xi32>,
    %get3A_142 = arith.constant 112 : index
    %get3A_143 = tpu.vector_load %arg8[%get3A_142] {strides = array<i32>} : memref<240xi32, #tpu.memory_space<vmem>>, vector<16xi32>,
    %get3A_144 = arith.constant 192 : index
    %get3A_145 = tpu.vector_load %arg8[%get3A_144] {strides = array<i32>} : memref<240xi32, #tpu.memory_space<vmem>>, vector<16xi32>,
    %bitcast3A_146 = vector.bitcast %get3A_145 : vector<16xi32> to vector<16xf32>
    %gather3A_147 = tpu.vector_load_idx %arg17[%get3A_141] : memref<10240xf32, #tpu.memory_space<vmem>>[vector<16xi32>], vector<16xf32>,
    %gather3A_148 = tpu.vector_load_idx %arg17[%get3A_143] : memref<10240xf32, #tpu.memory_space<vmem>>[vector<16xi32>], vector<16xf32>,
    %mul3A_149 = arith.mulf %gather3A_147, %bitcast3A_146 : vector<16xf32>
    %mul3A_150 = arith.mulf %mul3A_149, %gather3A_148 : vector<16xf32>
    %swap3A_151 = arith.constant 32 : index
    %swap3A_152 = tpu.vector_load %arg15[%swap3A_151] {strides = array<i32>} : memref<80xf32, #tpu.memory_space<vmem>>, vector<16xf32>,
    tpu.vector_store %arg15[%swap3A_151], %mul3A_150 {strides = array<i32>} : memref<80xf32, #tpu.memory_space<vmem>>, vector<16xf32>,
    %swap3A_153 = arith.constant 32 : index
    %swap3A_154 = tpu.vector_load %arg12[%swap3A_153] {strides = array<i32>} : memref<80xi32, #tpu.memory_space<vmem>>, vector<16xi32>,
    tpu.vector_store %arg12[%swap3A_153], %get3A_143 {strides = array<i32>} : memref<80xi32, #tpu.memory_space<vmem>>, vector<16xi32>,
    %get3A_155 = arith.constant 48 : index
    %get3A_156 = tpu.vector_load %arg8[%get3A_155] {strides = array<i32>} : memref<240xi32, #tpu.memory_space<vmem>>, vector<16xi32>,
    %get3A_157 = arith.constant 128 : index
    %get3A_158 = tpu.vector_load %arg8[%get3A_157] {strides = array<i32>} : memref<240xi32, #tpu.memory_space<vmem>>, vector<16xi32>,
    %get3A_159 = arith.constant 208 : index
    %get3A_160 = tpu.vector_load %arg8[%get3A_159] {strides = array<i32>} : memref<240xi32, #tpu.memory_space<vmem>>, vector<16xi32>,
    %bitcast3A_161 = vector.bitcast %get3A_160 : vector<16xi32> to vector<16xf32>
    %gather3A_162 = tpu.vector_load_idx %arg17[%get3A_156] : memref<10240xf32, #tpu.memory_space<vmem>>[vector<16xi32>], vector<16xf32>,
    %gather3A_163 = tpu.vector_load_idx %arg17[%get3A_158] : memref<10240xf32, #tpu.memory_space<vmem>>[vector<16xi32>], vector<16xf32>,
    %mul3A_164 = arith.mulf %gather3A_162, %bitcast3A_161 : vector<16xf32>
    %mul3A_165 = arith.mulf %mul3A_164, %gather3A_163 : vector<16xf32>
    %swap3A_166 = arith.constant 48 : index
    %swap3A_167 = tpu.vector_load %arg15[%swap3A_166] {strides = array<i32>} : memref<80xf32, #tpu.memory_space<vmem>>, vector<16xf32>,
    tpu.vector_store %arg15[%swap3A_166], %mul3A_165 {strides = array<i32>} : memref<80xf32, #tpu.memory_space<vmem>>, vector<16xf32>,
    %swap3A_168 = arith.constant 48 : index
    %swap3A_169 = tpu.vector_load %arg12[%swap3A_168] {strides = array<i32>} : memref<80xi32, #tpu.memory_space<vmem>>, vector<16xi32>,
    tpu.vector_store %arg12[%swap3A_168], %get3A_158 {strides = array<i32>} : memref<80xi32, #tpu.memory_space<vmem>>, vector<16xi32>,
    %get3A_170 = arith.constant 64 : index
    %get3A_171 = tpu.vector_load %arg8[%get3A_170] {strides = array<i32>} : memref<240xi32, #tpu.memory_space<vmem>>, vector<16xi32>,
    %get3A_172 = arith.constant 144 : index
    %get3A_173 = tpu.vector_load %arg8[%get3A_172] {strides = array<i32>} : memref<240xi32, #tpu.memory_space<vmem>>, vector<16xi32>,
    %get3A_174 = arith.constant 224 : index
    %get3A_175 = tpu.vector_load %arg8[%get3A_174] {strides = array<i32>} : memref<240xi32, #tpu.memory_space<vmem>>, vector<16xi32>,
    %bitcast3A_176 = vector.bitcast %get3A_175 : vector<16xi32> to vector<16xf32>
    %gather3A_177 = tpu.vector_load_idx %arg17[%get3A_171] : memref<10240xf32, #tpu.memory_space<vmem>>[vector<16xi32>], vector<16xf32>,
    %gather3A_178 = tpu.vector_load_idx %arg17[%get3A_173] : memref<10240xf32, #tpu.memory_space<vmem>>[vector<16xi32>], vector<16xf32>,
    %mul3A_179 = arith.mulf %gather3A_177, %bitcast3A_176 : vector<16xf32>
    %mul3A_180 = arith.mulf %mul3A_179, %gather3A_178 : vector<16xf32>
    %swap3A_181 = arith.constant 64 : index
    %swap3A_182 = tpu.vector_load %arg15[%swap3A_181] {strides = array<i32>} : memref<80xf32, #tpu.memory_space<vmem>>, vector<16xf32>,
    tpu.vector_store %arg15[%swap3A_181], %mul3A_180 {strides = array<i32>} : memref<80xf32, #tpu.memory_space<vmem>>, vector<16xf32>,
    %swap3A_183 = arith.constant 64 : index
    %swap3A_184 = tpu.vector_load %arg12[%swap3A_183] {strides = array<i32>} : memref<80xi32, #tpu.memory_space<vmem>>, vector<16xi32>,
    tpu.vector_store %arg12[%swap3A_183], %get3A_173 {strides = array<i32>} : memref<80xi32, #tpu.memory_space<vmem>>, vector<16xi32>,
    %scan3A_185 = arith.constant 0 : i32
    %scan3A_186 = arith.constant 0 : i32
    %scan3A_187 = arith.constant 80 : i32
    %scan3A_188 = arith.addi %scan3A_186, %scan3A_187 : i32
    %scan3A_189 = arith.constant 1 : i32
    %scan3A_190 = scf.for %scan3A_197 = %scan3A_186 to %scan3A_188 step %scan3A_189 iter_args(%scan3A_198 = %scan3A_185) -> (i32)  : i32 {
      %broadcast_in_dim3A_199 = vector.broadcast %scan3A_197 : i32 to vector<16xi32>
      %gather3A_200 = tpu.vector_load_idx %arg15[%broadcast_in_dim3A_199] : memref<80xf32, #tpu.memory_space<vmem>>[vector<16xi32>], vector<16xf32>,
      %get3A_201 = arith.index_cast %scan3A_197 : i32 to index
      %get3A_202 = arith.constant 0 : index
      %get3A_203 = tpu.vector_load %arg6[%get3A_201, %get3A_202] {strides = array<i32>} : memref<80x128xf32, #tpu.memory_space<vmem>>, vector<16xf32>,
      %mul3A_204 = arith.mulf %get3A_203, %gather3A_200 : vector<16xf32>
      %swap3A_205 = arith.index_cast %scan3A_197 : i32 to index
      %swap3A_206 = arith.constant 0 : index
      %swap3A_207 = tpu.vector_load %arg6[%swap3A_205, %swap3A_206] {strides = array<i32>} : memref<80x128xf32, #tpu.memory_space<vmem>>, vector<16xf32>,
      tpu.vector_store %arg6[%swap3A_205, %swap3A_206], %mul3A_204 {strides = array<i32>} : memref<80x128xf32, #tpu.memory_space<vmem>>, vector<16xf32>,
      %get3A_208 = arith.index_cast %scan3A_197 : i32 to index
      %get3A_209 = arith.constant 16 : index
      %get3A_210 = tpu.vector_load %arg6[%get3A_208, %get3A_209] {strides = array<i32>} : memref<80x128xf32, #tpu.memory_space<vmem>>, vector<16xf32>,
      %mul3A_211 = arith.mulf %get3A_210, %gather3A_200 : vector<16xf32>
      %swap3A_212 = arith.index_cast %scan3A_197 : i32 to index
      %swap3A_213 = arith.constant 16 : index
      %swap3A_214 = tpu.vector_load %arg6[%swap3A_212, %swap3A_213] {strides = array<i32>} : memref<80x128xf32, #tpu.memory_space<vmem>>, vector<16xf32>,
      tpu.vector_store %arg6[%swap3A_212, %swap3A_213], %mul3A_211 {strides = array<i32>} : memref<80x128xf32, #tpu.memory_space<vmem>>, vector<16xf32>,
      %get3A_215 = arith.index_cast %scan3A_197 : i32 to index
      %get3A_216 = arith.constant 32 : index
      %get3A_217 = tpu.vector_load %arg6[%get3A_215, %get3A_216] {strides = array<i32>} : memref<80x128xf32, #tpu.memory_space<vmem>>, vector<16xf32>,
      %mul3A_218 = arith.mulf %get3A_217, %gather3A_200 : vector<16xf32>
      %swap3A_219 = arith.index_cast %scan3A_197 : i32 to index
      %swap3A_220 = arith.constant 32 : index
      %swap3A_221 = tpu.vector_load %arg6[%swap3A_219, %swap3A_220] {strides = array<i32>} : memref<80x128xf32, #tpu.memory_space<vmem>>, vector<16xf32>,
      tpu.vector_store %arg6[%swap3A_219, %swap3A_220], %mul3A_218 {strides = array<i32>} : memref<80x128xf32, #tpu.memory_space<vmem>>, vector<16xf32>,
      %get3A_222 = arith.index_cast %scan3A_197 : i32 to index
      %get3A_223 = arith.constant 48 : index
      %get3A_224 = tpu.vector_load %arg6[%get3A_222, %get3A_223] {strides = array<i32>} : memref<80x128xf32, #tpu.memory_space<vmem>>, vector<16xf32>,
      %mul3A_225 = arith.mulf %get3A_224, %gather3A_200 : vector<16xf32>
      %swap3A_226 = arith.index_cast %scan3A_197 : i32 to index
      %swap3A_227 = arith.constant 48 : index
      %swap3A_228 = tpu.vector_load %arg6[%swap3A_226, %swap3A_227] {strides = array<i32>} : memref<80x128xf32, #tpu.memory_space<vmem>>, vector<16xf32>,
      tpu.vector_store %arg6[%swap3A_226, %swap3A_227], %mul3A_225 {strides = array<i32>} : memref<80x128xf32, #tpu.memory_space<vmem>>, vector<16xf32>,
      %get3A_229 = arith.index_cast %scan3A_197 : i32 to index
      %get3A_230 = arith.constant 64 : index
      %get3A_231 = tpu.vector_load %arg6[%get3A_229, %get3A_230] {strides = array<i32>} : memref<80x128xf32, #tpu.memory_space<vmem>>, vector<16xf32>,
      %mul3A_232 = arith.mulf %get3A_231, %gather3A_200 : vector<16xf32>
      %swap3A_233 = arith.index_cast %scan3A_197 : i32 to index
      %swap3A_234 = arith.constant 64 : index
      %swap3A_235 = tpu.vector_load %arg6[%swap3A_233, %swap3A_234] {strides = array<i32>} : memref<80x128xf32, #tpu.memory_space<vmem>>, vector<16xf32>,
      tpu.vector_store %arg6[%swap3A_233, %swap3A_234], %mul3A_232 {strides = array<i32>} : memref<80x128xf32, #tpu.memory_space<vmem>>, vector<16xf32>,
      %get3A_236 = arith.index_cast %scan3A_197 : i32 to index
      %get3A_237 = arith.constant 80 : index
      %get3A_238 = tpu.vector_load %arg6[%get3A_236, %get3A_237] {strides = array<i32>} : memref<80x128xf32, #tpu.memory_space<vmem>>, vector<16xf32>,
      %mul3A_239 = arith.mulf %get3A_238, %gather3A_200 : vector<16xf32>
      %swap3A_240 = arith.index_cast %scan3A_197 : i32 to index
      %swap3A_241 = arith.constant 80 : index
      %swap3A_242 = tpu.vector_load %arg6[%swap3A_240, %swap3A_241] {strides = array<i32>} : memref<80x128xf32, #tpu.memory_space<vmem>>, vector<16xf32>,
      tpu.vector_store %arg6[%swap3A_240, %swap3A_241], %mul3A_239 {strides = array<i32>} : memref<80x128xf32, #tpu.memory_space<vmem>>, vector<16xf32>,
      %get3A_243 = arith.index_cast %scan3A_197 : i32 to index
      %get3A_244 = arith.constant 96 : index
      %get3A_245 = tpu.vector_load %arg6[%get3A_243, %get3A_244] {strides = array<i32>} : memref<80x128xf32, #tpu.memory_space<vmem>>, vector<16xf32>,
      %mul3A_246 = arith.mulf %get3A_245, %gather3A_200 : vector<16xf32>
      %swap3A_247 = arith.index_cast %scan3A_197 : i32 to index
      %swap3A_248 = arith.constant 96 : index
      %swap3A_249 = tpu.vector_load %arg6[%swap3A_247, %swap3A_248] {strides = array<i32>} : memref<80x128xf32, #tpu.memory_space<vmem>>, vector<16xf32>,
      tpu.vector_store %arg6[%swap3A_247, %swap3A_248], %mul3A_246 {strides = array<i32>} : memref<80x128xf32, #tpu.memory_space<vmem>>, vector<16xf32>,
      %get3A_250 = arith.index_cast %scan3A_197 : i32 to index
      %get3A_251 = arith.constant 112 : index
      %get3A_252 = tpu.vector_load %arg6[%get3A_250, %get3A_251] {strides = array<i32>} : memref<80x128xf32, #tpu.memory_space<vmem>>, vector<16xf32>,
      %mul3A_253 = arith.mulf %get3A_252, %gather3A_200 : vector<16xf32>
      %swap3A_254 = arith.index_cast %scan3A_197 : i32 to index
      %swap3A_255 = arith.constant 112 : index
      %swap3A_256 = tpu.vector_load %arg6[%swap3A_254, %swap3A_255] {strides = array<i32>} : memref<80x128xf32, #tpu.memory_space<vmem>>, vector<16xf32>,
      tpu.vector_store %arg6[%swap3A_254, %swap3A_255], %mul3A_253 {strides = array<i32>} : memref<80x128xf32, #tpu.memory_space<vmem>>, vector<16xf32>,
      %scan3A_257 = arith.constant 0 : i32
      scf.yield %scan3A_257 : i32
    }
    %scan3A_191 = arith.constant 80 : i32
    "tpu.region"() ({
      %run_scoped3A = tpu.sem_alloc : memref<!tpu.dma_semaphore, #tpu.memory_space<semaphore_mem>>
      %dma_start3A_197 = arith.constant 0 : i32
      %dma_start3A_198 = arith.constant 0 : i32
      %dma_start3A_199 = tpu.memref_slice %arg20[%dma_start3A_197, %dma_start3A_198] : memref<10240x128xf32, #tpu.memory_space<vmem_shared>> -> memref<10240x128xf32, #tpu.memory_space<vmem_shared>>
      tpu.enqueue_indirect_dma source(%arg6 : memref<80x128xf32, #tpu.memory_space<vmem>>) target(%dma_start3A_199 : memref<10240x128xf32, #tpu.memory_space<vmem_shared>>) offsets(%arg12 : memref<80xi32, #tpu.memory_space<vmem>>) semaphore(%run_scoped3A : memref<!tpu.dma_semaphore, #tpu.memory_space<semaphore_mem>>) {add = true}
      %dma_wait3A_200 = arith.constant 0 : i32
      %dma_wait3A_201 = arith.constant 0 : i32
      %dma_wait3A_202 = tpu.memref_slice %arg20[%dma_wait3A_200, %dma_wait3A_201] : memref<10240x128xf32, #tpu.memory_space<vmem_shared>> -> memref<10240x128xf32, #tpu.memory_space<vmem_shared>>
      tpu.wait_indirect_dma semaphore(%run_scoped3A : memref<!tpu.dma_semaphore, #tpu.memory_space<semaphore_mem>>) src(%arg6 : memref<80x128xf32, #tpu.memory_space<vmem>>) dst(%dma_wait3A_202 : memref<10240x128xf32, #tpu.memory_space<vmem_shared>>)
      tpu.yield
    }) : () -> ()
    %barrier3A_192 = arith.constant 0 : index
    tpu.barrier barrier_id(%barrier3A_192)
    %mul3A_193 = arith.constant 640 : i32
    %mul3A_194 = arith.muli %arg1, %mul3A_193 : i32
    %mul3A_195 = arith.constant 640 : i32
    %mul3A_196 = arith.muli %arg1, %mul3A_195 : i32
    "tpu.region"() ({
      %run_scoped3A = tpu.sem_alloc : memref<!tpu.dma_semaphore, #tpu.memory_space<semaphore_mem>>
      %dma_start3A_197 = arith.constant 0 : i32
      %dma_start3A_198 = tpu.memref_slice %arg4[%arg0, %mul3A_196, %dma_start3A_197] : memref<2x10240x128xf32, #tpu.memory_space<hbm>> -> memref<1x640x128xf32, #tpu.memory_space<hbm>>
      %dma_start3A_199 = tpu.memref_squeeze %dma_start3A_198 : memref<1x640x128xf32, #tpu.memory_space<hbm>> -> memref<640x128xf32, #tpu.memory_space<hbm>>
      %dma_start3A_200 = arith.constant 0 : i32
      %dma_start3A_201 = tpu.memref_slice %arg20[%mul3A_194, %dma_start3A_200] : memref<10240x128xf32, #tpu.memory_space<vmem_shared>> -> memref<640x128xf32, #tpu.memory_space<vmem_shared>>
      tpu.enqueue_dma source(%dma_start3A_201 : memref<640x128xf32, #tpu.memory_space<vmem_shared>>) target(%dma_start3A_199 : memref<640x128xf32, #tpu.memory_space<hbm>>) target_semaphore(%run_scoped3A : memref<!tpu.dma_semaphore, #tpu.memory_space<semaphore_mem>>)
      %dma_wait3A_202 = arith.constant 0 : i32
      %dma_wait3A_203 = tpu.memref_slice %arg4[%arg0, %mul3A_196, %dma_wait3A_202] : memref<2x10240x128xf32, #tpu.memory_space<hbm>> -> memref<1x640x128xf32, #tpu.memory_space<hbm>>
      %dma_wait3A_204 = tpu.memref_squeeze %dma_wait3A_203 : memref<1x640x128xf32, #tpu.memory_space<hbm>> -> memref<640x128xf32, #tpu.memory_space<hbm>>
      %dma_wait3A_205 = arith.constant 0 : i32
      %dma_wait3A_206 = tpu.memref_slice %arg20[%mul3A_194, %dma_wait3A_205] : memref<10240x128xf32, #tpu.memory_space<vmem_shared>> -> memref<640x128xf32, #tpu.memory_space<vmem_shared>>
      tpu.wait_dma2 semaphore(%run_scoped3A : memref<!tpu.dma_semaphore, #tpu.memory_space<semaphore_mem>>) src(%dma_wait3A_206 : memref<640x128xf32, #tpu.memory_space<vmem_shared>>) dst(%dma_wait3A_204 : memref<640x128xf32, #tpu.memory_space<hbm>>)
      tpu.yield
    }) : () -> ()
    return
  }
}

</mosaic_0001>

<sc_bundles>
// kernel: _sc_aggregate.3.cloned.1.call-start
scs
__scs_entry_jumppad:
0x0: {  	(pc) =	sbr.rel $0x88, $3  }
0x1: {  	(tag) =	ssettag $0x0;
	lr =	simm.s32 $0x1  }
0x2: {  	[smem:$0x3F9F] =	sst lr;
	_ =	strace $0xD0000000  }
0x3: {  	_ = 	snop  }
0x4: {  	_ = 	snop  }
0x5: {  	_ = 	snop  }
0x6: {  	_ = 	snop  }
0x7: {  	_ = 	snop  }
__scs_overlays_trampoline_lowered:
0x8: {  	[smem:$0x3FAE] =	sst s0  }
0x9: {  	[smem:$0x3FAF] =	sst s1  }
0xa: {  	[smem:$0x3FB0] =	sst s2  }
0xb: {  	[smem:$0x3FB1] =	sst s3  }
0xc: {  	[smem:$0x3FB2] =	sst s4  }
0xd: {  	[smem:$0x3FB3] =	sst s5  }
0xe: {  	[smem:$0x3FB4] =	sst s6  }
0xf: {  	[smem:$0x3FB5] =	sst s7  }
0x10: {  	[smem:$0x3FB6] =	sst s8  }
0x11: {  	[smem:$0x3FB7] =	sst s9;
	s0 =	simm.s32 @!p0 $0x0  }
0x12: {  	s1 =	sld [smem:$0x3F9D];
	s0 =	simm.s32 @p0 $0x1  }
0x13: {  	[smem:$0x3FB8] =	sst s0;
	s0 =	simm.s32 @!p1 $0x0  }
0x14: {  	s2 =	sld [smem:$0x3F9C];
	s0 =	simm.s32 @p1 $0x1  }
0x15: {  	[smem:$0x3FB9] =	sst s0;
	s0 =	simm.s32 @!p2 $0x0  }
0x16: {  	s3 =	sld [smem:$0x3FDB];
	s0 =	simm.s32 @p2 $0x1  }
0x17: {  	s4 =	simm.s32 $0x1BF5;
	[smem:$0x3FBB] =	sst s0  }
0x18: {  	s0 =	sld [smem:$0x3F9E];
	_ =	swait.ge [sflag:s4], $0x0  }
0x19: {  	s7 =	sld [smem:$0x3F9F]  }
0x1a: {  	s8 =	sadd.s32 $0xFFFFE003, lr  }
0x1b: {  	s9 =	sadd.s32 $0xFFFFFEF7, lr;
	s5 =	simm.s32 $0xFFFFFFFF;
	p2 =	slt.u32 s8, $0xFFFFF086  }
0x1c: {  	p1 =	slt.u32 s9, $0xF7A;
	s5 =	simm.s32 @!p2 $0x0  }
0x1d: {  	s5 =	simm.s32 @p1 $0x1;
	p0 =	seq.s32 s7, s2  }
0x1e: {  	s7 =	smul.u32 @!p0 $0xF7A, s2;
	p2 =	seq.s32 @!p0 s5, $0x0  }
0x1f: {  	s9 =	smul.u32 $0xF7A, s1;
	s8 =	simm.s32 @!p0 $0x1BF5;
	p2 =	por !p2, p0  }
0x20: {  	[sflag:s8] =	ssyncset.s32 @!p0 $0xFFFFF086;
	s6 =	sadd.s32 @!p0 s3, s7;
	s7 =	simm.s32 @!p0 $0x108  }
0x21: {  	s3 =	sadd.s32 s3, s9;
	s6 =	sadd.s32 @!p0 $0x88, s6;
	s7 =	simm.s32 @p2 $0x1082  }
0x22: {  	[simem:s7], [sflag:s8] =	dma.local @!p0 [hbm:s6], $0xF7A  }
0x23: {  	s9 =	sor.u32 $0xD0000000, s2;
	s6 =	simm.s32 $0x108;
	_ =	swait.ge @!p0 [sflag:s8], $0x0  }
0x24: {  	s3 =	sadd.s32 $0x88, s3;
	s6 =	simm.s32 @!p1 $0x1082;
	[sflag:s4] =	ssyncset.s32 $0xFFFFF086  }
0x25: {  	[simem:s6], [sflag:s4] =	dma.local [hbm:s3], $0xF7A  }
0x26: {  	[smem:$0x3F9F] =	sst s1;
	(tag) =	ssettag s2;
	_ =	strace s9  }
0x27: {  	s1 =	sld [smem:$0x3FAF]  }
0x28: {  	s2 =	sld [smem:$0x3FB0]  }
0x29: {  	s4 =	sld [smem:$0x3FB2]  }
0x2a: {  	p0 =	seq.s32 s5, $0x0;
	s5 =	sld [smem:$0x3FB3]  }
0x2b: {  	s6 =	sld [smem:$0x3FB4]  }
0x2c: {  	s7 =	sld [smem:$0x3FB5]  }
0x2d: {  	s3 =	simm.s32 $0x108;
	s8 =	sld [smem:$0x3FB6]  }
0x2e: {  	s3 =	simm.s32 @!p0 $0x1082;
	s9 =	sld [smem:$0x3FB7]  }
0x2f: {  	lr =	sadd.s32 s0, s3;
	s0 =	sld [smem:$0x3FAE]  }
0x30: {  	s3 =	sld [smem:$0x3FB1]  }
0x31: {  	[smem:$0x3FBA] =	sst s10  }
0x32: {  	s10 =	sld [smem:$0x3FB8];
	_ =	sdelay $0x3  }
0x33: {  	p0 =	seq.s32 s10, $0x1;
	s10 =	sld [smem:$0x3FBA];
	_ =	sdelay $0x3  }
0x34: {  	[smem:$0x3FBA] =	sst s10  }
0x35: {  	s10 =	sld [smem:$0x3FB9];
	_ =	sdelay $0x3  }
0x36: {  	p1 =	seq.s32 s10, $0x1;
	s10 =	sld [smem:$0x3FBA];
	_ =	sdelay $0x3  }
0x37: {  	[smem:$0x3FBA] =	sst s10  }
0x38: {  	s10 =	sld [smem:$0x3FBB]  }
0x39: {  	_ = 	snop;
	(pc) =	sbr.ind lr, $3  }
0x3a: {  	_ = 	snop  }
0x3b: {  	_ = 	snop  }
0x3c: {  	p2 =	seq.s32 s10, $0x1;
	s10 =	sld [smem:$0x3FBA]  }
0x3d: {  	_ =	shalt  }
0x3e: {  	_ =	shalt  }
0x3f: {  	_ =	shalt  }
0x40: {  	_ =	shalt  }
0x41: {  	_ =	shalt  }
0x42: {  	_ =	shalt  }
0x43: {  	_ =	shalt  }
0x44: {  	_ =	shalt  }
0x45: {  	_ =	shalt  }
0x46: {  	_ =	shalt  }
0x47: {  	_ =	shalt  }
0x48: {  	_ =	shalt  }
0x49: {  	_ =	shalt  }
0x4a: {  	_ =	shalt  }
0x4b: {  	_ =	shalt  }
0x4c: {  	_ =	shalt  }
0x4d: {  	_ =	shalt  }
0x4e: {  	_ =	shalt  }
0x4f: {  	_ =	shalt  }
0x50: {  	_ =	shalt  }
0x51: {  	_ =	shalt  }
0x52: {  	_ =	shalt  }
0x53: {  	_ =	shalt  }
0x54: {  	_ =	shalt  }
0x55: {  	_ =	shalt  }
0x56: {  	_ =	shalt  }
0x57: {  	_ =	shalt  }
0x58: {  	_ =	shalt  }
0x59: {  	_ =	shalt  }
0x5a: {  	_ =	shalt  }
0x5b: {  	_ =	shalt  }
0x5c: {  	_ =	shalt  }
0x5d: {  	_ =	shalt  }
0x5e: {  	_ =	shalt  }
0x5f: {  	_ =	shalt  }
0x60: {  	_ =	shalt  }
0x61: {  	_ =	shalt  }
0x62: {  	_ =	shalt  }
0x63: {  	_ =	shalt  }
0x64: {  	_ =	shalt  }
0x65: {  	_ =	shalt  }
0x66: {  	_ =	shalt  }
0x67: {  	_ =	shalt  }
0x68: {  	_ =	shalt  }
0x69: {  	_ =	shalt  }
0x6a: {  	_ =	shalt  }
0x6b: {  	_ =	shalt  }
0x6c: {  	_ =	shalt  }
0x6d: {  	_ =	shalt  }
0x6e: {  	_ =	shalt  }
0x6f: {  	_ =	shalt  }
0x70: {  	_ =	shalt  }
0x71: {  	_ =	shalt  }
0x72: {  	_ =	shalt  }
0x73: {  	_ =	shalt  }
0x74: {  	_ =	shalt  }
0x75: {  	_ =	shalt  }
0x76: {  	_ =	shalt  }
0x77: {  	_ =	shalt  }
0x78: {  	_ =	shalt  }
0x79: {  	_ =	shalt  }
0x7a: {  	_ =	shalt  }
0x7b: {  	_ =	shalt  }
0x7c: {  	_ =	shalt  }
0x7d: {  	_ =	shalt  }
0x7e: {  	_ =	shalt  }
0x7f: {  	_ =	shalt  }
0x80: {  	_ =	shalt  }
0x81: {  	_ =	shalt  }
0x82: {  	_ =	shalt  }
0x83: {  	_ =	shalt  }
0x84: {  	_ =	shalt  }
0x85: {  	_ =	shalt  }
0x86: {  	_ =	shalt  }
0x87: {  	_ =	shalt  }
.Lfunc_end0:
.L_simem_size_0:
called_computation_lowered:
.L_overlay_start_0:
0x88: {  	s2 =	sld [smem:$0x3FD9]  }
0x89: {  	s3 =	sld [smem:$0x3FFE];
	_ =	sdelay $0x1  }
0x8a: {  	s1 =	srdreg.scid  }
0x8b: {  	s0 =	sand.u32 $0x1, s1  }
0x8c: {  	s15 =	sshll.u32 s0, $0xA;
	s2 =	sadd.s32 s3, s2  }
0x8d: {  	s2 =	sadd.s32 s2, s15  }
0x8e: {  	[smem:$0x3FC6] =	sst s2  }
0x8f: {  	_ = 	snop  }
0x90: {  	s2 =	sld [smem:$0x3FD0];
	_ =	sdelay $0x1  }
0x91: {  	s16 =	sld [smem:$0x3FC9]  }
0x92: {  	s5 =	simm.s32 $0xA;
	s6 =	simm.s32 $0x10;
	s4 =	sld [smem:$0x3FC8]  }
0x93: {  	[smem:s6], [sflag:s5] =	dma.local [hbm:s2], $0x1  }
0x94: {  	_ =	swait.eq [sflag:s5], $0x1  }
0x95: {  	[sflag:s5] =	ssyncset.done $0x0  }
0x96: {  	s17 =	sld [smem:$0x10];
	[sflag:s5] =	ssyncadd.s32 $0xFFFFFFFF  }
0x97: {  	s18 =	sld [smem:$0x11];
	(tm) =	ssettm $0x1  }
0x98: {  	s19 =	sld [smem:$0x3FFB];
	_ =	sdelay $0x3  }
0x99: {  	_ =	strace s19  }
0x9a: {  	s6 =	sld [smem:$0x3FFC];
	_ =	sdelay $0x3  }
0x9b: {  	_ =	strace s6  }
0x9c: {  	s6 =	sld [smem:$0x3FFD];
	_ =	sdelay $0x3  }
0x9d: {  	_ =	strace s6  }
0x9e: {  	_ =	strace $0x8FFFFFFF  }
0x9f: {  	s20 =	sld [smem:$0x3FDB];
	_ =	sdelay $0x1  }
0xa0: {  	s7 =	simm.s32 $_scs_section_size  }
0xa1: {  	s8 =	simm.s32 $_size__tile_overlayer_lowered;
	s9 =	simm.s32 $_tile_overlayer_lowered  }
0xa2: {  	s23 =	simm.s32 $0x1BFF;
	s22 =	sshll.u32 s9, $0x1;
	s6 =	sadd.s32 s7, s20  }
0xa3: {  	s10 =	simm.s32 $0x0;
	s21 =	sshll.u32 s8, $0x1;
	s8 =	sadd.s32 s22, s6  }
0xa4: {  	[timem:s10], [sflag:s23] =	dma.local [hbm:s8], s21  }
0xa5: {  	_ =	swait.ge [sflag:s23], s21  }
0xa6: {  	s7 =	ssub.s32 $0x0, s21;
	[sflag:s23] =	ssyncset.done $0x0  }
0xa7: {  	[sflag:s23] =	ssyncadd.s32 s7;
	_ =	sdelay $0x1  }
0xa8: {  	s24 =	simm.s32 $0x1B8B  }
0xa9: {  	_ =	swait.ge [sflag:s24], $0x1  }
0xaa: {  	[sflag:s24] =	ssyncset.done $0x0  }
0xab: {  	s25 =	simm.s32 $0x1B8E;
	[sflag:s24] =	ssyncadd.s32 $0xFFFFFFFF  }
0xac: {  	s26 =	simm.s32 $execute0_lowered;
	[smem:$0x3FD2] =	sst s25  }
0xad: {  	s7 =	sshll.u32 s26, $0x1;
	_ =	strace $0x80000046;
	[dreg:$0x1] =	wrdreg $0xFFFFFFFF  }
0xae: {  	s28 =	simm.s32 $_size_execute0_lowered;
	s6 =	sadd.s32 s6, s7;
	[dreg:$0x0] =	wrdreg $0x0  }
0xaf: {  	s7 =	sshll.u32 s28, $0x1;
	[dreg:$0x2] =	wrdreg s6  }
0xb0: {  	[dreg:$0x3] =	wrdreg s7  }
0xb1: {  	[dreg:$0x4] =	wrdreg $0xC0  }
0xb2: {  	_ =	task [dreg:s10], $0x5FFFF  }
0xb3: {  	[dreg:$0x1] =	wrdreg $0xFFFFFFFF  }
0xb4: {  	[dreg:$0x0] =	wrdreg $0x60  }
0xb5: {  	[dreg:$0x2] =	wrdreg s16  }
0xb6: {  	[dreg:$0x3] =	wrdreg s4  }
0xb7: {  	[dreg:$0x4] =	wrdreg s17  }
0xb8: {  	[dreg:$0x5] =	wrdreg s18  }
0xb9: {  	[dreg:$0x6] =	wrdreg $0x8D800  }
0xba: {  	[dreg:$0x7] =	wrdreg $0x88800  }
0xbb: {  	[dreg:$0x8] =	wrdreg $0x8B000  }
0xbc: {  	[dreg:$0x9] =	wrdreg $0x9  }
0xbd: {  	_ =	task.clear_ibuf [dreg:s10], $0xAFFFF;
	_ =	strace $0x90000046  }
0xbe: {  	s29 =	simm.s32 $0x9;
	_ =	strace $0x80000048  }
0xbf: {  	_ =	swait.ge [sflag:s29], $0x1  }
0xc0: {  	[sflag:s29] =	ssyncadd.s32 $0xFFFFFFFF  }
0xc1: {  	_ =	strace $0x90000048  }
0xc2: {  	_ =	sfence  }
0xc3: {  	s30 =	sld [smem:$0x0];
	_ =	sdelay $0x2  }
0xc4: {  	s31 =	sshll.u32 s1, $0xD;
	s1 =	sshrl.u32 s1, $0x2  }
0xc5: {  	s3 =	sand.u32 $0x4000, s31;
	s1 =	sadd.s32 s1, s30  }
0xc6: {  	s0 =	sor.u32 s3, s0;
	s1 =	sshll.u32 s1, $0x11  }
0xc7: {  	s0 =	sor.u32 s1, s0  }
0xc8: {  	s0 =	sadd.s32 $0x8F2B, s0  }
0xc9: {  	[sflag:s0] =	ssyncadd.remote.s32 $0x1  }
0xca: {  	_ =	sfence.sel $0xFFFF  }
0xcb: {  	[dreg:$0x0] =	wrdreg $0xFFFFFFFF;
	(pc) =	sbr.abs _section_cstart, $3  }
0xcc: {  	[dreg:$0x1] =	wrdreg $0xFFFFFFFF  }
0xcd: {  	_ =	task.clear_ibuf [dreg:s10], $0x2FFFF;
	_ =	strace $0x9FFFFFFF  }
0xce: {  	(tm) =	ssettm $0x7FFFFFFF  }
0xcf: {  	_ =	shalt  }
tec
execute0_lowered:
.L_overlay_start_1:
0x0: {  	(tag) =	ssettag $0x1  }
0x1: {  	s0 =	rddreg [dreg:$0x0]  }
0x2: {  	s1 =	rddreg [dreg:$0x1]  }
0x3: {  	s2 =	rddreg [dreg:$0x2]  }
0x4: {  	s5 =	rddreg [dreg:$0x3]  }
0x5: {  	s3 =	rddreg [dreg:$0x4]  }
0x6: {  	s4 =	rddreg [dreg:$0x5]  }
0x7: {  	s15 =	rddreg [dreg:$0x6];
	s14 =	stileid.u32  }
0x8: {  	s6 =	srdreg.scid;
	s10 =	smul.u32 $0x50000, s14  }
0x9: {  	s7 =	simm.s32 $0x0;
	s28 =	simm.s32 $0x5E00;
	s11 =	smul.u32 $0x280, s14  }
0xa: {  	s29 =	simm.s32 $0x7;
	s30 =	simm.s32 $0x5C00;
	s20 =	smul.u32 $0xEA60, s14  }
0xb: {  	s6 =	sand.u32 $0x1, s6;
	[smem:$0x7FF] =	sst s7;
	s24 =	smul.u32 $0x14000, s14  }
0xc: {  	s19 =	sshll.u32 s14, $0x1;
	s14 =	smul.u32 $0x1D4C, s14;
	s8 =	ssub.s32 $0x2, s6  }
0xd: {  	_ =	strace $0x80000047;
	s21 =	smul.u32 $0x140000, s6;
	p0 =	sne.s32 s6, $0x0  }
0xe: {  	s9 =	sshrl.u32 s8, $0x1;
	s25 =	sadd.s32 s11, s4;
	s17 =	sshrl.u32 s11, $0x3  }
0xf: {  	s10 =	sshrl.u32 s10, $0x2;
	s5 =	sadd.s32 s5, s17;
	[dreg:$0x9] =	wrdreg s25  }
0x10: {  	s8 =	ssub.s32 s8, s9;
	s23 =	sadd.s32 s10, s3;
	[dreg:$0x10] =	wrdreg s5  }
0x11: {  	s9 =	sor.u32 s6, s19;
	s12 =	sadd.s32 $0x2800, s23;
	[dreg:$0x8] =	wrdreg s23  }
0x12: {  	s10 =	sshrl.u32 s20, $0x3;
	s13 =	sadd.s32 $0x5000, s23;
	[dreg:$0xa] =	wrdreg s12  }
0x13: {  	s6 =	simm.s32 $0x5D00;
	s22 =	sadd.s32 $0x7800, s23;
	[dreg:$0xb] =	wrdreg s13  }
0x14: {  	s17 =	simm.s32 $0x2800;
	s16 =	sadd.s32 $0xA000, s23;
	[dreg:$0xc] =	wrdreg s22  }
0x15: {  	s26 =	sadd.s32 $0xC800, s23;
	s31 =	sadd.s32 $0xF000, s23;
	[dreg:$0xd] =	wrdreg s16  }
0x16: {  	s10 =	sadd.s32 s1, s10;
	s18 =	smul.u32 $0x7530, s9;
	[dreg:$0xe] =	wrdreg s26  }
0x17: {  	s19 =	sadd.s32 $0x11800, s23;
	[dreg:$0xf] =	wrdreg s31;
	s12 =	sadd.s32 s24, s21  }
0x18: {  	[dreg:$0x12] =	wrdreg s19;
	s19 =	sadd.s32 s1, s14;
	s21 =	smul.u32 $0xEA6, s9  }
0x19: {  	s20 =	sadd.s32 $0x96, s10;
	s24 =	sadd.s32 s11, s15;
	s22 =	smul.u32 $0x7D, s9  }
0x1a: {  	s31 =	smax.u32 s8, $0x1;
	s10 =	simm.s32 $0x4;
	s11 =	simm.s32 $0x6080  }
0x1b: {  	s13 =	simm.s32 $0x5100;
	s14 =	simm.s32 $0x1;
	s15 =	simm.s32 $0x5  }
0x1c: {  	s16 =	simm.s32 $0x2;
	s9 =	simm.s32 $0x0;
	[dreg:$0x13] =	wrdreg s20  }
0x1d: {  	s12 =	sshrl.u32 s12, $0x3;
	s5 =	sshrl.u32 s18, $0x3;
	[dreg:$0x14] =	wrdreg s24  }
0x1e: {  	[dreg:$0x17] =	wrdreg s31;
	s18 =	simm.s32 $0x5D80;
	s20 =	simm.s32 $0x6  }
0x1f: {  	s2 =	sadd.s32 s2, s12;
	s5 =	sadd.s32 s1, s5;
	s12 =	simm.s32 $0x5000  }
0x20: {  	[dreg:$0x11] =	wrdreg s2;
	s2 =	sadd.s32 s1, s21;
	s26 =	sadd.s32 $0x1E, s5  }
0x21: {  	s5 =	simm.s32 $0x50;
	s21 =	simm.s32 $0x5C80;
	[dreg:$0x15] =	wrdreg s2  }
0x22: {  	v0 =	vimm.f32 $0.0e+00;
	[dreg:$0x16] =	wrdreg s26;
	s26 =	sadd.s32 $0x1, s22;
	s2 =	simm.s32 $0x3  }
.LBB2_1:
0x23: {  	[dreg:$0x18] =	wrdreg s9;
	s8 =	simm.s32 $0x0;
	s9 =	simm.s32 $0x200  }
.LBB2_2:
0x24: {  	p1 =	sne.s32 s9, $0x9E00;
	[tilespmem:s8+$0x70] =	vst v0  }
0x25: {  	[tilespmem:s8+$0x0] =	vst v0  }
0x26: {  	[tilespmem:s8+$0x10] =	vst v0  }
.Ltmp0:
0x27: {  	[tilespmem:s8+$0x20] =	vst v0;
	(pc) =	sbr.rel @p1 .LBB2_2-.Ltmp0, $4  }
0x28: {  	[tilespmem:s8+$0x30] =	vst v0  }
0x29: {  	[tilespmem:s8+$0x40] =	vst v0  }
0x2a: {  	[tilespmem:s8+$0x50] =	vst v0  }
0x2b: {  	[tilespmem:s8+$0x60] =	vst v0;
	s8 =	sshra.s32 s9, $0x2;
	s9 =	sadd.s32 $0x200, s9  }
0x2c: {  	[tilespmem:s8+$0x70] =	vst v0  }
0x2d: {  	[tilespmem:s8+$0x0] =	vst v0  }
0x2e: {  	[tilespmem:s8+$0x10] =	vst v0  }
0x2f: {  	[tilespmem:s8+$0x20] =	vst v0  }
0x30: {  	[tilespmem:s8+$0x30] =	vst v0  }
0x31: {  	[tilespmem:s8+$0x40] =	vst v0  }
0x32: {  	[tilespmem:s8+$0x50] =	vst v0  }
0x33: {  	[tilespmem:s8+$0x60] =	vst v0  }
0x34: {  	[tilespmem:$0x5E00] =	vst v0  }
0x35: {  	[tilespmem:$0x5E10] =	vst v0  }
0x36: {  	[tilespmem:$0x5E20] =	vst v0  }
0x37: {  	[tilespmem:$0x5E30] =	vst v0  }
0x38: {  	[tilespmem:$0x5E40] =	vst v0  }
0x39: {  	[tilespmem:$0x5E50] =	vst v0  }
0x3a: {  	[tilespmem:$0x5E60] =	vst v0  }
0x3b: {  	[tilespmem:$0x5E70] =	vst v0  }
0x3c: {  	[tilespmem:$0x5E80] =	vst v0  }
0x3d: {  	[tilespmem:$0x5E90] =	vst v0  }
0x3e: {  	[tilespmem:$0x5EA0] =	vst v0  }
0x3f: {  	[tilespmem:$0x5EB0] =	vst v0  }
0x40: {  	[tilespmem:$0x5EC0] =	vst v0  }
0x41: {  	[tilespmem:$0x5ED0] =	vst v0  }
0x42: {  	[tilespmem:$0x5EE0] =	vst v0  }
0x43: {  	[tilespmem:$0x5EF0] =	vst v0  }
0x44: {  	[tilespmem:$0x5F00] =	vst v0  }
0x45: {  	[tilespmem:$0x5F10] =	vst v0  }
0x46: {  	[tilespmem:$0x5F20] =	vst v0  }
0x47: {  	[tilespmem:$0x5F30] =	vst v0  }
0x48: {  	[tilespmem:$0x5F40] =	vst v0  }
0x49: {  	[tilespmem:$0x5F50] =	vst v0  }
0x4a: {  	[tilespmem:$0x5F60] =	vst v0  }
0x4b: {  	[tilespmem:$0x5F70] =	vst v0  }
0x4c: {  	[tilespmem:$0x5F80] =	vst v0  }
0x4d: {  	[tilespmem:$0x5F90] =	vst v0  }
0x4e: {  	[tilespmem:$0x5FA0] =	vst v0  }
0x4f: {  	[tilespmem:$0x5FB0] =	vst v0  }
0x50: {  	[tilespmem:$0x5FC0] =	vst v0  }
0x51: {  	[tilespmem:$0x5FD0] =	vst v0  }
0x52: {  	[tilespmem:$0x5FE0] =	vst v0  }
0x53: {  	[tilespmem:$0x5FF0] =	vst v0  }
0x54: {  	[tilespmem:$0x6000] =	vst v0  }
0x55: {  	[tilespmem:$0x6010] =	vst v0  }
0x56: {  	[tilespmem:$0x6020] =	vst v0  }
0x57: {  	[tilespmem:$0x6030] =	vst v0  }
0x58: {  	[tilespmem:$0x6040] =	vst v0  }
0x59: {  	[tilespmem:$0x6050] =	vst v0  }
0x5a: {  	[tilespmem:$0x6060] =	vst v0  }
0x5b: {  	[tilespmem:$0x6070] =	vst v0  }
0x5c: {  	[spmem:s25] =	stream.linear.scatter [tilespmem:s28], [sflag:$0x7], $0x280, $0x38;
	[tilespmem:$0x1CD80] =	vst v63  }
0x5d: {  	_ =	swait.ge [sflag:s29], $0x280  }
0x5e: {  	[sflag:s29] =	ssyncset.done $0x0  }
0x5f: {  	[sflag:s29] =	ssyncadd.s32 $0xFFFFFD80  }
0x60: {  	[spmem:s23] =	stream.linear.scatter [tilespmem:s7], [sflag:$0x7], $0x2800, $0x38;
	[tilespmem:$0x1CD80] =	vst v63  }
0x61: {  	_ =	swait.ge [sflag:s29], $0x2800  }
0x62: {  	[sflag:s29] =	ssyncset.done $0x0  }
0x63: {  	s31 =	rddreg [dreg:$0xa];
	[sflag:s29] =	ssyncadd.s32 $0xFFFFD800  }
0x64: {  	[spmem:s31] =	stream.linear.scatter [tilespmem:s7], [sflag:$0x7], $0x2800, $0x38;
	[tilespmem:$0x1CD80] =	vst v63  }
0x65: {  	_ =	swait.ge [sflag:s29], $0x2800  }
0x66: {  	[sflag:s29] =	ssyncset.done $0x0  }
0x67: {  	s9 =	rddreg [dreg:$0xb];
	[sflag:s29] =	ssyncadd.s32 $0xFFFFD800  }
0x68: {  	[spmem:s9] =	stream.linear.scatter [tilespmem:s7], [sflag:$0x7], $0x2800, $0x38;
	[tilespmem:$0x1CD80] =	vst v63  }
0x69: {  	_ =	swait.ge [sflag:s29], $0x2800  }
0x6a: {  	[sflag:s29] =	ssyncset.done $0x0  }
0x6b: {  	s23 =	rddreg [dreg:$0xc];
	[sflag:s29] =	ssyncadd.s32 $0xFFFFD800  }
0x6c: {  	[spmem:s23] =	stream.linear.scatter [tilespmem:s7], [sflag:$0x7], $0x2800, $0x38;
	[tilespmem:$0x1CD80] =	vst v63  }
0x6d: {  	_ =	swait.ge [sflag:s29], $0x2800  }
0x6e: {  	[sflag:s29] =	ssyncset.done $0x0  }
0x6f: {  	s24 =	rddreg [dreg:$0xd];
	[sflag:s29] =	ssyncadd.s32 $0xFFFFD800  }
0x70: {  	[spmem:s24] =	stream.linear.scatter [tilespmem:s7], [sflag:$0x7], $0x2800, $0x38;
	[tilespmem:$0x1CD80] =	vst v63  }
0x71: {  	_ =	swait.ge [sflag:s29], $0x2800  }
0x72: {  	[sflag:s29] =	ssyncset.done $0x0  }
0x73: {  	s31 =	rddreg [dreg:$0xe];
	[sflag:s29] =	ssyncadd.s32 $0xFFFFD800  }
0x74: {  	[spmem:s31] =	stream.linear.scatter [tilespmem:s7], [sflag:$0x7], $0x2800, $0x38;
	[tilespmem:$0x1CD80] =	vst v63  }
0x75: {  	_ =	swait.ge [sflag:s29], $0x2800  }
0x76: {  	[sflag:s29] =	ssyncset.done $0x0  }
0x77: {  	s9 =	rddreg [dreg:$0xf];
	[sflag:s29] =	ssyncadd.s32 $0xFFFFD800  }
0x78: {  	[spmem:s9] =	stream.linear.scatter [tilespmem:s7], [sflag:$0x7], $0x2800, $0x38;
	[tilespmem:$0x1CD80] =	vst v63  }
0x79: {  	_ =	swait.ge [sflag:s29], $0x2800  }
0x7a: {  	[sflag:s29] =	ssyncset.done $0x0  }
0x7b: {  	s23 =	rddreg [dreg:$0x12];
	[sflag:s29] =	ssyncadd.s32 $0xFFFFD800  }
0x7c: {  	[spmem:s23] =	stream.linear.scatter [tilespmem:s7], [sflag:$0x7], $0x2800, $0x38;
	[tilespmem:$0x1CD80] =	vst v63  }
0x7d: {  	_ =	swait.ge [sflag:s29], $0x2800  }
0x7e: {  	[sflag:s29] =	ssyncset.done $0x0  }
0x7f: {  	[sflag:s29] =	ssyncadd.s32 $0xFFFFD800  }
0x80: {  	s24 =	simm.s32 $0x5200;
	[bflag:$0x0] =	sbarrier.arrive $0xFFFF  }
0x81: {  	[tilespmem:s24], [sflag:$0x3] =	stream.linear.gather [hbm4b:s19+s7], $0x4B0, $0x38;
	[tilespmem:$0x1CD80] =	vst v63  }
0x82: {  	s9 =	simm.s32 $0x5700;
	s31 =	rddreg [dreg:$0x13];
	s24 =	simm.s32 $0xFFFFE3E0  }
0x83: {  	[tilespmem:s9], [sflag:$0x4] =	stream.linear.gather [hbm4b:s31+s7], $0x4B0, $0x38;
	[tilespmem:$0x1CD80] =	vst v63  }
.LBB2_4:
0x84: {  	_ =	swait.ge [sflag:s2], $0x4B0  }
0x85: {  	[sflag:s2] =	ssyncset.done $0x0  }
0x86: {  	[sflag:s2] =	ssyncadd.s32 $0xFFFFFB50  }
0x87: {  	v1 =	vld [tilespmem:$0x5250]  }
0x88: {  	v2 =	vld [tilespmem:$0x52A0]  }
0x89: {  	v3 =	vld [tilespmem:$0x5260]  }
0x8a: {  	v4 =	vld [tilespmem:$0x52B0]  }
0x8b: {  	v5 =	vld [tilespmem:$0x5270]  }
0x8c: {  	v26 =	vld [tilespmem:$0x5290];
	[tilespmem:$0x5C00] =	vst v1  }
0x8d: {  	v27 =	vld [tilespmem:$0x52E0];
	[tilespmem:$0x5D00] =	vst v2  }
0x8e: {  	v1 =	vld [tilespmem:$0x52C0];
	[tilespmem:$0x5C10] =	vst v3  }
0x8f: {  	v2 =	vld [tilespmem:$0x5280];
	[tilespmem:$0x5D10] =	vst v4  }
0x90: {  	v3 =	vld [tilespmem:$0x52D0];
	[tilespmem:$0x5C20] =	vst v5  }
0x91: {  	[tilespmem:$0x5C40] =	vst v26  }
0x92: {  	[tilespmem:$0x5D40] =	vst v27  }
0x93: {  	[tilespmem:$0x5D20] =	vst v1  }
0x94: {  	[tilespmem:$0x5C30] =	vst v2  }
0x95: {  	[tilespmem:$0x5D30] =	vst v3  }
0x96: {  	[spmem:s4] =	stream.indirect.scatter.add.f32 [tilespmem:s6], [sflag:$0x7], $0x1, s30, s5, $0xb8;
	[tilespmem:$0x1CD80] =	vst v63  }
0x97: {  	_ =	swait.ge [sflag:s29], $0x50  }
0x98: {  	[sflag:s29] =	ssyncset.done $0x0  }
0x99: {  	[sflag:s29] =	ssyncadd.s32 $0xFFFFFFB0  }
0x9a: {  	v1 =	vld [tilespmem:$0x5340]  }
0x9b: {  	v2 =	vld [tilespmem:$0x5390]  }
0x9c: {  	v3 =	vld [tilespmem:$0x5350]  }
0x9d: {  	v28 =	vld [tilespmem:$0x53A0]  }
0x9e: {  	v29 =	vld [tilespmem:$0x5360]  }
0x9f: {  	v30 =	vld [tilespmem:$0x5380];
	[tilespmem:$0x5C00] =	vst v1  }
0xa0: {  	v31 =	vld [tilespmem:$0x53D0];
	[tilespmem:$0x5D00] =	vst v2  }
0xa1: {  	v1 =	vld [tilespmem:$0x53B0];
	[tilespmem:$0x5C10] =	vst v3  }
0xa2: {  	v2 =	vld [tilespmem:$0x5370];
	[tilespmem:$0x5D10] =	vst v28  }
0xa3: {  	v3 =	vld [tilespmem:$0x53C0];
	[tilespmem:$0x5C20] =	vst v29  }
0xa4: {  	[tilespmem:$0x5C40] =	vst v30  }
0xa5: {  	[tilespmem:$0x5D40] =	vst v31  }
0xa6: {  	[tilespmem:$0x5D20] =	vst v1  }
0xa7: {  	[tilespmem:$0x5C30] =	vst v2  }
0xa8: {  	[tilespmem:$0x5D30] =	vst v3  }
0xa9: {  	[spmem:s4] =	stream.indirect.scatter.add.f32 [tilespmem:s6], [sflag:$0x7], $0x1, s30, s5, $0xb8;
	[tilespmem:$0x1CD80] =	vst v63  }
0xaa: {  	_ =	swait.ge [sflag:s29], $0x50  }
0xab: {  	[sflag:s29] =	ssyncset.done $0x0  }
0xac: {  	[sflag:s29] =	ssyncadd.s32 $0xFFFFFFB0  }
0xad: {  	v1 =	vld [tilespmem:$0x5430]  }
0xae: {  	v2 =	vld [tilespmem:$0x5480]  }
0xaf: {  	v3 =	vld [tilespmem:$0x5440]  }
0xb0: {  	v32 =	vld [tilespmem:$0x5490]  }
0xb1: {  	v33 =	vld [tilespmem:$0x5450]  }
0xb2: {  	v34 =	vld [tilespmem:$0x5470];
	[tilespmem:$0x5C00] =	vst v1  }
0xb3: {  	v35 =	vld [tilespmem:$0x54C0];
	[tilespmem:$0x5D00] =	vst v2  }
0xb4: {  	v1 =	vld [tilespmem:$0x54A0];
	[tilespmem:$0x5C10] =	vst v3  }
0xb5: {  	v2 =	vld [tilespmem:$0x5460];
	[tilespmem:$0x5D10] =	vst v32  }
0xb6: {  	v3 =	vld [tilespmem:$0x54B0];
	[tilespmem:$0x5C20] =	vst v33  }
0xb7: {  	[tilespmem:$0x5C40] =	vst v34  }
0xb8: {  	[tilespmem:$0x5D40] =	vst v35  }
0xb9: {  	[tilespmem:$0x5D20] =	vst v1  }
0xba: {  	[tilespmem:$0x5C30] =	vst v2  }
0xbb: {  	[tilespmem:$0x5D30] =	vst v3  }
0xbc: {  	[spmem:s4] =	stream.indirect.scatter.add.f32 [tilespmem:s6], [sflag:$0x7], $0x1, s30, s5, $0xb8;
	[tilespmem:$0x1CD80] =	vst v63  }
0xbd: {  	_ =	swait.ge [sflag:s29], $0x50  }
0xbe: {  	[sflag:s29] =	ssyncset.done $0x0  }
0xbf: {  	[sflag:s29] =	ssyncadd.s32 $0xFFFFFFB0  }
0xc0: {  	v1 =	vld [tilespmem:$0x5520]  }
0xc1: {  	v2 =	vld [tilespmem:$0x5570]  }
0xc2: {  	v3 =	vld [tilespmem:$0x5530]  }
0xc3: {  	v36 =	vld [tilespmem:$0x5580]  }
0xc4: {  	v37 =	vld [tilespmem:$0x5540]  }
0xc5: {  	v38 =	vld [tilespmem:$0x5560];
	[tilespmem:$0x5C00] =	vst v1  }
0xc6: {  	v39 =	vld [tilespmem:$0x55B0];
	[tilespmem:$0x5D00] =	vst v2  }
0xc7: {  	v1 =	vld [tilespmem:$0x5590];
	[tilespmem:$0x5C10] =	vst v3  }
0xc8: {  	v2 =	vld [tilespmem:$0x5550];
	[tilespmem:$0x5D10] =	vst v36  }
0xc9: {  	v3 =	vld [tilespmem:$0x55A0];
	[tilespmem:$0x5C20] =	vst v37  }
0xca: {  	[tilespmem:$0x5C40] =	vst v38  }
0xcb: {  	[tilespmem:$0x5D40] =	vst v39  }
0xcc: {  	[tilespmem:$0x5D20] =	vst v1  }
0xcd: {  	[tilespmem:$0x5C30] =	vst v2  }
0xce: {  	[tilespmem:$0x5D30] =	vst v3  }
0xcf: {  	[spmem:s4] =	stream.indirect.scatter.add.f32 [tilespmem:s6], [sflag:$0x7], $0x1, s30, s5, $0xb8;
	[tilespmem:$0x1CD80] =	vst v63  }
0xd0: {  	_ =	swait.ge [sflag:s29], $0x50  }
0xd1: {  	[sflag:s29] =	ssyncset.done $0x0  }
0xd2: {  	[sflag:s29] =	ssyncadd.s32 $0xFFFFFFB0  }
0xd3: {  	v1 =	vld [tilespmem:$0x5610]  }
0xd4: {  	v2 =	vld [tilespmem:$0x5660]  }
0xd5: {  	v3 =	vld [tilespmem:$0x5620]  }
0xd6: {  	v40 =	vld [tilespmem:$0x5670]  }
0xd7: {  	v41 =	vld [tilespmem:$0x5630]  }
0xd8: {  	v42 =	vld [tilespmem:$0x5650];
	[tilespmem:$0x5C00] =	vst v1  }
0xd9: {  	v43 =	vld [tilespmem:$0x56A0];
	[tilespmem:$0x5D00] =	vst v2  }
0xda: {  	v1 =	vld [tilespmem:$0x5680];
	[tilespmem:$0x5C10] =	vst v3  }
0xdb: {  	v2 =	vld [tilespmem:$0x5640];
	[tilespmem:$0x5D10] =	vst v40  }
0xdc: {  	v3 =	vld [tilespmem:$0x5690];
	[tilespmem:$0x5C20] =	vst v41  }
0xdd: {  	[tilespmem:$0x5C40] =	vst v42  }
0xde: {  	[tilespmem:$0x5D40] =	vst v43  }
0xdf: {  	[tilespmem:$0x5D20] =	vst v1  }
0xe0: {  	[tilespmem:$0x5C30] =	vst v2  }
0xe1: {  	[tilespmem:$0x5D30] =	vst v3  }
0xe2: {  	[spmem:s4] =	stream.indirect.scatter.add.f32 [tilespmem:s6], [sflag:$0x7], $0x1, s30, s5, $0xb8;
	[tilespmem:$0x1CD80] =	vst v63  }
0xe3: {  	p1 =	seq.s32 s24, $0x0;
	_ =	swait.ge [sflag:s29], $0x50  }
0xe4: {  	s8 =	sadd.s32 @!p1 s24, s19;
	s9 =	simm.s32 @!p1 $0x0;
	[sflag:s29] =	ssyncset.done $0x0  }
0xe5: {  	s23 =	simm.s32 @!p1 $0x5200;
	s8 =	sadd.s32 @!p1 $0x1D4C, s8;
	[sflag:s29] =	ssyncadd.s32 $0xFFFFFFB0  }
0xe6: {  	[tilespmem:s23], [sflag:$0x3] =	stream.linear.gather @!p1 [hbm4b:s8+s9], $0x4B0, $0x38;
	[tilespmem:$0x1CD80] =	vst v63  }
0xe7: {  	_ =	swait.ge [sflag:s10], $0x4B0  }
0xe8: {  	[sflag:s10] =	ssyncset.done $0x0  }
0xe9: {  	[sflag:s10] =	ssyncadd.s32 $0xFFFFFB50  }
0xea: {  	v1 =	vld [tilespmem:$0x5750]  }
0xeb: {  	v2 =	vld [tilespmem:$0x57A0]  }
0xec: {  	v3 =	vld [tilespmem:$0x5760]  }
0xed: {  	v44 =	vld [tilespmem:$0x57B0]  }
0xee: {  	v45 =	vld [tilespmem:$0x5770]  }
0xef: {  	v46 =	vld [tilespmem:$0x5790];
	[tilespmem:$0x5C00] =	vst v1  }
0xf0: {  	v47 =	vld [tilespmem:$0x57E0];
	[tilespmem:$0x5D00] =	vst v2  }
0xf1: {  	v1 =	vld [tilespmem:$0x57C0];
	[tilespmem:$0x5C10] =	vst v3  }
0xf2: {  	v2 =	vld [tilespmem:$0x5780];
	[tilespmem:$0x5D10] =	vst v44  }
0xf3: {  	v3 =	vld [tilespmem:$0x57D0];
	[tilespmem:$0x5C20] =	vst v45  }
0xf4: {  	[tilespmem:$0x5C40] =	vst v46  }
0xf5: {  	[tilespmem:$0x5D40] =	vst v47  }
0xf6: {  	[tilespmem:$0x5D20] =	vst v1  }
0xf7: {  	[tilespmem:$0x5C30] =	vst v2  }
0xf8: {  	[tilespmem:$0x5D30] =	vst v3  }
0xf9: {  	[spmem:s4] =	stream.indirect.scatter.add.f32 [tilespmem:s6], [sflag:$0x7], $0x1, s30, s5, $0xb8;
	[tilespmem:$0x1CD80] =	vst v63  }
0xfa: {  	_ =	swait.ge [sflag:s29], $0x50  }
0xfb: {  	[sflag:s29] =	ssyncset.done $0x0  }
0xfc: {  	[sflag:s29] =	ssyncadd.s32 $0xFFFFFFB0  }
0xfd: {  	v1 =	vld [tilespmem:$0x5840]  }
0xfe: {  	v2 =	vld [tilespmem:$0x5890]  }
0xff: {  	v3 =	vld [tilespmem:$0x5850]  }
0x100: {  	v48 =	vld [tilespmem:$0x58A0]  }
0x101: {  	v49 =	vld [tilespmem:$0x5860]  }
0x102: {  	v50 =	vld [tilespmem:$0x5880];
	[tilespmem:$0x5C00] =	vst v1  }
0x103: {  	v51 =	vld [tilespmem:$0x58D0];
	[tilespmem:$0x5D00] =	vst v2  }
0x104: {  	v1 =	vld [tilespmem:$0x58B0];
	[tilespmem:$0x5C10] =	vst v3  }
0x105: {  	v2 =	vld [tilespmem:$0x5870];
	[tilespmem:$0x5D10] =	vst v48  }
0x106: {  	v3 =	vld [tilespmem:$0x58C0];
	[tilespmem:$0x5C20] =	vst v49  }
0x107: {  	[tilespmem:$0x5C40] =	vst v50  }
0x108: {  	[tilespmem:$0x5D40] =	vst v51  }
0x109: {  	[tilespmem:$0x5D20] =	vst v1  }
0x10a: {  	[tilespmem:$0x5C30] =	vst v2  }
0x10b: {  	[tilespmem:$0x5D30] =	vst v3  }
0x10c: {  	[spmem:s4] =	stream.indirect.scatter.add.f32 [tilespmem:s6], [sflag:$0x7], $0x1, s30, s5, $0xb8;
	[tilespmem:$0x1CD80] =	vst v63  }
0x10d: {  	_ =	swait.ge [sflag:s29], $0x50  }
0x10e: {  	[sflag:s29] =	ssyncset.done $0x0  }
0x10f: {  	[sflag:s29] =	ssyncadd.s32 $0xFFFFFFB0  }
0x110: {  	v1 =	vld [tilespmem:$0x5930]  }
0x111: {  	v2 =	vld [tilespmem:$0x5980]  }
0x112: {  	v3 =	vld [tilespmem:$0x5940]  }
0x113: {  	v52 =	vld [tilespmem:$0x5990]  }
0x114: {  	v53 =	vld [tilespmem:$0x5950]  }
0x115: {  	v54 =	vld [tilespmem:$0x5970];
	[tilespmem:$0x5C00] =	vst v1  }
0x116: {  	v55 =	vld [tilespmem:$0x59C0];
	[tilespmem:$0x5D00] =	vst v2  }
0x117: {  	v1 =	vld [tilespmem:$0x59A0];
	[tilespmem:$0x5C10] =	vst v3  }
0x118: {  	v2 =	vld [tilespmem:$0x5960];
	[tilespmem:$0x5D10] =	vst v52  }
0x119: {  	v3 =	vld [tilespmem:$0x59B0];
	[tilespmem:$0x5C20] =	vst v53  }
0x11a: {  	[tilespmem:$0x5C40] =	vst v54  }
0x11b: {  	[tilespmem:$0x5D40] =	vst v55  }
0x11c: {  	[tilespmem:$0x5D20] =	vst v1  }
0x11d: {  	[tilespmem:$0x5C30] =	vst v2  }
0x11e: {  	[tilespmem:$0x5D30] =	vst v3  }
0x11f: {  	[spmem:s4] =	stream.indirect.scatter.add.f32 [tilespmem:s6], [sflag:$0x7], $0x1, s30, s5, $0xb8;
	[tilespmem:$0x1CD80] =	vst v63  }
0x120: {  	_ =	swait.ge [sflag:s29], $0x50  }
0x121: {  	[sflag:s29] =	ssyncset.done $0x0  }
0x122: {  	[sflag:s29] =	ssyncadd.s32 $0xFFFFFFB0  }
0x123: {  	v1 =	vld [tilespmem:$0x5A20]  }
0x124: {  	v2 =	vld [tilespmem:$0x5A70]  }
0x125: {  	v3 =	vld [tilespmem:$0x5A30]  }
0x126: {  	v56 =	vld [tilespmem:$0x5A80]  }
0x127: {  	v57 =	vld [tilespmem:$0x5A40]  }
0x128: {  	v58 =	vld [tilespmem:$0x5A60];
	[tilespmem:$0x5C00] =	vst v1  }
0x129: {  	v59 =	vld [tilespmem:$0x5AB0];
	[tilespmem:$0x5D00] =	vst v2  }
0x12a: {  	v1 =	vld [tilespmem:$0x5A90];
	[tilespmem:$0x5C10] =	vst v3  }
0x12b: {  	v2 =	vld [tilespmem:$0x5A50];
	[tilespmem:$0x5D10] =	vst v56  }
0x12c: {  	v3 =	vld [tilespmem:$0x5AA0];
	[tilespmem:$0x5C20] =	vst v57  }
0x12d: {  	[tilespmem:$0x5C40] =	vst v58  }
0x12e: {  	[tilespmem:$0x5D40] =	vst v59  }
0x12f: {  	[tilespmem:$0x5D20] =	vst v1  }
0x130: {  	[tilespmem:$0x5C30] =	vst v2  }
0x131: {  	[tilespmem:$0x5D30] =	vst v3  }
0x132: {  	[spmem:s4] =	stream.indirect.scatter.add.f32 [tilespmem:s6], [sflag:$0x7], $0x1, s30, s5, $0xb8;
	[tilespmem:$0x1CD80] =	vst v63  }
0x133: {  	_ =	swait.ge [sflag:s29], $0x50  }
0x134: {  	[sflag:s29] =	ssyncset.done $0x0  }
0x135: {  	[sflag:s29] =	ssyncadd.s32 $0xFFFFFFB0  }
0x136: {  	v1 =	vld [tilespmem:$0x5B10]  }
0x137: {  	v2 =	vld [tilespmem:$0x5B60]  }
0x138: {  	v3 =	vld [tilespmem:$0x5B20]  }
0x139: {  	v60 =	vld [tilespmem:$0x5B70]  }
0x13a: {  	v61 =	vld [tilespmem:$0x5B30]  }
0x13b: {  	v62 =	vld [tilespmem:$0x5B50];
	[tilespmem:$0x5C00] =	vst v1  }
0x13c: {  	v63 =	vld [tilespmem:$0x5BA0];
	[tilespmem:$0x5D00] =	vst v2  }
0x13d: {  	v1 =	vld [tilespmem:$0x5B80];
	[tilespmem:$0x5C10] =	vst v3  }
0x13e: {  	v2 =	vld [tilespmem:$0x5B40];
	[tilespmem:$0x5D10] =	vst v60  }
0x13f: {  	v3 =	vld [tilespmem:$0x5B90];
	[tilespmem:$0x5C20] =	vst v61  }
0x140: {  	[tilespmem:$0x5C40] =	vst v62  }
0x141: {  	[tilespmem:$0x5D40] =	vst v63  }
0x142: {  	[tilespmem:$0x5D20] =	vst v1  }
0x143: {  	[tilespmem:$0x5C30] =	vst v2  }
.Ltmp1:
0x144: {  	[tilespmem:$0x5D30] =	vst v3;
	(pc) =	sbr.rel @p1 .LBB2_6-.Ltmp1, $4  }
0x145: {  	[spmem:s4] =	stream.indirect.scatter.add.f32 [tilespmem:s6], [sflag:$0x7], $0x1, s30, s5, $0xb8;
	[tilespmem:$0x1CD80] =	vst v63  }
0x146: {  	_ =	swait.ge [sflag:s29], $0x50  }
0x147: {  	[sflag:s29] =	ssyncset.done $0x0  }
0x148: {  	[sflag:s29] =	ssyncadd.s32 $0xFFFFFFB0  }
.Ltmp2:
0x149: {  	(pc) =	sbr.rel .LBB2_4-.Ltmp2, $4  }
0x14a: {  	_ = 	snop  }
0x14b: {  	s8 =	sadd.s32 s24, s19  }
0x14c: {  	s9 =	simm.s32 $0x5700;
	s24 =	sadd.s32 $0x12C, s24;
	s8 =	sadd.s32 $0x1DE2, s8  }
0x14d: {  	[tilespmem:s9], [sflag:$0x4] =	stream.linear.gather [hbm4b:s8+s7], $0x4B0, $0x38;
	[tilespmem:$0x1CD80] =	vst v63  }
.LBB2_6:
0x14e: {  	[bflag:$0x0] =	sbarrier.arrive $0xFFFF  }
0x14f: {  	[tilespmem:s28], [sflag:$0x7] =	stream.linear.gather [spmem:s25], $0x280, $0x38;
	[tilespmem:$0x1CD80] =	vst v63  }
0x150: {  	_ =	swait.ge [sflag:s29], $0x280  }
0x151: {  	[sflag:s29] =	ssyncset.done $0x0  }
0x152: {  	s9 =	simm.s32 $0x0;
	s24 =	simm.s32 $0x40;
	[sflag:s29] =	ssyncadd.s32 $0xFFFFFD80  }
.LBB2_7:
0x153: {  	p1 =	sne.s32 s24, $0x9C0;
	v1 =	vld [tilespmem:s9+$0x5E00];
	_ =	sdelay $0x4  }
0x154: {  	v1 =	vadd.f32 $1.000000000e+00, v1;
	_ =	sdelay $0x1  }
0x155: {  	v2 =	vshra.s32 v1, $0x1;
	v1 =	vmul.f32 $5.000000000e-01, v1  }
0x156: {  	v2 =	vsub.s32 $0x5F3759DF, v2  }
0x157: {  	v3 =	vmul.f32 v2, v1;
	_ =	sdelay $0x1  }
0x158: {  	v3 =	vmul.f32 v2, v3;
	_ =	sdelay $0x1  }
0x159: {  	v3 =	vsub.f32 $1.500000000e+00, v3;
	_ =	sdelay $0x1  }
0x15a: {  	v2 =	vmul.f32 v2, v3;
	_ =	sdelay $0x1  }
0x15b: {  	v3 =	vmul.f32 v2, v1;
	_ =	sdelay $0x1  }
0x15c: {  	v3 =	vmul.f32 v3, v2;
	_ =	sdelay $0x1  }
0x15d: {  	v3 =	vsub.f32 $1.500000000e+00, v3;
	_ =	sdelay $0x1  }
0x15e: {  	v2 =	vmul.f32 v3, v2;
	_ =	sdelay $0x1  }
0x15f: {  	v1 =	vmul.f32 v2, v1;
	_ =	sdelay $0x1  }
0x160: {  	v1 =	vmul.f32 v1, v2;
	_ =	sdelay $0x1  }
.Ltmp3:
0x161: {  	v1 =	vsub.f32 $1.500000000e+00, v1;
	(pc) =	sbr.rel @p1 .LBB2_7-.Ltmp3, $3  }
0x162: {  	_ = 	snop  }
0x163: {  	v1 =	vmul.f32 v1, v2;
	_ =	sdelay $0x1  }
0x164: {  	[tilespmem:s9+$0x5E00] =	vst v1;
	s9 =	sshra.s32 s24, $0x2;
	s24 =	sadd.s32 $0x40, s24  }
0x165: {  	v1 =	vld [tilespmem:s9+$0x5E00];
	_ =	sdelay $0x4  }
0x166: {  	v1 =	vadd.f32 $1.000000000e+00, v1;
	_ =	sdelay $0x1  }
0x167: {  	v2 =	vshra.s32 v1, $0x1;
	v1 =	vmul.f32 $5.000000000e-01, v1  }
0x168: {  	v2 =	vsub.s32 $0x5F3759DF, v2  }
0x169: {  	v3 =	vmul.f32 v2, v1;
	_ =	sdelay $0x1  }
0x16a: {  	v3 =	vmul.f32 v2, v3;
	_ =	sdelay $0x1  }
0x16b: {  	v3 =	vsub.f32 $1.500000000e+00, v3;
	_ =	sdelay $0x1  }
0x16c: {  	v2 =	vmul.f32 v2, v3;
	_ =	sdelay $0x1  }
0x16d: {  	v3 =	vmul.f32 v2, v1;
	_ =	sdelay $0x1  }
0x16e: {  	v3 =	vmul.f32 v3, v2;
	_ =	sdelay $0x1  }
0x16f: {  	v3 =	vsub.f32 $1.500000000e+00, v3;
	_ =	sdelay $0x1  }
0x170: {  	v2 =	vmul.f32 v3, v2;
	_ =	sdelay $0x1  }
0x171: {  	v1 =	vmul.f32 v2, v1;
	_ =	sdelay $0x1  }
0x172: {  	v1 =	vmul.f32 v1, v2;
	_ =	sdelay $0x1  }
0x173: {  	v1 =	vsub.f32 $1.500000000e+00, v1;
	_ =	sdelay $0x1  }
0x174: {  	v1 =	vmul.f32 v1, v2;
	_ =	sdelay $0x1  }
0x175: {  	s8 =	rddreg [dreg:$0x14];
	[tilespmem:s9+$0x5E00] =	vst v1  }
0x176: {  	[spmem:s8] =	stream.linear.scatter [tilespmem:s28], [sflag:$0x7], $0x280, $0x38;
	[tilespmem:$0x1CD80] =	vst v63  }
0x177: {  	_ =	swait.ge [sflag:s29], $0x280  }
0x178: {  	s9 =	simm.s32 @!p0 $0x5E00;
	[sflag:s29] =	ssyncset.done $0x0  }
0x179: {  	s8 =	simm.s32 @!p0 $0x0;
	s23 =	rddreg [dreg:$0x10];
	[sflag:s29] =	ssyncadd.s32 $0xFFFFFD80  }
0x17a: {  	[hbm4b:s23+s8] =	stream.linear.scatter @!p0 [tilespmem:s9], [sflag:$0x7], $0x280, $0x38;
	[tilespmem:$0x1CD80] =	vst v63  }
0x17b: {  	s8 =	simm.s32 @!p0 $0x7  }
0x17c: {  	_ =	swait.ge @!p0 [sflag:s8], $0x280  }
0x17d: {  	[sflag:s8] =	ssyncset.done @!p0 $0x0  }
0x17e: {  	[sflag:s8] =	ssyncadd.s32 @!p0 $0xFFFFFD80  }
0x17f: {  	[bflag:$0x0] =	sbarrier.arrive $0xFFFF  }
0x180: {  	s25 =	rddreg [dreg:$0x6]  }
0x181: {  	[tilespmem:s11], [sflag:$0x7] =	stream.linear.gather [spmem:s25], $0x2800, $0x38;
	[tilespmem:$0x1CD80] =	vst v63  }
0x182: {  	_ =	swait.ge [sflag:s29], $0x2800  }
0x183: {  	[sflag:s29] =	ssyncset.done $0x0  }
0x184: {  	s24 =	simm.s32 $0x0;
	s28 =	rddreg [dreg:$0x15];
	[sflag:s29] =	ssyncadd.s32 $0xFFFFD800  }
0x185: {  	[tilespmem:s12], [sflag:$0x1] =	stream.linear.gather [hbm4b:s28+s24], $0xF0, $0x38;
	[tilespmem:$0x1CD80] =	vst v63  }
0x186: {  	s31 =	rddreg [dreg:$0x16]  }
0x187: {  	[tilespmem:s13], [sflag:$0x2] =	stream.linear.gather [hbm4b:s31+s24], $0xF0, $0x38;
	[tilespmem:$0x1CD80] =	vst v63  }
0x188: {  	_ =	swait.ge [sflag:s14], $0xF0  }
0x189: {  	[sflag:s14] =	ssyncset.done $0x0  }
0x18a: {  	s25 =	simm.s32 $0x0;
	[sflag:s14] =	ssyncadd.s32 $0xFFFFFF10  }
0x18b: {  	[tilespmem:s24], [sflag:$0x5] =	stream.indirect.gather [hbm4b:s0+s5], $0x80, s12, s5, $0xb8;
	[tilespmem:$0x1CD80] =	vst v63  }
.LBB2_9:
0x18c: {  	_ =	swait.ge [sflag:s15], $0x2800  }
0x18d: {  	[sflag:s15] =	ssyncset.done $0x0  }
0x18e: {  	[sflag:s15] =	ssyncadd.s32 $0xFFFFD800  }
0x18f: {  	_ =	swait.ge [sflag:s16], $0xF0  }
0x190: {  	[sflag:s16] =	ssyncset.done $0x0  }
0x191: {  	[sflag:s16] =	ssyncadd.s32 $0xFFFFFF10  }
0x192: {  	[tilespmem:s17], [sflag:$0x6] =	stream.indirect.gather [hbm4b:s0+s5], $0x80, s13, s5, $0xb8;
	[tilespmem:$0x1CD80] =	vst v63  }
0x193: {  	v1 =	vld [tilespmem:$0x5000];
	_ =	sdelay $0x1  }
0x194: {  	v2 =	vld [tilespmem:$0x5050];
	_ =	sdelay $0x4  }
0x195: {  	v3 =	vld [tilespmem:$0x50A0]  }
0x196: {  	v1 =	vld.idx.msk [tilespmem:v1+s11+$0x0], $0xffff  }
0x197: {  	v5 =	vld [tilespmem:$0x5010]  }
0x198: {  	v4 =	vld.idx.msk [tilespmem:v2+s11+$0x0], $0xffff;
	_ =	sdelay $0x2  }
0x199: {  	v1 =	vmul.f32 v1, v3;
	v3 =	vld [tilespmem:$0x5060];
	_ =	sdelay $0x1  }
0x19a: {  	v1 =	vmul.f32 v4, v1  }
0x19b: {  	[tilespmem:$0x5C00] =	vst v2  }
0x19c: {  	[tilespmem:$0x5D80] =	vst v1;
	v1 =	vld [tilespmem:$0x50B0]  }
0x19d: {  	v2 =	vld.idx.msk [tilespmem:v5+s11+$0x0], $0xffff;
	_ =	sdelay $0x1  }
0x19e: {  	v5 =	vld [tilespmem:$0x5020]  }
0x19f: {  	v4 =	vld.idx.msk [tilespmem:v3+s11+$0x0], $0xffff;
	_ =	sdelay $0x1  }
0x1a0: {  	v1 =	vmul.f32 v2, v1;
	v2 =	vld [tilespmem:$0x5070];
	_ =	sdelay $0x2  }
0x1a1: {  	v1 =	vmul.f32 v4, v1  }
0x1a2: {  	[tilespmem:$0x5C10] =	vst v3  }
0x1a3: {  	[tilespmem:$0x5D90] =	vst v1;
	v1 =	vld [tilespmem:$0x50C0]  }
0x1a4: {  	v3 =	vld.idx.msk [tilespmem:v5+s11+$0x0], $0xffff  }
0x1a5: {  	v5 =	vld [tilespmem:$0x5030]  }
0x1a6: {  	v4 =	vld.idx.msk [tilespmem:v2+s11+$0x0], $0xffff;
	_ =	sdelay $0x2  }
0x1a7: {  	v1 =	vmul.f32 v3, v1;
	v3 =	vld [tilespmem:$0x5080];
	_ =	sdelay $0x1  }
0x1a8: {  	v1 =	vmul.f32 v4, v1  }
0x1a9: {  	[tilespmem:$0x5C20] =	vst v2  }
0x1aa: {  	[tilespmem:$0x5DA0] =	vst v1;
	v1 =	vld [tilespmem:$0x50D0]  }
0x1ab: {  	v2 =	vld.idx.msk [tilespmem:v5+s11+$0x0], $0xffff;
	_ =	sdelay $0x1  }
0x1ac: {  	v5 =	vld [tilespmem:$0x5040]  }
0x1ad: {  	v4 =	vld.idx.msk [tilespmem:v3+s11+$0x0], $0xffff;
	_ =	sdelay $0x1  }
0x1ae: {  	v1 =	vmul.f32 v2, v1;
	v2 =	vld [tilespmem:$0x5090];
	_ =	sdelay $0x2  }
0x1af: {  	v1 =	vmul.f32 v4, v1  }
0x1b0: {  	[tilespmem:$0x5C30] =	vst v3  }
0x1b1: {  	[tilespmem:$0x5DB0] =	vst v1;
	v1 =	vld [tilespmem:$0x50E0]  }
0x1b2: {  	v3 =	vld.idx.msk [tilespmem:v5+s11+$0x0], $0xffff;
	_ =	sdelay $0x1  }
0x1b3: {  	v4 =	vld.idx.msk [tilespmem:v2+s11+$0x0], $0xffff;
	_ =	sdelay $0x2  }
0x1b4: {  	v1 =	vmul.f32 v3, v1;
	_ =	sdelay $0x1  }
0x1b5: {  	v1 =	vmul.f32 v4, v1;
	_ =	sdelay $0x1  }
0x1b6: {  	[tilespmem:$0x5DC0] =	vst v1;
	v1 =	vmov s24  }
0x1b7: {  	s9 =	simm.s32 $0x40;
	[tilespmem:$0x5C40] =	vst v2  }
0x1b8: {  	v5 =	vld [tilespmem:s9+$0x30]  }
0x1b9: {  	v8 =	vld [tilespmem:s9+$0x10]  }
0x1ba: {  	v6 =	vld [tilespmem:s9+$0xFFFFFFC0]  }
0x1bb: {  	v2 =	vld.idx.msk [tilespmem:v1+s18+$0x0], $0xffff  }
0x1bc: {  	v10 =	vld [tilespmem:s9+$0xFFFFFFE0]  }
0x1bd: {  	v3 =	vld [tilespmem:s9+$0x20]  }
0x1be: {  	v4 =	vld [tilespmem:s9+$0xFFFFFFD0]  }
0x1bf: {  	v1 =	vld [tilespmem:s9+$0xFFFFFFF0]  }
0x1c0: {  	v9 =	vmul.f32 v5, v2;
	v5 =	vld [tilespmem:s9+$0x0]  }
0x1c1: {  	v7 =	vmul.f32 v6, v2  }
0x1c2: {  	s28 =	simm.s32 $0x1;
	s8 =	simm.s32 $0x40;
	v6 =	vmul.f32 v10, v2;
	v8 =	vmul.f32 v8, v2  }
.LBB2_10:
0x1c3: {  	p1 =	sne.s32 s28, $0x4F  }
0x1c4: {  	v4 =	vmul.f32 v4, v2;
	v3 =	vmul.f32 v3, v2;
	[tilespmem:s9+$0x30] =	vst v9;
	s8 =	sadd.s32 $0x80, s8;
	s23 =	smov.u32 s28;
	s28 =	sadd.s32 $0x1, s28  }
0x1c5: {  	[tilespmem:s9+$0xFFFFFFC0] =	vst v7;
	v7 =	vmul.f32 v1, v2;
	v2 =	vmul.f32 v5, v2  }
0x1c6: {  	[tilespmem:s9+$0x10] =	vst v8  }
0x1c7: {  	v5 =	vmov s23;
	[tilespmem:s9+$0xFFFFFFE0] =	vst v6  }
0x1c8: {  	v1 =	vld [tilespmem:s8+$0xFFFFFFF0];
	[tilespmem:s9+$0xFFFFFFF0] =	vst v7  }
0x1c9: {  	v6 =	vld [tilespmem:s8+$0x30];
	[tilespmem:s9+$0x0] =	vst v2  }
0x1ca: {  	v8 =	vld [tilespmem:s8+$0x10];
	[tilespmem:s9+$0x20] =	vst v3  }
0x1cb: {  	v7 =	vld [tilespmem:s8+$0xFFFFFFC0];
	[tilespmem:s9+$0xFFFFFFD0] =	vst v4;
	s9 =	smov.u32 s8  }
0x1cc: {  	v2 =	vld.idx.msk [tilespmem:v5+s18+$0x0], $0xffff  }
0x1cd: {  	v10 =	vld [tilespmem:s8+$0xFFFFFFE0]  }
0x1ce: {  	v3 =	vld [tilespmem:s8+$0x20]  }
.Ltmp4:
0x1cf: {  	v4 =	vld [tilespmem:s8+$0xFFFFFFD0];
	(pc) =	sbr.rel @p1 .LBB2_10-.Ltmp4, $3  }
0x1d0: {  	v5 =	vld [tilespmem:s8+$0x0];
	_ =	sdelay $0x1  }
0x1d1: {  	v7 =	vmul.f32 v7, v2;
	v9 =	vmul.f32 v6, v2  }
0x1d2: {  	v8 =	vmul.f32 v8, v2;
	v6 =	vmul.f32 v10, v2  }
0x1d3: {  	[tilespmem:s9+$0x30] =	vst v9  }
0x1d4: {  	[tilespmem:s9+$0xFFFFFFC0] =	vst v7  }
0x1d5: {  	v1 =	vmul.f32 v1, v2;
	[tilespmem:s9+$0x10] =	vst v8  }
0x1d6: {  	v3 =	vmul.f32 v3, v2;
	[tilespmem:s9+$0xFFFFFFE0] =	vst v6  }
0x1d7: {  	v5 =	vmul.f32 v5, v2;
	[tilespmem:s9+$0xFFFFFFF0] =	vst v1  }
0x1d8: {  	s28 =	sshll.u32 s25, $0x1;
	v1 =	vmul.f32 v4, v2;
	[tilespmem:s9+$0x20] =	vst v3  }
0x1d9: {  	s8 =	sadd.s32 s22, s28;
	[tilespmem:s9+$0x0] =	vst v5  }
0x1da: {  	s31 =	simm.s32 $0x0;
	s8 =	smul.u32 $0xF0, s8;
	[tilespmem:s9+$0xFFFFFFD0] =	vst v1  }
0x1db: {  	[spmem:s3] =	stream.indirect.scatter.add.f32 [tilespmem:s31], [sflag:$0x7], $0x80, s30, s5, $0xb8;
	[tilespmem:$0x1CD80] =	vst v63  }
0x1dc: {  	s8 =	sshrl.u32 s8, $0x3;
	_ =	swait.ge [sflag:s29], $0x2800  }
0x1dd: {  	s8 =	sadd.s32 s1, s8;
	[sflag:s29] =	ssyncset.done $0x0  }
0x1de: {  	s8 =	sadd.s32 $0x3C, s8;
	[sflag:s29] =	ssyncadd.s32 $0xFFFFD800  }
0x1df: {  	[tilespmem:s12], [sflag:$0x1] =	stream.linear.gather [hbm4b:s8+s31], $0xF0, $0x38;
	[tilespmem:$0x1CD80] =	vst v63  }
0x1e0: {  	_ =	swait.ge [sflag:s20], $0x2800  }
0x1e1: {  	[sflag:s20] =	ssyncset.done $0x0  }
0x1e2: {  	[sflag:s20] =	ssyncadd.s32 $0xFFFFD800  }
0x1e3: {  	_ =	swait.ge [sflag:s14], $0xF0  }
0x1e4: {  	[sflag:s14] =	ssyncset.done $0x0  }
0x1e5: {  	[sflag:s14] =	ssyncadd.s32 $0xFFFFFF10  }
0x1e6: {  	[tilespmem:s31], [sflag:$0x5] =	stream.indirect.gather [hbm4b:s0+s5], $0x80, s12, s5, $0xb8;
	[tilespmem:$0x1CD80] =	vst v63  }
0x1e7: {  	v1 =	vld [tilespmem:$0x5100];
	_ =	sdelay $0x1  }
0x1e8: {  	v2 =	vld [tilespmem:$0x5150];
	_ =	sdelay $0x4  }
0x1e9: {  	v3 =	vld [tilespmem:$0x51A0]  }
0x1ea: {  	v1 =	vld.idx.msk [tilespmem:v1+s11+$0x0], $0xffff  }
0x1eb: {  	v5 =	vld [tilespmem:$0x5110]  }
0x1ec: {  	v4 =	vld.idx.msk [tilespmem:v2+s11+$0x0], $0xffff;
	_ =	sdelay $0x2  }
0x1ed: {  	v1 =	vmul.f32 v1, v3;
	v3 =	vld [tilespmem:$0x5160];
	_ =	sdelay $0x1  }
0x1ee: {  	v1 =	vmul.f32 v4, v1  }
0x1ef: {  	[tilespmem:$0x5C80] =	vst v2  }
0x1f0: {  	[tilespmem:$0x5D80] =	vst v1;
	v1 =	vld [tilespmem:$0x51B0]  }
0x1f1: {  	v2 =	vld.idx.msk [tilespmem:v5+s11+$0x0], $0xffff;
	_ =	sdelay $0x1  }
0x1f2: {  	v5 =	vld [tilespmem:$0x5120]  }
0x1f3: {  	v4 =	vld.idx.msk [tilespmem:v3+s11+$0x0], $0xffff;
	_ =	sdelay $0x1  }
0x1f4: {  	v1 =	vmul.f32 v2, v1;
	v2 =	vld [tilespmem:$0x5170];
	_ =	sdelay $0x2  }
0x1f5: {  	v1 =	vmul.f32 v4, v1  }
0x1f6: {  	[tilespmem:$0x5C90] =	vst v3  }
0x1f7: {  	[tilespmem:$0x5D90] =	vst v1;
	v1 =	vld [tilespmem:$0x51C0]  }
0x1f8: {  	v3 =	vld.idx.msk [tilespmem:v5+s11+$0x0], $0xffff  }
0x1f9: {  	v5 =	vld [tilespmem:$0x5130]  }
0x1fa: {  	v4 =	vld.idx.msk [tilespmem:v2+s11+$0x0], $0xffff;
	_ =	sdelay $0x2  }
0x1fb: {  	v1 =	vmul.f32 v3, v1;
	v3 =	vld [tilespmem:$0x5180];
	_ =	sdelay $0x1  }
0x1fc: {  	v1 =	vmul.f32 v4, v1  }
0x1fd: {  	[tilespmem:$0x5CA0] =	vst v2  }
0x1fe: {  	[tilespmem:$0x5DA0] =	vst v1;
	v1 =	vld [tilespmem:$0x51D0]  }
0x1ff: {  	v2 =	vld.idx.msk [tilespmem:v5+s11+$0x0], $0xffff;
	_ =	sdelay $0x1  }
0x200: {  	v5 =	vld [tilespmem:$0x5140]  }
0x201: {  	v4 =	vld.idx.msk [tilespmem:v3+s11+$0x0], $0xffff;
	_ =	sdelay $0x1  }
0x202: {  	v1 =	vmul.f32 v2, v1;
	v2 =	vld [tilespmem:$0x5190];
	_ =	sdelay $0x2  }
0x203: {  	v1 =	vmul.f32 v4, v1  }
0x204: {  	[tilespmem:$0x5CB0] =	vst v3  }
0x205: {  	[tilespmem:$0x5DB0] =	vst v1;
	v1 =	vld [tilespmem:$0x51E0]  }
0x206: {  	v3 =	vld.idx.msk [tilespmem:v5+s11+$0x0], $0xffff;
	_ =	sdelay $0x1  }
0x207: {  	v4 =	vld.idx.msk [tilespmem:v2+s11+$0x0], $0xffff;
	_ =	sdelay $0x2  }
0x208: {  	v1 =	vmul.f32 v3, v1;
	_ =	sdelay $0x1  }
0x209: {  	v1 =	vmul.f32 v4, v1;
	_ =	sdelay $0x1  }
0x20a: {  	[tilespmem:$0x5DC0] =	vst v1;
	v1 =	vmov s31  }
0x20b: {  	s9 =	simm.s32 $0x2840;
	[tilespmem:$0x5CC0] =	vst v2  }
0x20c: {  	v5 =	vld [tilespmem:s9+$0x30]  }
0x20d: {  	v8 =	vld [tilespmem:s9+$0x10]  }
0x20e: {  	v6 =	vld [tilespmem:s9+$0xFFFFFFC0]  }
0x20f: {  	v2 =	vld.idx.msk [tilespmem:v1+s18+$0x0], $0xffff  }
0x210: {  	v10 =	vld [tilespmem:s9+$0xFFFFFFE0]  }
0x211: {  	v3 =	vld [tilespmem:s9+$0x20]  }
0x212: {  	v4 =	vld [tilespmem:s9+$0xFFFFFFD0]  }
0x213: {  	v1 =	vld [tilespmem:s9+$0xFFFFFFF0]  }
0x214: {  	v9 =	vmul.f32 v5, v2;
	v5 =	vld [tilespmem:s9+$0x0]  }
0x215: {  	v7 =	vmul.f32 v6, v2  }
0x216: {  	s23 =	simm.s32 $0x2840;
	s8 =	simm.s32 $0x1;
	v6 =	vmul.f32 v10, v2;
	v8 =	vmul.f32 v8, v2  }
.LBB2_12:
0x217: {  	p1 =	sne.s32 s8, $0x4F  }
0x218: {  	v4 =	vmul.f32 v4, v2;
	v3 =	vmul.f32 v3, v2;
	[tilespmem:s9+$0x30] =	vst v9;
	s23 =	sadd.s32 $0x80, s23;
	s31 =	smov.u32 s8;
	s8 =	sadd.s32 $0x1, s8  }
0x219: {  	[tilespmem:s9+$0xFFFFFFC0] =	vst v7;
	v7 =	vmul.f32 v1, v2;
	v2 =	vmul.f32 v5, v2  }
0x21a: {  	[tilespmem:s9+$0x10] =	vst v8  }
0x21b: {  	v5 =	vmov s31;
	[tilespmem:s9+$0xFFFFFFE0] =	vst v6  }
0x21c: {  	v1 =	vld [tilespmem:s23+$0xFFFFFFF0];
	[tilespmem:s9+$0xFFFFFFF0] =	vst v7  }
0x21d: {  	v6 =	vld [tilespmem:s23+$0x30];
	[tilespmem:s9+$0x0] =	vst v2  }
0x21e: {  	v8 =	vld [tilespmem:s23+$0x10];
	[tilespmem:s9+$0x20] =	vst v3  }
0x21f: {  	v7 =	vld [tilespmem:s23+$0xFFFFFFC0];
	[tilespmem:s9+$0xFFFFFFD0] =	vst v4;
	s9 =	smov.u32 s23  }
0x220: {  	v2 =	vld.idx.msk [tilespmem:v5+s18+$0x0], $0xffff  }
0x221: {  	v10 =	vld [tilespmem:s23+$0xFFFFFFE0]  }
0x222: {  	v3 =	vld [tilespmem:s23+$0x20]  }
.Ltmp5:
0x223: {  	v4 =	vld [tilespmem:s23+$0xFFFFFFD0];
	(pc) =	sbr.rel @p1 .LBB2_12-.Ltmp5, $3  }
0x224: {  	v5 =	vld [tilespmem:s23+$0x0];
	_ =	sdelay $0x1  }
0x225: {  	v7 =	vmul.f32 v7, v2;
	v9 =	vmul.f32 v6, v2  }
0x226: {  	v8 =	vmul.f32 v8, v2;
	v6 =	vmul.f32 v10, v2  }
0x227: {  	[tilespmem:s9+$0x30] =	vst v9  }
0x228: {  	[tilespmem:s9+$0xFFFFFFC0] =	vst v7  }
0x229: {  	v1 =	vmul.f32 v1, v2;
	[tilespmem:s9+$0x10] =	vst v8  }
0x22a: {  	v3 =	vmul.f32 v3, v2;
	[tilespmem:s9+$0xFFFFFFE0] =	vst v6  }
0x22b: {  	v5 =	vmul.f32 v5, v2;
	[tilespmem:s9+$0xFFFFFFF0] =	vst v1  }
0x22c: {  	v1 =	vmul.f32 v4, v2;
	[tilespmem:s9+$0x20] =	vst v3  }
0x22d: {  	p1 =	seq.s32 s25, $0x3D;
	[tilespmem:s9+$0x0] =	vst v5  }
.Ltmp6:
0x22e: {  	[tilespmem:s9+$0xFFFFFFD0] =	vst v1;
	(pc) =	sbr.rel @p1 .LBB2_15-.Ltmp6, $4  }
0x22f: {  	[spmem:s3] =	stream.indirect.scatter.add.f32 [tilespmem:s17], [sflag:$0x7], $0x80, s21, s5, $0xb8;
	[tilespmem:$0x1CD80] =	vst v63  }
0x230: {  	_ =	swait.ge [sflag:s29], $0x2800  }
0x231: {  	[sflag:s29] =	ssyncset.done $0x0  }
0x232: {  	[sflag:s29] =	ssyncadd.s32 $0xFFFFD800  }
0x233: {  	s8 =	sadd.s32 s28, s26  }
0x234: {  	s8 =	smul.u32 $0xF0, s8  }
.Ltmp7:
0x235: {  	_ = 	snop;
	(pc) =	sbr.rel .LBB2_9-.Ltmp7, $4  }
0x236: {  	s8 =	sshrl.u32 s8, $0x3  }
0x237: {  	s8 =	sadd.s32 s1, s8  }
0x238: {  	s25 =	sadd.s32 $0x1, s25;
	s8 =	sadd.s32 $0x3C, s8  }
0x239: {  	[tilespmem:s13], [sflag:$0x2] =	stream.linear.gather [hbm4b:s8+s7], $0xF0, $0x38;
	[tilespmem:$0x1CD80] =	vst v63  }
.LBB2_15:
0x23a: {  	_ =	swait.ge [sflag:s15], $0x2800  }
0x23b: {  	[sflag:s15] =	ssyncset.done $0x0  }
0x23c: {  	[sflag:s15] =	ssyncadd.s32 $0xFFFFD800  }
0x23d: {  	v1 =	vld [tilespmem:$0x5000];
	_ =	sdelay $0x1  }
0x23e: {  	v2 =	vld [tilespmem:$0x5050];
	_ =	sdelay $0x4  }
0x23f: {  	v3 =	vld [tilespmem:$0x50A0]  }
0x240: {  	v1 =	vld.idx.msk [tilespmem:v1+s11+$0x0], $0xffff  }
0x241: {  	v5 =	vld [tilespmem:$0x5010]  }
0x242: {  	v4 =	vld.idx.msk [tilespmem:v2+s11+$0x0], $0xffff;
	_ =	sdelay $0x2  }
0x243: {  	v1 =	vmul.f32 v1, v3;
	v3 =	vld [tilespmem:$0x5060];
	_ =	sdelay $0x1  }
0x244: {  	v1 =	vmul.f32 v4, v1  }
0x245: {  	[tilespmem:$0x5C00] =	vst v2  }
0x246: {  	[tilespmem:$0x5D80] =	vst v1;
	v1 =	vld [tilespmem:$0x50B0]  }
0x247: {  	v2 =	vld.idx.msk [tilespmem:v5+s11+$0x0], $0xffff;
	_ =	sdelay $0x1  }
0x248: {  	v5 =	vld [tilespmem:$0x5020]  }
0x249: {  	v4 =	vld.idx.msk [tilespmem:v3+s11+$0x0], $0xffff;
	_ =	sdelay $0x1  }
0x24a: {  	v1 =	vmul.f32 v2, v1;
	v2 =	vld [tilespmem:$0x5070];
	_ =	sdelay $0x2  }
0x24b: {  	v1 =	vmul.f32 v4, v1  }
0x24c: {  	[tilespmem:$0x5C10] =	vst v3  }
0x24d: {  	[tilespmem:$0x5D90] =	vst v1;
	v1 =	vld [tilespmem:$0x50C0]  }
0x24e: {  	v3 =	vld.idx.msk [tilespmem:v5+s11+$0x0], $0xffff  }
0x24f: {  	v5 =	vld [tilespmem:$0x5030]  }
0x250: {  	v4 =	vld.idx.msk [tilespmem:v2+s11+$0x0], $0xffff;
	_ =	sdelay $0x2  }
0x251: {  	v1 =	vmul.f32 v3, v1;
	v3 =	vld [tilespmem:$0x5080];
	_ =	sdelay $0x1  }
0x252: {  	v1 =	vmul.f32 v4, v1  }
0x253: {  	[tilespmem:$0x5C20] =	vst v2  }
0x254: {  	[tilespmem:$0x5DA0] =	vst v1;
	v1 =	vld [tilespmem:$0x50D0]  }
0x255: {  	v2 =	vld.idx.msk [tilespmem:v5+s11+$0x0], $0xffff;
	_ =	sdelay $0x1  }
0x256: {  	v5 =	vld [tilespmem:$0x5040]  }
0x257: {  	v4 =	vld.idx.msk [tilespmem:v3+s11+$0x0], $0xffff;
	_ =	sdelay $0x1  }
0x258: {  	v1 =	vmul.f32 v2, v1;
	v2 =	vld [tilespmem:$0x5090];
	_ =	sdelay $0x2  }
0x259: {  	v1 =	vmul.f32 v4, v1  }
0x25a: {  	[tilespmem:$0x5C30] =	vst v3  }
0x25b: {  	[tilespmem:$0x5DB0] =	vst v1;
	v1 =	vld [tilespmem:$0x50E0]  }
0x25c: {  	v3 =	vld.idx.msk [tilespmem:v5+s11+$0x0], $0xffff;
	_ =	sdelay $0x1  }
0x25d: {  	v4 =	vld.idx.msk [tilespmem:v2+s11+$0x0], $0xffff;
	_ =	sdelay $0x2  }
0x25e: {  	v1 =	vmul.f32 v3, v1;
	_ =	sdelay $0x1  }
0x25f: {  	v1 =	vmul.f32 v4, v1  }
0x260: {  	s8 =	simm.s32 $0x0  }
0x261: {  	[tilespmem:$0x5DC0] =	vst v1;
	v1 =	vmov s8  }
0x262: {  	s9 =	simm.s32 $0x40;
	[tilespmem:$0x5C40] =	vst v2  }
0x263: {  	v5 =	vld [tilespmem:s9+$0x30]  }
0x264: {  	v8 =	vld [tilespmem:s9+$0x10]  }
0x265: {  	v6 =	vld [tilespmem:s9+$0xFFFFFFC0]  }
0x266: {  	v2 =	vld.idx.msk [tilespmem:v1+s18+$0x0], $0xffff  }
0x267: {  	v10 =	vld [tilespmem:s9+$0xFFFFFFE0]  }
0x268: {  	v3 =	vld [tilespmem:s9+$0x20]  }
0x269: {  	v4 =	vld [tilespmem:s9+$0xFFFFFFD0]  }
0x26a: {  	v1 =	vld [tilespmem:s9+$0xFFFFFFF0]  }
0x26b: {  	v9 =	vmul.f32 v5, v2;
	v5 =	vld [tilespmem:s9+$0x0]  }
0x26c: {  	v7 =	vmul.f32 v6, v2  }
0x26d: {  	s23 =	simm.s32 $0x40;
	s8 =	simm.s32 $0x1;
	v6 =	vmul.f32 v10, v2;
	v8 =	vmul.f32 v8, v2  }
.LBB2_16:
0x26e: {  	p1 =	sne.s32 s8, $0x4F  }
0x26f: {  	v4 =	vmul.f32 v4, v2;
	v3 =	vmul.f32 v3, v2;
	[tilespmem:s9+$0x30] =	vst v9;
	s23 =	sadd.s32 $0x80, s23;
	s24 =	smov.u32 s8;
	s8 =	sadd.s32 $0x1, s8  }
0x270: {  	[tilespmem:s9+$0xFFFFFFC0] =	vst v7;
	v7 =	vmul.f32 v1, v2;
	v2 =	vmul.f32 v5, v2  }
0x271: {  	[tilespmem:s9+$0x10] =	vst v8  }
0x272: {  	v5 =	vmov s24;
	[tilespmem:s9+$0xFFFFFFE0] =	vst v6  }
0x273: {  	v1 =	vld [tilespmem:s23+$0xFFFFFFF0];
	[tilespmem:s9+$0xFFFFFFF0] =	vst v7  }
0x274: {  	v6 =	vld [tilespmem:s23+$0x30];
	[tilespmem:s9+$0x0] =	vst v2  }
0x275: {  	v8 =	vld [tilespmem:s23+$0x10];
	[tilespmem:s9+$0x20] =	vst v3  }
0x276: {  	v7 =	vld [tilespmem:s23+$0xFFFFFFC0];
	[tilespmem:s9+$0xFFFFFFD0] =	vst v4;
	s9 =	smov.u32 s23  }
0x277: {  	v2 =	vld.idx.msk [tilespmem:v5+s18+$0x0], $0xffff  }
0x278: {  	v10 =	vld [tilespmem:s23+$0xFFFFFFE0]  }
0x279: {  	v3 =	vld [tilespmem:s23+$0x20]  }
.Ltmp8:
0x27a: {  	v4 =	vld [tilespmem:s23+$0xFFFFFFD0];
	(pc) =	sbr.rel @p1 .LBB2_16-.Ltmp8, $3  }
0x27b: {  	v5 =	vld [tilespmem:s23+$0x0];
	_ =	sdelay $0x1  }
0x27c: {  	v7 =	vmul.f32 v7, v2;
	v9 =	vmul.f32 v6, v2  }
0x27d: {  	v8 =	vmul.f32 v8, v2;
	v6 =	vmul.f32 v10, v2  }
0x27e: {  	[tilespmem:s9+$0x30] =	vst v9  }
0x27f: {  	[tilespmem:s9+$0xFFFFFFC0] =	vst v7  }
0x280: {  	v1 =	vmul.f32 v1, v2;
	[tilespmem:s9+$0x10] =	vst v8  }
0x281: {  	v3 =	vmul.f32 v3, v2;
	[tilespmem:s9+$0xFFFFFFE0] =	vst v6  }
0x282: {  	v5 =	vmul.f32 v5, v2;
	[tilespmem:s9+$0xFFFFFFF0] =	vst v1  }
0x283: {  	v1 =	vmul.f32 v4, v2;
	[tilespmem:s9+$0x20] =	vst v3  }
0x284: {  	[tilespmem:s9+$0x0] =	vst v5  }
0x285: {  	[tilespmem:s9+$0xFFFFFFD0] =	vst v1  }
0x286: {  	[spmem:s3] =	stream.indirect.scatter.add.f32 [tilespmem:s7], [sflag:$0x7], $0x80, s30, s5, $0xb8;
	[tilespmem:$0x1CD80] =	vst v63  }
0x287: {  	_ =	swait.ge [sflag:s29], $0x2800  }
0x288: {  	[sflag:s29] =	ssyncset.done $0x0  }
0x289: {  	[sflag:s29] =	ssyncadd.s32 $0xFFFFD800  }
0x28a: {  	s8 =	stileid.u32;
	[bflag:$0x0] =	sbarrier.arrive $0xFFFF  }
0x28b: {  	s8 =	sshll.u32 s8, $0x6;
	s23 =	rddreg [dreg:$0x8]  }
0x28c: {  	s8 =	sor.u32 $0x1C07, s8;
	s24 =	rddreg [dreg:$0x11];
	s31 =	sshrl.u32 s23, $0x3  }
0x28d: {  	[hbm:s24], [sflag:s8] =	dma.local [spmem:s31], $0x2800  }
0x28e: {  	_ =	swait.ge [sflag:s29], $0x2800  }
0x28f: {  	s25 =	rddreg [dreg:$0x18]  }
0x290: {  	s31 =	rddreg [dreg:$0x17];
	s9 =	sadd.s32 $0x1, s25  }
0x291: {  	p1 =	sne.s32 s9, s31  }
.Ltmp9:
0x292: {  	_ = 	snop;
	(pc) =	sbr.rel @p1 .LBB2_1-.Ltmp9, $3  }
0x293: {  	_ =	sdelay $0x1  }
0x294: {  	[sflag:s29] =	ssyncset.done $0x0  }
0x295: {  	s28 =	simm.s32 $0x5E00;
	[sflag:s29] =	ssyncadd.s32 $0xFFFFD800;
	s25 =	rddreg [dreg:$0x9]  }
0x296: {  	_ =	sfence.sel $0x180000  }
0x297: {  	[bflag:$0x0] =	sbarrier.arrive $0xFFFF  }
0x298: {  	_ =	strace $0x90000047  }
0x299: {  	s0 =	stileid.u32;
	[bflag:$0x2] =	sbarrier.arrive $0xFFFF  }
0x29a: {  	p0 =	sne.s32 s0, $0x0;
	s0 =	rddreg [dreg:$0x7]  }
0x29b: {  	s0 =	sadd.s32 @!p0 $0x100000, s0  }
0x29c: {  	[sflag:s0] =	ssyncadd.tile.s32 @!p0 $0x1;
	_ =	shalt  }
.Lfunc_end2:
_tile_overlayer_lowered:
.L_overlay_start_2:
0x29d: {  	(tag) =	ssettag $0x2  }
0x29e: {  	s0 =	rddreg [dreg:$0x0];
	s2 =	stileid.u32  }
0x29f: {  	s1 =	rddreg [dreg:$0x1];
	p0 =	sne.s32 s2, $0x0  }
0x2a0: {  	s3 =	rddreg [dreg:$0x2];
	[bflag:$0x3] =	sbarrier.arrive $0xFFFF;
	s2 =	simm.s32 @!p0 $0x1C07  }
0x2a1: {  	[timem:s3], [sflag:s2] =	dma.local @!p0 [hbm:s0], s1  }
0x2a2: {  	s0 =	simm.s32 @!p0 $0x7  }
0x2a3: {  	_ =	swait.ge @!p0 [sflag:s0], s1  }
0x2a4: {  	s1 =	ssub.s32 @!p0 $0x0, s1;
	[sflag:s0] =	ssyncset.done @!p0 $0x0  }
0x2a5: {  	[sflag:s0] =	ssyncadd.s32 @!p0 s1  }
0x2a6: {  	[bflag:$0x3] =	sbarrier.arrive $0xFFFF  }
0x2a7: {  	_ =	shalt  }

</sc_bundles>
